<compile_context>
chip_gen: v7x
topology: tpu7x:2x2x1
jax: 0.10.2.dev20260603
libtpu: 0.0.44.dev20260713+nightly
codegen_flags: <defaults>
</compile_context>

<pallas_src>
import functools

import jax
import jax.numpy as jnp
import numpy as np
from jax import lax
from jax.experimental import pallas as pl
from jax.experimental.pallas import tpu as pltpu
from jax.experimental.pallas import tpu_sc as plsc

_V = 100000
_D = 64
_B = 4096
_L = 50
_NCLS = 5

_NC = 2
_NS = 16
_NW = _NC * _NS
_BPW = _B // _NW
_RPW = _BPW * _L
_CHUNK = 256
_NCH = _RPW // _CHUNK


_NBUF = 5
_NIT = _NCH // _NBUF
_REG = _NS * _BPW


def _sc_body(toff, idx_hbm, tab_hbm, dmap_hbm, zeros_hbm,
             out_hbm, idx_v, dmap_v,
             *rest):
    rows = rest[:_NBUF]
    gsem = rest[_NBUF:2 * _NBUF]
    ssem = rest[2 * _NBUF:3 * _NBUF]
    acc_sh = rest[3 * _NBUF]
    dsem = rest[3 * _NBUF + 1]

    s = lax.axis_index("s")
    c = lax.axis_index("c")
    wid = s * _NC + c
    row0 = wid * _RPW
    b0 = wid * _BPW
    a0 = s * _BPW
    acc_w = acc_sh.at[pl.ds(a0, _BPW)]

    pltpu.sync_copy(dmap_hbm, dmap_v)
    pltpu.sync_copy(idx_hbm.at[pl.ds(toff + row0, _RPW)], idx_v)
    pltpu.sync_copy(zeros_hbm, acc_w)

    def _gather(ch, slot):
        return pltpu.make_async_copy(
            tab_hbm.at[idx_v.at[pl.ds(ch * _CHUNK, _CHUNK)]],
            rows[slot], gsem[slot])

    def _scatter(ch, slot):
        return pltpu.make_async_copy(
            rows[slot], acc_w.at[dmap_v.at[ch]], ssem[slot])

    for b in range(_NBUF - 1):
        _gather(b, b).start()

    def _it(it, _):
        for b in range(_NBUF):
            g = it * _NBUF + b
            slot_n = (b - 1) % _NBUF
            if b == 0:
                @pl.when(it > 0)
                def _():
                    _scatter(g - 1, slot_n).wait()
            else:
                _scatter(g - 1, slot_n).wait()
            if b == 0:
                _gather(g + _NBUF - 1, slot_n).start()
            else:
                @pl.when(it < _NIT - 1)
                def _():
                    _gather(g + _NBUF - 1, slot_n).start()
            _gather(g, b).wait()
            _scatter(g, b).start(add=True)
        return 0
    lax.fori_loop(0, _NIT, _it, 0)
    _scatter(_NCH - 1, (_NCH - 1) % _NBUF).wait()

    drain = pltpu.make_async_copy(
        acc_w, out_hbm.at[pl.ds(b0, _BPW)], dsem)
    drain.start()
    drain.wait()


def _make_sc(toff):
    return pl.kernel(
        functools.partial(_sc_body, toff),
        mesh=plsc.VectorSubcoreMesh(core_axis_name="c", subcore_axis_name="s"),
        compiler_params=pltpu.CompilerParams(use_tc_tiling_on_sc=False),
        out_type=jax.ShapeDtypeStruct((_B, _D), jnp.float32),
        scratch_types=(
            [pltpu.VMEM((_RPW,), jnp.int32),
             pltpu.VMEM((_NCH, _CHUNK), jnp.int32)]
            + [pltpu.VMEM((_CHUNK, _D), jnp.float32)] * _NBUF
            + [pltpu.SemaphoreType.DMA] * (2 * _NBUF)
            + [pltpu.VMEM_SHARED((_REG, _D), jnp.float32)]
            + [pltpu.SemaphoreType.DMA]
        ),
    )


_sc_bow = _make_sc(0)
_sc_ng = _make_sc(_B * _L)


_BLK = 4096


def _mlp_body(xb_ref, xn_ref, w1a_ref, w1b_ref, b1_ref, w2_ref, b2_ref, o_ref):
    inv_l = jnp.float32(1.0 / _L)
    xb = xb_ref[...] * inv_l
    xn = xn_ref[...] * inv_l
    h = (jnp.dot(xb, w1a_ref[...], preferred_element_type=jnp.float32)
         + jnp.dot(xn, w1b_ref[...], preferred_element_type=jnp.float32)
         + b1_ref[...])
    h = jnp.maximum(h, 0.0)
    logits = (jnp.dot(h, w2_ref[...], preferred_element_type=jnp.float32)
              + b2_ref[...])
    m = jnp.max(logits, axis=1, keepdims=True)
    e = jnp.exp(logits - m)
    p = e / jnp.sum(e, axis=1, keepdims=True)
    o_ref[...] = p[:, :_NCLS]


def _mlp(xb, xn, w1a, w1b, b1, w2, b2):
    grid = (_B // _BLK,)
    return pl.pallas_call(
        _mlp_body,
        grid=grid,
        in_specs=[
            pl.BlockSpec((_BLK, _D), lambda i: (i, 0)),
            pl.BlockSpec((_BLK, _D), lambda i: (i, 0)),
            pl.BlockSpec((_D, 128), lambda i: (0, 0)),
            pl.BlockSpec((_D, 128), lambda i: (0, 0)),
            pl.BlockSpec((1, 128), lambda i: (0, 0)),
            pl.BlockSpec((128, 128), lambda i: (0, 0)),
            pl.BlockSpec((1, 128), lambda i: (0, 0)),
        ],
        out_specs=pl.BlockSpec((_BLK, _NCLS), lambda i: (i, 0)),
        out_shape=jax.ShapeDtypeStruct((_B, _NCLS), jnp.float32),
    )(xb, xn, w1a, w1b, b1, w2, b2)


_DMAP = (np.arange(_RPW, dtype=np.int32) // _L).reshape(_NCH, _CHUNK)
_ZEROS = np.zeros((_BPW, _D), np.float32)


def kernel(inputs, embed_bow, embed_n_gram, fc1_w, fc1_b, fc2_w, fc2_b):
    idx_all = inputs.reshape(-1).astype(jnp.int32)

    sum_bow = _sc_bow(idx_all, embed_bow, _DMAP, _ZEROS)
    sum_ng = _sc_ng(idx_all, embed_n_gram, _DMAP, _ZEROS)

    w1a = jnp.zeros((_D, 128), jnp.float32).at[:, :_D].set(fc1_w[:, :_D].T)
    w1b = jnp.zeros((_D, 128), jnp.float32).at[:, :_D].set(fc1_w[:, _D:].T)
    b1 = jnp.zeros((1, 128), jnp.float32).at[0, :_D].set(fc1_b)
    w2 = jnp.zeros((128, 128), jnp.float32).at[:_D, :_NCLS].set(fc2_w.T)
    b2 = jnp.full((1, 128), -1e30, jnp.float32).at[0, :_NCLS].set(fc2_b)

    return _mlp(sum_bow, sum_ng, w1a, w1b, b1, w2, b2)

# --- scband reference (transcript-rebuilt; emitter-appended) ---
"""Pipeline reference for scband-fast-text-85667417686514 (READ-ONLY COPY).

The authoritative reference and input builder live on the scoring server;
editing this copy changes nothing except your own understanding.
"""

import jax, jax.numpy as jnp
import numpy as np

V = 100000
D = 64
B = 4096
L = 50
NCLS = 5


def setup_inputs(seed: int = 0) -> dict:
    key = jax.random.key(seed)
    ks = jax.random.split(key, 7)
    inputs = jax.random.randint(ks[0], (2, B, L), 0, V, dtype=jnp.int64 if jax.config.jax_enable_x64 else jnp.int32)
    embed_bow = jax.random.normal(ks[1], (V, D), dtype=jnp.float32) * 0.02
    embed_n_gram = jax.random.normal(ks[2], (V, D), dtype=jnp.float32) * 0.02
    fc1_w = jax.random.normal(ks[3], (D, 2 * D), dtype=jnp.float32) * 0.02
    fc1_b = jnp.zeros((D,), dtype=jnp.float32)
    fc2_w = jax.random.normal(ks[4], (NCLS, D), dtype=jnp.float32) * 0.02
    fc2_b = jnp.zeros((NCLS,), dtype=jnp.float32)
    return {
        "inputs": inputs,
        "embed_bow": embed_bow,
        "embed_n_gram": embed_n_gram,
        "fc1_w": fc1_w,
        "fc1_b": fc1_b,
        "fc2_w": fc2_w,
        "fc2_b": fc2_b,
    }


def reference(inputs, embed_bow, embed_n_gram, fc1_w, fc1_b, fc2_w, fc2_b):
    # embedding lookups (SparseCore gather)
    e_bow = jnp.take(embed_bow, inputs[0], axis=0)        # [B, L, D]
    e_ng = jnp.take(embed_n_gram, inputs[1], axis=0)      # [B, L, D]
    out = jnp.concatenate((e_bow, e_ng), axis=-1)          # [B, L, 2D]
    out = jnp.mean(out, axis=1)                            # [B, 2D]
    # dropout is identity in eval mode
    out = out @ fc1_w.T + fc1_b                            # [B, D]
    out = jax.nn.relu(out)
    out = out @ fc2_w.T + fc2_b                            # [B, 5]
    out = jax.nn.softmax(out, axis=1)
    return out

if __name__ == "__main__":
    import jax
    _d = setup_inputs()
    print(jax.jit(kernel)(*tuple(_d.values())))

</pallas_src>

<mosaic_0001>
#map = affine_map<(d0, d1) -> (0)>
#map1 = affine_map<(d0, d1) -> (0, 0)>
module attributes {stable_mosaic.version = 14 : i64} {
  func.func @_sc_body(%arg0: i32, %arg1: i32, %arg2: memref<409600xi32, #tpu.memory_space<hbm>>, %arg3: memref<100000x64xf32, #tpu.memory_space<hbm>>, %arg4: memref<25x256xi32, #tpu.memory_space<hbm>>, %arg5: memref<128x64xf32, #tpu.memory_space<hbm>>, %arg6: memref<4096x64xf32, #tpu.memory_space<hbm>>, %arg7: memref<6400xi32, #tpu.memory_space<vmem>>, %arg8: memref<25x256xi32, #tpu.memory_space<vmem>>, %arg9: memref<256x64xf32, #tpu.memory_space<vmem>>, %arg10: memref<256x64xf32, #tpu.memory_space<vmem>>, %arg11: memref<256x64xf32, #tpu.memory_space<vmem>>, %arg12: memref<256x64xf32, #tpu.memory_space<vmem>>, %arg13: memref<256x64xf32, #tpu.memory_space<vmem>>, %arg14: memref<!tpu.dma_semaphore, #tpu.memory_space<semaphore_mem>>, %arg15: memref<!tpu.dma_semaphore, #tpu.memory_space<semaphore_mem>>, %arg16: memref<!tpu.dma_semaphore, #tpu.memory_space<semaphore_mem>>, %arg17: memref<!tpu.dma_semaphore, #tpu.memory_space<semaphore_mem>>, %arg18: memref<!tpu.dma_semaphore, #tpu.memory_space<semaphore_mem>>, %arg19: memref<!tpu.dma_semaphore, #tpu.memory_space<semaphore_mem>>, %arg20: memref<!tpu.dma_semaphore, #tpu.memory_space<semaphore_mem>>, %arg21: memref<!tpu.dma_semaphore, #tpu.memory_space<semaphore_mem>>, %arg22: memref<!tpu.dma_semaphore, #tpu.memory_space<semaphore_mem>>, %arg23: memref<!tpu.dma_semaphore, #tpu.memory_space<semaphore_mem>>, %arg24: memref<2048x64xf32, #tpu.memory_space<vmem_shared>>, %arg25: memref<!tpu.dma_semaphore, #tpu.memory_space<semaphore_mem>>) attributes {dimension_semantics = [#tpu.dimension_semantics<core_parallel>, #tpu.dimension_semantics<subcore_parallel>], iteration_bounds = array<i64: 2, 16>, scalar_prefetch = 0 : i64, scratch_operands = 19 : i64, tpu.core_type = #tpu.core_type<sc_vector_subcore>, window_params = [{transform_indices = #map}, {transform_indices = #map1}, {transform_indices = #map1}, {transform_indices = #map1}, {transform_indices = #map1}]} {
    %mul3A = arith.constant 2 : i32
    %mul3A_0 = arith.muli %arg1, %mul3A : i32
    %add3A = arith.addi %mul3A_0, %arg0 : i32
    %mul3A_1 = arith.constant 6400 : i32
    %mul3A_2 = arith.muli %add3A, %mul3A_1 : i32
    %mul3A_3 = arith.constant 128 : i32
    %mul3A_4 = arith.muli %add3A, %mul3A_3 : i32
    %mul3A_5 = arith.constant 128 : i32
    %mul3A_6 = arith.muli %arg1, %mul3A_5 : i32
    "tpu.region"() ({
      %run_scoped3A = tpu.sem_alloc : memref<!tpu.dma_semaphore, #tpu.memory_space<semaphore_mem>>
      tpu.enqueue_dma source(%arg4 : memref<25x256xi32, #tpu.memory_space<hbm>>) target(%arg8 : memref<25x256xi32, #tpu.memory_space<vmem>>) target_semaphore(%run_scoped3A : memref<!tpu.dma_semaphore, #tpu.memory_space<semaphore_mem>>)
      tpu.wait_dma2 semaphore(%run_scoped3A : memref<!tpu.dma_semaphore, #tpu.memory_space<semaphore_mem>>) src(%arg4 : memref<25x256xi32, #tpu.memory_space<hbm>>) dst(%arg8 : memref<25x256xi32, #tpu.memory_space<vmem>>)
      tpu.yield
    }) : () -> ()
    %add3A_7 = arith.constant 204800 : i32
    %add3A_8 = arith.addi %add3A_7, %mul3A_2 : i32
    "tpu.region"() ({
      %run_scoped3A = tpu.sem_alloc : memref<!tpu.dma_semaphore, #tpu.memory_space<semaphore_mem>>
      %dma_start3A_50 = tpu.memref_slice %arg2[%add3A_8] : memref<409600xi32, #tpu.memory_space<hbm>> -> memref<6400xi32, #tpu.memory_space<hbm>>
      %dma_start3A_51 = tpu.memref_slice %arg2[%add3A_8] : memref<409600xi32, #tpu.memory_space<hbm>> -> memref<6400xi32, #tpu.memory_space<hbm>>
      tpu.enqueue_dma source(%dma_start3A_51 : memref<6400xi32, #tpu.memory_space<hbm>>) target(%arg7 : memref<6400xi32, #tpu.memory_space<vmem>>) target_semaphore(%run_scoped3A : memref<!tpu.dma_semaphore, #tpu.memory_space<semaphore_mem>>)
      %dma_wait3A_52 = tpu.memref_slice %arg2[%add3A_8] : memref<409600xi32, #tpu.memory_space<hbm>> -> memref<6400xi32, #tpu.memory_space<hbm>>
      %dma_wait3A_53 = tpu.memref_slice %arg2[%add3A_8] : memref<409600xi32, #tpu.memory_space<hbm>> -> memref<6400xi32, #tpu.memory_space<hbm>>
      tpu.wait_dma2 semaphore(%run_scoped3A : memref<!tpu.dma_semaphore, #tpu.memory_space<semaphore_mem>>) src(%dma_wait3A_53 : memref<6400xi32, #tpu.memory_space<hbm>>) dst(%arg7 : memref<6400xi32, #tpu.memory_space<vmem>>)
      tpu.yield
    }) : () -> ()
    "tpu.region"() ({
      %run_scoped3A = tpu.sem_alloc : memref<!tpu.dma_semaphore, #tpu.memory_space<semaphore_mem>>
      %dma_start3A_50 = arith.constant 0 : i32
      %dma_start3A_51 = tpu.memref_slice %arg24[%mul3A_6, %dma_start3A_50] : memref<2048x64xf32, #tpu.memory_space<vmem_shared>> -> memref<128x64xf32, #tpu.memory_space<vmem_shared>>
      tpu.enqueue_dma source(%arg5 : memref<128x64xf32, #tpu.memory_space<hbm>>) target(%dma_start3A_51 : memref<128x64xf32, #tpu.memory_space<vmem_shared>>) target_semaphore(%run_scoped3A : memref<!tpu.dma_semaphore, #tpu.memory_space<semaphore_mem>>)
      %dma_wait3A_52 = arith.constant 0 : i32
      %dma_wait3A_53 = tpu.memref_slice %arg24[%mul3A_6, %dma_wait3A_52] : memref<2048x64xf32, #tpu.memory_space<vmem_shared>> -> memref<128x64xf32, #tpu.memory_space<vmem_shared>>
      tpu.wait_dma2 semaphore(%run_scoped3A : memref<!tpu.dma_semaphore, #tpu.memory_space<semaphore_mem>>) src(%arg5 : memref<128x64xf32, #tpu.memory_space<hbm>>) dst(%dma_wait3A_53 : memref<128x64xf32, #tpu.memory_space<vmem_shared>>)
      tpu.yield
    }) : () -> ()
    %dma_start3A = arith.constant 0 : i32
    %dma_start3A_9 = tpu.memref_slice %arg7[%dma_start3A] : memref<6400xi32, #tpu.memory_space<vmem>> -> memref<256xi32, #tpu.memory_space<vmem>>
    %dma_start3A_10 = arith.constant 0 : i32
    %dma_start3A_11 = arith.constant 0 : i32
    %dma_start3A_12 = tpu.memref_slice %arg3[%dma_start3A_10, %dma_start3A_11] : memref<100000x64xf32, #tpu.memory_space<hbm>> -> memref<100000x64xf32, #tpu.memory_space<hbm>>
    tpu.enqueue_indirect_dma source(%dma_start3A_12 : memref<100000x64xf32, #tpu.memory_space<hbm>>) target(%arg9 : memref<256x64xf32, #tpu.memory_space<vmem>>) offsets(%dma_start3A_9 : memref<256xi32, #tpu.memory_space<vmem>>) semaphore(%arg14 : memref<!tpu.dma_semaphore, #tpu.memory_space<semaphore_mem>>)
    %dma_start3A_13 = arith.constant 256 : i32
    %dma_start3A_14 = tpu.memref_slice %arg7[%dma_start3A_13] : memref<6400xi32, #tpu.memory_space<vmem>> -> memref<256xi32, #tpu.memory_space<vmem>>
    %dma_start3A_15 = arith.constant 0 : i32
    %dma_start3A_16 = arith.constant 0 : i32
    %dma_start3A_17 = tpu.memref_slice %arg3[%dma_start3A_15, %dma_start3A_16] : memref<100000x64xf32, #tpu.memory_space<hbm>> -> memref<100000x64xf32, #tpu.memory_space<hbm>>
    tpu.enqueue_indirect_dma source(%dma_start3A_17 : memref<100000x64xf32, #tpu.memory_space<hbm>>) target(%arg10 : memref<256x64xf32, #tpu.memory_space<vmem>>) offsets(%dma_start3A_14 : memref<256xi32, #tpu.memory_space<vmem>>) semaphore(%arg15 : memref<!tpu.dma_semaphore, #tpu.memory_space<semaphore_mem>>)
    %dma_start3A_18 = arith.constant 512 : i32
    %dma_start3A_19 = tpu.memref_slice %arg7[%dma_start3A_18] : memref<6400xi32, #tpu.memory_space<vmem>> -> memref<256xi32, #tpu.memory_space<vmem>>
    %dma_start3A_20 = arith.constant 0 : i32
    %dma_start3A_21 = arith.constant 0 : i32
    %dma_start3A_22 = tpu.memref_slice %arg3[%dma_start3A_20, %dma_start3A_21] : memref<100000x64xf32, #tpu.memory_space<hbm>> -> memref<100000x64xf32, #tpu.memory_space<hbm>>
    tpu.enqueue_indirect_dma source(%dma_start3A_22 : memref<100000x64xf32, #tpu.memory_space<hbm>>) target(%arg11 : memref<256x64xf32, #tpu.memory_space<vmem>>) offsets(%dma_start3A_19 : memref<256xi32, #tpu.memory_space<vmem>>) semaphore(%arg16 : memref<!tpu.dma_semaphore, #tpu.memory_space<semaphore_mem>>)
    %dma_start3A_23 = arith.constant 768 : i32
    %dma_start3A_24 = tpu.memref_slice %arg7[%dma_start3A_23] : memref<6400xi32, #tpu.memory_space<vmem>> -> memref<256xi32, #tpu.memory_space<vmem>>
    %dma_start3A_25 = arith.constant 0 : i32
    %dma_start3A_26 = arith.constant 0 : i32
    %dma_start3A_27 = tpu.memref_slice %arg3[%dma_start3A_25, %dma_start3A_26] : memref<100000x64xf32, #tpu.memory_space<hbm>> -> memref<100000x64xf32, #tpu.memory_space<hbm>>
    tpu.enqueue_indirect_dma source(%dma_start3A_27 : memref<100000x64xf32, #tpu.memory_space<hbm>>) target(%arg12 : memref<256x64xf32, #tpu.memory_space<vmem>>) offsets(%dma_start3A_24 : memref<256xi32, #tpu.memory_space<vmem>>) semaphore(%arg17 : memref<!tpu.dma_semaphore, #tpu.memory_space<semaphore_mem>>)
    %scan3A = arith.constant 0 : i32
    %scan3A_28 = arith.constant 0 : i32
    %scan3A_29 = arith.constant 5 : i32
    %scan3A_30 = arith.addi %scan3A_28, %scan3A_29 : i32
    %scan3A_31 = arith.constant 1 : i32
    %scan3A_32 = scf.for %scan3A_50 = %scan3A_28 to %scan3A_30 step %scan3A_31 iter_args(%scan3A_51 = %scan3A) -> (i32)  : i32 {
      %mul3A_52 = arith.constant 5 : i32
      %mul3A_53 = arith.muli %scan3A_50, %mul3A_52 : i32
      %add3A_54 = arith.constant 0 : i32
      %add3A_55 = arith.addi %mul3A_53, %add3A_54 : i32
      %gt3A = arith.constant 0 : i32
      %gt3A_56 = arith.cmpi sgt, %scan3A_50, %gt3A : i32
      %convert_element_type3A = arith.extui %gt3A_56 : i1 to i32
      %cond3A = arith.constant 0 : i32
      %cond3A_57 = arith.cmpi ne, %convert_element_type3A, %cond3A : i32
      scf.if %cond3A_57 {
        %sub3A_213 = arith.constant 1 : i32
        %sub3A_214 = arith.subi %add3A_55, %sub3A_213 : i32
        %dma_wait3A_215 = arith.constant 0 : i32
        %dma_wait3A_216 = tpu.memref_slice %arg8[%sub3A_214, %dma_wait3A_215] : memref<25x256xi32, #tpu.memory_space<vmem>> -> memref<1x256xi32, #tpu.memory_space<vmem>>
        %dma_wait3A_217 = tpu.memref_squeeze %dma_wait3A_216 : memref<1x256xi32, #tpu.memory_space<vmem>> -> memref<256xi32, #tpu.memory_space<vmem>>
        %dma_wait3A_218 = arith.constant 0 : i32
        %dma_wait3A_219 = tpu.memref_slice %arg24[%mul3A_6, %dma_wait3A_218] : memref<2048x64xf32, #tpu.memory_space<vmem_shared>> -> memref<128x64xf32, #tpu.memory_space<vmem_shared>>
        %dma_wait3A_220 = arith.constant 0 : i32
        %dma_wait3A_221 = arith.constant 0 : i32
        %dma_wait3A_222 = tpu.memref_slice %dma_wait3A_219[%dma_wait3A_220, %dma_wait3A_221] : memref<128x64xf32, #tpu.memory_space<vmem_shared>> -> memref<128x64xf32, #tpu.memory_space<vmem_shared>>
        tpu.wait_indirect_dma semaphore(%arg23 : memref<!tpu.dma_semaphore, #tpu.memory_space<semaphore_mem>>) src(%arg13 : memref<256x64xf32, #tpu.memory_space<vmem>>) dst(%dma_wait3A_222 : memref<128x64xf32, #tpu.memory_space<vmem_shared>>)
      } else {
      }
      %add3A_58 = arith.constant 5 : i32
      %add3A_59 = arith.addi %add3A_55, %add3A_58 : i32
      %sub3A = arith.constant 1 : i32
      %sub3A_60 = arith.subi %add3A_59, %sub3A : i32
      %mul3A_61 = arith.constant 256 : i32
      %mul3A_62 = arith.muli %sub3A_60, %mul3A_61 : i32
      %dma_start3A_63 = tpu.memref_slice %arg7[%mul3A_62] : memref<6400xi32, #tpu.memory_space<vmem>> -> memref<256xi32, #tpu.memory_space<vmem>>
      %dma_start3A_64 = arith.constant 0 : i32
      %dma_start3A_65 = arith.constant 0 : i32
      %dma_start3A_66 = tpu.memref_slice %arg3[%dma_start3A_64, %dma_start3A_65] : memref<100000x64xf32, #tpu.memory_space<hbm>> -> memref<100000x64xf32, #tpu.memory_space<hbm>>
      tpu.enqueue_indirect_dma source(%dma_start3A_66 : memref<100000x64xf32, #tpu.memory_space<hbm>>) target(%arg13 : memref<256x64xf32, #tpu.memory_space<vmem>>) offsets(%dma_start3A_63 : memref<256xi32, #tpu.memory_space<vmem>>) semaphore(%arg18 : memref<!tpu.dma_semaphore, #tpu.memory_space<semaphore_mem>>)
      %mul3A_67 = arith.constant 256 : i32
      %mul3A_68 = arith.muli %add3A_55, %mul3A_67 : i32
      %dma_wait3A_69 = tpu.memref_slice %arg7[%mul3A_68] : memref<6400xi32, #tpu.memory_space<vmem>> -> memref<256xi32, #tpu.memory_space<vmem>>
      %dma_wait3A_70 = arith.constant 0 : i32
      %dma_wait3A_71 = arith.constant 0 : i32
      %dma_wait3A_72 = tpu.memref_slice %arg3[%dma_wait3A_70, %dma_wait3A_71] : memref<100000x64xf32, #tpu.memory_space<hbm>> -> memref<100000x64xf32, #tpu.memory_space<hbm>>
      tpu.wait_indirect_dma semaphore(%arg14 : memref<!tpu.dma_semaphore, #tpu.memory_space<semaphore_mem>>) src(%dma_wait3A_72 : memref<100000x64xf32, #tpu.memory_space<hbm>>) dst(%arg9 : memref<256x64xf32, #tpu.memory_space<vmem>>)
      %dma_start3A_73 = arith.constant 0 : i32
      %dma_start3A_74 = tpu.memref_slice %arg8[%add3A_55, %dma_start3A_73] : memref<25x256xi32, #tpu.memory_space<vmem>> -> memref<1x256xi32, #tpu.memory_space<vmem>>
      %dma_start3A_75 = tpu.memref_squeeze %dma_start3A_74 : memref<1x256xi32, #tpu.memory_space<vmem>> -> memref<256xi32, #tpu.memory_space<vmem>>
      %dma_start3A_76 = arith.constant 0 : i32
      %dma_start3A_77 = tpu.memref_slice %arg24[%mul3A_6, %dma_start3A_76] : memref<2048x64xf32, #tpu.memory_space<vmem_shared>> -> memref<128x64xf32, #tpu.memory_space<vmem_shared>>
      %dma_start3A_78 = arith.constant 0 : i32
      %dma_start3A_79 = arith.constant 0 : i32
      %dma_start3A_80 = tpu.memref_slice %dma_start3A_77[%dma_start3A_78, %dma_start3A_79] : memref<128x64xf32, #tpu.memory_space<vmem_shared>> -> memref<128x64xf32, #tpu.memory_space<vmem_shared>>
      tpu.enqueue_indirect_dma source(%arg9 : memref<256x64xf32, #tpu.memory_space<vmem>>) target(%dma_start3A_80 : memref<128x64xf32, #tpu.memory_space<vmem_shared>>) offsets(%dma_start3A_75 : memref<256xi32, #tpu.memory_space<vmem>>) semaphore(%arg19 : memref<!tpu.dma_semaphore, #tpu.memory_space<semaphore_mem>>) {add = true}
      %mul3A_81 = arith.constant 5 : i32
      %mul3A_82 = arith.muli %scan3A_50, %mul3A_81 : i32
      %add3A_83 = arith.constant 1 : i32
      %add3A_84 = arith.addi %mul3A_82, %add3A_83 : i32
      %sub3A_85 = arith.constant 1 : i32
      %sub3A_86 = arith.subi %add3A_84, %sub3A_85 : i32
      %dma_wait3A_87 = arith.constant 0 : i32
      %dma_wait3A_88 = tpu.memref_slice %arg8[%sub3A_86, %dma_wait3A_87] : memref<25x256xi32, #tpu.memory_space<vmem>> -> memref<1x256xi32, #tpu.memory_space<vmem>>
      %dma_wait3A_89 = tpu.memref_squeeze %dma_wait3A_88 : memref<1x256xi32, #tpu.memory_space<vmem>> -> memref<256xi32, #tpu.memory_space<vmem>>
      %dma_wait3A_90 = arith.constant 0 : i32
      %dma_wait3A_91 = tpu.memref_slice %arg24[%mul3A_6, %dma_wait3A_90] : memref<2048x64xf32, #tpu.memory_space<vmem_shared>> -> memref<128x64xf32, #tpu.memory_space<vmem_shared>>
      %dma_wait3A_92 = arith.constant 0 : i32
      %dma_wait3A_93 = arith.constant 0 : i32
      %dma_wait3A_94 = tpu.memref_slice %dma_wait3A_91[%dma_wait3A_92, %dma_wait3A_93] : memref<128x64xf32, #tpu.memory_space<vmem_shared>> -> memref<128x64xf32, #tpu.memory_space<vmem_shared>>
      tpu.wait_indirect_dma semaphore(%arg19 : memref<!tpu.dma_semaphore, #tpu.memory_space<semaphore_mem>>) src(%arg9 : memref<256x64xf32, #tpu.memory_space<vmem>>) dst(%dma_wait3A_94 : memref<128x64xf32, #tpu.memory_space<vmem_shared>>)
      %lt3A = arith.constant 4 : i32
      %lt3A_95 = arith.cmpi slt, %scan3A_50, %lt3A : i32
      %convert_element_type3A_96 = arith.extui %lt3A_95 : i1 to i32
      %cond3A_97 = arith.constant 0 : i32
      %cond3A_98 = arith.cmpi ne, %convert_element_type3A_96, %cond3A_97 : i32
      scf.if %cond3A_98 {
        %add3A_213 = arith.constant 5 : i32
        %add3A_214 = arith.addi %add3A_84, %add3A_213 : i32
        %sub3A_215 = arith.constant 1 : i32
        %sub3A_216 = arith.subi %add3A_214, %sub3A_215 : i32
        %mul3A_217 = arith.constant 256 : i32
        %mul3A_218 = arith.muli %sub3A_216, %mul3A_217 : i32
        %dma_start3A_219 = tpu.memref_slice %arg7[%mul3A_218] : memref<6400xi32, #tpu.memory_space<vmem>> -> memref<256xi32, #tpu.memory_space<vmem>>
        %dma_start3A_220 = arith.constant 0 : i32
        %dma_start3A_221 = arith.constant 0 : i32
        %dma_start3A_222 = tpu.memref_slice %arg3[%dma_start3A_220, %dma_start3A_221] : memref<100000x64xf32, #tpu.memory_space<hbm>> -> memref<100000x64xf32, #tpu.memory_space<hbm>>
        tpu.enqueue_indirect_dma source(%dma_start3A_222 : memref<100000x64xf32, #tpu.memory_space<hbm>>) target(%arg9 : memref<256x64xf32, #tpu.memory_space<vmem>>) offsets(%dma_start3A_219 : memref<256xi32, #tpu.memory_space<vmem>>) semaphore(%arg14 : memref<!tpu.dma_semaphore, #tpu.memory_space<semaphore_mem>>)
      } else {
      }
      %mul3A_99 = arith.constant 256 : i32
      %mul3A_100 = arith.muli %add3A_84, %mul3A_99 : i32
      %dma_wait3A_101 = tpu.memref_slice %arg7[%mul3A_100] : memref<6400xi32, #tpu.memory_space<vmem>> -> memref<256xi32, #tpu.memory_space<vmem>>
      %dma_wait3A_102 = arith.constant 0 : i32
      %dma_wait3A_103 = arith.constant 0 : i32
      %dma_wait3A_104 = tpu.memref_slice %arg3[%dma_wait3A_102, %dma_wait3A_103] : memref<100000x64xf32, #tpu.memory_space<hbm>> -> memref<100000x64xf32, #tpu.memory_space<hbm>>
      tpu.wait_indirect_dma semaphore(%arg15 : memref<!tpu.dma_semaphore, #tpu.memory_space<semaphore_mem>>) src(%dma_wait3A_104 : memref<100000x64xf32, #tpu.memory_space<hbm>>) dst(%arg10 : memref<256x64xf32, #tpu.memory_space<vmem>>)
      %dma_start3A_105 = arith.constant 0 : i32
      %dma_start3A_106 = tpu.memref_slice %arg8[%add3A_84, %dma_start3A_105] : memref<25x256xi32, #tpu.memory_space<vmem>> -> memref<1x256xi32, #tpu.memory_space<vmem>>
      %dma_start3A_107 = tpu.memref_squeeze %dma_start3A_106 : memref<1x256xi32, #tpu.memory_space<vmem>> -> memref<256xi32, #tpu.memory_space<vmem>>
      %dma_start3A_108 = arith.constant 0 : i32
      %dma_start3A_109 = tpu.memref_slice %arg24[%mul3A_6, %dma_start3A_108] : memref<2048x64xf32, #tpu.memory_space<vmem_shared>> -> memref<128x64xf32, #tpu.memory_space<vmem_shared>>
      %dma_start3A_110 = arith.constant 0 : i32
      %dma_start3A_111 = arith.constant 0 : i32
      %dma_start3A_112 = tpu.memref_slice %dma_start3A_109[%dma_start3A_110, %dma_start3A_111] : memref<128x64xf32, #tpu.memory_space<vmem_shared>> -> memref<128x64xf32, #tpu.memory_space<vmem_shared>>
      tpu.enqueue_indirect_dma source(%arg10 : memref<256x64xf32, #tpu.memory_space<vmem>>) target(%dma_start3A_112 : memref<128x64xf32, #tpu.memory_space<vmem_shared>>) offsets(%dma_start3A_107 : memref<256xi32, #tpu.memory_space<vmem>>) semaphore(%arg20 : memref<!tpu.dma_semaphore, #tpu.memory_space<semaphore_mem>>) {add = true}
      %mul3A_113 = arith.constant 5 : i32
      %mul3A_114 = arith.muli %scan3A_50, %mul3A_113 : i32
      %add3A_115 = arith.constant 2 : i32
      %add3A_116 = arith.addi %mul3A_114, %add3A_115 : i32
      %sub3A_117 = arith.constant 1 : i32
      %sub3A_118 = arith.subi %add3A_116, %sub3A_117 : i32
      %dma_wait3A_119 = arith.constant 0 : i32
      %dma_wait3A_120 = tpu.memref_slice %arg8[%sub3A_118, %dma_wait3A_119] : memref<25x256xi32, #tpu.memory_space<vmem>> -> memref<1x256xi32, #tpu.memory_space<vmem>>
      %dma_wait3A_121 = tpu.memref_squeeze %dma_wait3A_120 : memref<1x256xi32, #tpu.memory_space<vmem>> -> memref<256xi32, #tpu.memory_space<vmem>>
      %dma_wait3A_122 = arith.constant 0 : i32
      %dma_wait3A_123 = tpu.memref_slice %arg24[%mul3A_6, %dma_wait3A_122] : memref<2048x64xf32, #tpu.memory_space<vmem_shared>> -> memref<128x64xf32, #tpu.memory_space<vmem_shared>>
      %dma_wait3A_124 = arith.constant 0 : i32
      %dma_wait3A_125 = arith.constant 0 : i32
      %dma_wait3A_126 = tpu.memref_slice %dma_wait3A_123[%dma_wait3A_124, %dma_wait3A_125] : memref<128x64xf32, #tpu.memory_space<vmem_shared>> -> memref<128x64xf32, #tpu.memory_space<vmem_shared>>
      tpu.wait_indirect_dma semaphore(%arg20 : memref<!tpu.dma_semaphore, #tpu.memory_space<semaphore_mem>>) src(%arg10 : memref<256x64xf32, #tpu.memory_space<vmem>>) dst(%dma_wait3A_126 : memref<128x64xf32, #tpu.memory_space<vmem_shared>>)
      %lt3A_127 = arith.constant 4 : i32
      %lt3A_128 = arith.cmpi slt, %scan3A_50, %lt3A_127 : i32
      %convert_element_type3A_129 = arith.extui %lt3A_128 : i1 to i32
      %cond3A_130 = arith.constant 0 : i32
      %cond3A_131 = arith.cmpi ne, %convert_element_type3A_129, %cond3A_130 : i32
      scf.if %cond3A_131 {
        %add3A_213 = arith.constant 5 : i32
        %add3A_214 = arith.addi %add3A_116, %add3A_213 : i32
        %sub3A_215 = arith.constant 1 : i32
        %sub3A_216 = arith.subi %add3A_214, %sub3A_215 : i32
        %mul3A_217 = arith.constant 256 : i32
        %mul3A_218 = arith.muli %sub3A_216, %mul3A_217 : i32
        %dma_start3A_219 = tpu.memref_slice %arg7[%mul3A_218] : memref<6400xi32, #tpu.memory_space<vmem>> -> memref<256xi32, #tpu.memory_space<vmem>>
        %dma_start3A_220 = arith.constant 0 : i32
        %dma_start3A_221 = arith.constant 0 : i32
        %dma_start3A_222 = tpu.memref_slice %arg3[%dma_start3A_220, %dma_start3A_221] : memref<100000x64xf32, #tpu.memory_space<hbm>> -> memref<100000x64xf32, #tpu.memory_space<hbm>>
        tpu.enqueue_indirect_dma source(%dma_start3A_222 : memref<100000x64xf32, #tpu.memory_space<hbm>>) target(%arg10 : memref<256x64xf32, #tpu.memory_space<vmem>>) offsets(%dma_start3A_219 : memref<256xi32, #tpu.memory_space<vmem>>) semaphore(%arg15 : memref<!tpu.dma_semaphore, #tpu.memory_space<semaphore_mem>>)
      } else {
      }
      %mul3A_132 = arith.constant 256 : i32
      %mul3A_133 = arith.muli %add3A_116, %mul3A_132 : i32
      %dma_wait3A_134 = tpu.memref_slice %arg7[%mul3A_133] : memref<6400xi32, #tpu.memory_space<vmem>> -> memref<256xi32, #tpu.memory_space<vmem>>
      %dma_wait3A_135 = arith.constant 0 : i32
      %dma_wait3A_136 = arith.constant 0 : i32
      %dma_wait3A_137 = tpu.memref_slice %arg3[%dma_wait3A_135, %dma_wait3A_136] : memref<100000x64xf32, #tpu.memory_space<hbm>> -> memref<100000x64xf32, #tpu.memory_space<hbm>>
      tpu.wait_indirect_dma semaphore(%arg16 : memref<!tpu.dma_semaphore, #tpu.memory_space<semaphore_mem>>) src(%dma_wait3A_137 : memref<100000x64xf32, #tpu.memory_space<hbm>>) dst(%arg11 : memref<256x64xf32, #tpu.memory_space<vmem>>)
      %dma_start3A_138 = arith.constant 0 : i32
      %dma_start3A_139 = tpu.memref_slice %arg8[%add3A_116, %dma_start3A_138] : memref<25x256xi32, #tpu.memory_space<vmem>> -> memref<1x256xi32, #tpu.memory_space<vmem>>
      %dma_start3A_140 = tpu.memref_squeeze %dma_start3A_139 : memref<1x256xi32, #tpu.memory_space<vmem>> -> memref<256xi32, #tpu.memory_space<vmem>>
      %dma_start3A_141 = arith.constant 0 : i32
      %dma_start3A_142 = tpu.memref_slice %arg24[%mul3A_6, %dma_start3A_141] : memref<2048x64xf32, #tpu.memory_space<vmem_shared>> -> memref<128x64xf32, #tpu.memory_space<vmem_shared>>
      %dma_start3A_143 = arith.constant 0 : i32
      %dma_start3A_144 = arith.constant 0 : i32
      %dma_start3A_145 = tpu.memref_slice %dma_start3A_142[%dma_start3A_143, %dma_start3A_144] : memref<128x64xf32, #tpu.memory_space<vmem_shared>> -> memref<128x64xf32, #tpu.memory_space<vmem_shared>>
      tpu.enqueue_indirect_dma source(%arg11 : memref<256x64xf32, #tpu.memory_space<vmem>>) target(%dma_start3A_145 : memref<128x64xf32, #tpu.memory_space<vmem_shared>>) offsets(%dma_start3A_140 : memref<256xi32, #tpu.memory_space<vmem>>) semaphore(%arg21 : memref<!tpu.dma_semaphore, #tpu.memory_space<semaphore_mem>>) {add = true}
      %mul3A_146 = arith.constant 5 : i32
      %mul3A_147 = arith.muli %scan3A_50, %mul3A_146 : i32
      %add3A_148 = arith.constant 3 : i32
      %add3A_149 = arith.addi %mul3A_147, %add3A_148 : i32
      %sub3A_150 = arith.constant 1 : i32
      %sub3A_151 = arith.subi %add3A_149, %sub3A_150 : i32
      %dma_wait3A_152 = arith.constant 0 : i32
      %dma_wait3A_153 = tpu.memref_slice %arg8[%sub3A_151, %dma_wait3A_152] : memref<25x256xi32, #tpu.memory_space<vmem>> -> memref<1x256xi32, #tpu.memory_space<vmem>>
      %dma_wait3A_154 = tpu.memref_squeeze %dma_wait3A_153 : memref<1x256xi32, #tpu.memory_space<vmem>> -> memref<256xi32, #tpu.memory_space<vmem>>
      %dma_wait3A_155 = arith.constant 0 : i32
      %dma_wait3A_156 = tpu.memref_slice %arg24[%mul3A_6, %dma_wait3A_155] : memref<2048x64xf32, #tpu.memory_space<vmem_shared>> -> memref<128x64xf32, #tpu.memory_space<vmem_shared>>
      %dma_wait3A_157 = arith.constant 0 : i32
      %dma_wait3A_158 = arith.constant 0 : i32
      %dma_wait3A_159 = tpu.memref_slice %dma_wait3A_156[%dma_wait3A_157, %dma_wait3A_158] : memref<128x64xf32, #tpu.memory_space<vmem_shared>> -> memref<128x64xf32, #tpu.memory_space<vmem_shared>>
      tpu.wait_indirect_dma semaphore(%arg21 : memref<!tpu.dma_semaphore, #tpu.memory_space<semaphore_mem>>) src(%arg11 : memref<256x64xf32, #tpu.memory_space<vmem>>) dst(%dma_wait3A_159 : memref<128x64xf32, #tpu.memory_space<vmem_shared>>)
      %lt3A_160 = arith.constant 4 : i32
      %lt3A_161 = arith.cmpi slt, %scan3A_50, %lt3A_160 : i32
      %convert_element_type3A_162 = arith.extui %lt3A_161 : i1 to i32
      %cond3A_163 = arith.constant 0 : i32
      %cond3A_164 = arith.cmpi ne, %convert_element_type3A_162, %cond3A_163 : i32
      scf.if %cond3A_164 {
        %add3A_213 = arith.constant 5 : i32
        %add3A_214 = arith.addi %add3A_149, %add3A_213 : i32
        %sub3A_215 = arith.constant 1 : i32
        %sub3A_216 = arith.subi %add3A_214, %sub3A_215 : i32
        %mul3A_217 = arith.constant 256 : i32
        %mul3A_218 = arith.muli %sub3A_216, %mul3A_217 : i32
        %dma_start3A_219 = tpu.memref_slice %arg7[%mul3A_218] : memref<6400xi32, #tpu.memory_space<vmem>> -> memref<256xi32, #tpu.memory_space<vmem>>
        %dma_start3A_220 = arith.constant 0 : i32
        %dma_start3A_221 = arith.constant 0 : i32
        %dma_start3A_222 = tpu.memref_slice %arg3[%dma_start3A_220, %dma_start3A_221] : memref<100000x64xf32, #tpu.memory_space<hbm>> -> memref<100000x64xf32, #tpu.memory_space<hbm>>
        tpu.enqueue_indirect_dma source(%dma_start3A_222 : memref<100000x64xf32, #tpu.memory_space<hbm>>) target(%arg11 : memref<256x64xf32, #tpu.memory_space<vmem>>) offsets(%dma_start3A_219 : memref<256xi32, #tpu.memory_space<vmem>>) semaphore(%arg16 : memref<!tpu.dma_semaphore, #tpu.memory_space<semaphore_mem>>)
      } else {
      }
      %mul3A_165 = arith.constant 256 : i32
      %mul3A_166 = arith.muli %add3A_149, %mul3A_165 : i32
      %dma_wait3A_167 = tpu.memref_slice %arg7[%mul3A_166] : memref<6400xi32, #tpu.memory_space<vmem>> -> memref<256xi32, #tpu.memory_space<vmem>>
      %dma_wait3A_168 = arith.constant 0 : i32
      %dma_wait3A_169 = arith.constant 0 : i32
      %dma_wait3A_170 = tpu.memref_slice %arg3[%dma_wait3A_168, %dma_wait3A_169] : memref<100000x64xf32, #tpu.memory_space<hbm>> -> memref<100000x64xf32, #tpu.memory_space<hbm>>
      tpu.wait_indirect_dma semaphore(%arg17 : memref<!tpu.dma_semaphore, #tpu.memory_space<semaphore_mem>>) src(%dma_wait3A_170 : memref<100000x64xf32, #tpu.memory_space<hbm>>) dst(%arg12 : memref<256x64xf32, #tpu.memory_space<vmem>>)
      %dma_start3A_171 = arith.constant 0 : i32
      %dma_start3A_172 = tpu.memref_slice %arg8[%add3A_149, %dma_start3A_171] : memref<25x256xi32, #tpu.memory_space<vmem>> -> memref<1x256xi32, #tpu.memory_space<vmem>>
      %dma_start3A_173 = tpu.memref_squeeze %dma_start3A_172 : memref<1x256xi32, #tpu.memory_space<vmem>> -> memref<256xi32, #tpu.memory_space<vmem>>
      %dma_start3A_174 = arith.constant 0 : i32
      %dma_start3A_175 = tpu.memref_slice %arg24[%mul3A_6, %dma_start3A_174] : memref<2048x64xf32, #tpu.memory_space<vmem_shared>> -> memref<128x64xf32, #tpu.memory_space<vmem_shared>>
      %dma_start3A_176 = arith.constant 0 : i32
      %dma_start3A_177 = arith.constant 0 : i32
      %dma_start3A_178 = tpu.memref_slice %dma_start3A_175[%dma_start3A_176, %dma_start3A_177] : memref<128x64xf32, #tpu.memory_space<vmem_shared>> -> memref<128x64xf32, #tpu.memory_space<vmem_shared>>
      tpu.enqueue_indirect_dma source(%arg12 : memref<256x64xf32, #tpu.memory_space<vmem>>) target(%dma_start3A_178 : memref<128x64xf32, #tpu.memory_space<vmem_shared>>) offsets(%dma_start3A_173 : memref<256xi32, #tpu.memory_space<vmem>>) semaphore(%arg22 : memref<!tpu.dma_semaphore, #tpu.memory_space<semaphore_mem>>) {add = true}
      %mul3A_179 = arith.constant 5 : i32
      %mul3A_180 = arith.muli %scan3A_50, %mul3A_179 : i32
      %add3A_181 = arith.constant 4 : i32
      %add3A_182 = arith.addi %mul3A_180, %add3A_181 : i32
      %sub3A_183 = arith.constant 1 : i32
      %sub3A_184 = arith.subi %add3A_182, %sub3A_183 : i32
      %dma_wait3A_185 = arith.constant 0 : i32
      %dma_wait3A_186 = tpu.memref_slice %arg8[%sub3A_184, %dma_wait3A_185] : memref<25x256xi32, #tpu.memory_space<vmem>> -> memref<1x256xi32, #tpu.memory_space<vmem>>
      %dma_wait3A_187 = tpu.memref_squeeze %dma_wait3A_186 : memref<1x256xi32, #tpu.memory_space<vmem>> -> memref<256xi32, #tpu.memory_space<vmem>>
      %dma_wait3A_188 = arith.constant 0 : i32
      %dma_wait3A_189 = tpu.memref_slice %arg24[%mul3A_6, %dma_wait3A_188] : memref<2048x64xf32, #tpu.memory_space<vmem_shared>> -> memref<128x64xf32, #tpu.memory_space<vmem_shared>>
      %dma_wait3A_190 = arith.constant 0 : i32
      %dma_wait3A_191 = arith.constant 0 : i32
      %dma_wait3A_192 = tpu.memref_slice %dma_wait3A_189[%dma_wait3A_190, %dma_wait3A_191] : memref<128x64xf32, #tpu.memory_space<vmem_shared>> -> memref<128x64xf32, #tpu.memory_space<vmem_shared>>
      tpu.wait_indirect_dma semaphore(%arg22 : memref<!tpu.dma_semaphore, #tpu.memory_space<semaphore_mem>>) src(%arg12 : memref<256x64xf32, #tpu.memory_space<vmem>>) dst(%dma_wait3A_192 : memref<128x64xf32, #tpu.memory_space<vmem_shared>>)
      %lt3A_193 = arith.constant 4 : i32
      %lt3A_194 = arith.cmpi slt, %scan3A_50, %lt3A_193 : i32
      %convert_element_type3A_195 = arith.extui %lt3A_194 : i1 to i32
      %cond3A_196 = arith.constant 0 : i32
      %cond3A_197 = arith.cmpi ne, %convert_element_type3A_195, %cond3A_196 : i32
      scf.if %cond3A_197 {
        %add3A_213 = arith.constant 5 : i32
        %add3A_214 = arith.addi %add3A_182, %add3A_213 : i32
        %sub3A_215 = arith.constant 1 : i32
        %sub3A_216 = arith.subi %add3A_214, %sub3A_215 : i32
        %mul3A_217 = arith.constant 256 : i32
        %mul3A_218 = arith.muli %sub3A_216, %mul3A_217 : i32
        %dma_start3A_219 = tpu.memref_slice %arg7[%mul3A_218] : memref<6400xi32, #tpu.memory_space<vmem>> -> memref<256xi32, #tpu.memory_space<vmem>>
        %dma_start3A_220 = arith.constant 0 : i32
        %dma_start3A_221 = arith.constant 0 : i32
        %dma_start3A_222 = tpu.memref_slice %arg3[%dma_start3A_220, %dma_start3A_221] : memref<100000x64xf32, #tpu.memory_space<hbm>> -> memref<100000x64xf32, #tpu.memory_space<hbm>>
        tpu.enqueue_indirect_dma source(%dma_start3A_222 : memref<100000x64xf32, #tpu.memory_space<hbm>>) target(%arg12 : memref<256x64xf32, #tpu.memory_space<vmem>>) offsets(%dma_start3A_219 : memref<256xi32, #tpu.memory_space<vmem>>) semaphore(%arg17 : memref<!tpu.dma_semaphore, #tpu.memory_space<semaphore_mem>>)
      } else {
      }
      %mul3A_198 = arith.constant 256 : i32
      %mul3A_199 = arith.muli %add3A_182, %mul3A_198 : i32
      %dma_wait3A_200 = tpu.memref_slice %arg7[%mul3A_199] : memref<6400xi32, #tpu.memory_space<vmem>> -> memref<256xi32, #tpu.memory_space<vmem>>
      %dma_wait3A_201 = arith.constant 0 : i32
      %dma_wait3A_202 = arith.constant 0 : i32
      %dma_wait3A_203 = tpu.memref_slice %arg3[%dma_wait3A_201, %dma_wait3A_202] : memref<100000x64xf32, #tpu.memory_space<hbm>> -> memref<100000x64xf32, #tpu.memory_space<hbm>>
      tpu.wait_indirect_dma semaphore(%arg18 : memref<!tpu.dma_semaphore, #tpu.memory_space<semaphore_mem>>) src(%dma_wait3A_203 : memref<100000x64xf32, #tpu.memory_space<hbm>>) dst(%arg13 : memref<256x64xf32, #tpu.memory_space<vmem>>)
      %dma_start3A_204 = arith.constant 0 : i32
      %dma_start3A_205 = tpu.memref_slice %arg8[%add3A_182, %dma_start3A_204] : memref<25x256xi32, #tpu.memory_space<vmem>> -> memref<1x256xi32, #tpu.memory_space<vmem>>
      %dma_start3A_206 = tpu.memref_squeeze %dma_start3A_205 : memref<1x256xi32, #tpu.memory_space<vmem>> -> memref<256xi32, #tpu.memory_space<vmem>>
      %dma_start3A_207 = arith.constant 0 : i32
      %dma_start3A_208 = tpu.memref_slice %arg24[%mul3A_6, %dma_start3A_207] : memref<2048x64xf32, #tpu.memory_space<vmem_shared>> -> memref<128x64xf32, #tpu.memory_space<vmem_shared>>
      %dma_start3A_209 = arith.constant 0 : i32
      %dma_start3A_210 = arith.constant 0 : i32
      %dma_start3A_211 = tpu.memref_slice %dma_start3A_208[%dma_start3A_209, %dma_start3A_210] : memref<128x64xf32, #tpu.memory_space<vmem_shared>> -> memref<128x64xf32, #tpu.memory_space<vmem_shared>>
      tpu.enqueue_indirect_dma source(%arg13 : memref<256x64xf32, #tpu.memory_space<vmem>>) target(%dma_start3A_211 : memref<128x64xf32, #tpu.memory_space<vmem_shared>>) offsets(%dma_start3A_206 : memref<256xi32, #tpu.memory_space<vmem>>) semaphore(%arg23 : memref<!tpu.dma_semaphore, #tpu.memory_space<semaphore_mem>>) {add = true}
      %scan3A_212 = arith.constant 0 : i32
      scf.yield %scan3A_212 : i32
    }
    %scan3A_33 = arith.constant 5 : i32
    %dma_wait3A = arith.constant 24 : i32
    %dma_wait3A_34 = arith.constant 0 : i32
    %dma_wait3A_35 = tpu.memref_slice %arg8[%dma_wait3A, %dma_wait3A_34] : memref<25x256xi32, #tpu.memory_space<vmem>> -> memref<1x256xi32, #tpu.memory_space<vmem>>
    %dma_wait3A_36 = tpu.memref_squeeze %dma_wait3A_35 : memref<1x256xi32, #tpu.memory_space<vmem>> -> memref<256xi32, #tpu.memory_space<vmem>>
    %dma_wait3A_37 = arith.constant 0 : i32
    %dma_wait3A_38 = tpu.memref_slice %arg24[%mul3A_6, %dma_wait3A_37] : memref<2048x64xf32, #tpu.memory_space<vmem_shared>> -> memref<128x64xf32, #tpu.memory_space<vmem_shared>>
    %dma_wait3A_39 = arith.constant 0 : i32
    %dma_wait3A_40 = arith.constant 0 : i32
    %dma_wait3A_41 = tpu.memref_slice %dma_wait3A_38[%dma_wait3A_39, %dma_wait3A_40] : memref<128x64xf32, #tpu.memory_space<vmem_shared>> -> memref<128x64xf32, #tpu.memory_space<vmem_shared>>
    tpu.wait_indirect_dma semaphore(%arg23 : memref<!tpu.dma_semaphore, #tpu.memory_space<semaphore_mem>>) src(%arg13 : memref<256x64xf32, #tpu.memory_space<vmem>>) dst(%dma_wait3A_41 : memref<128x64xf32, #tpu.memory_space<vmem_shared>>)
    %dma_start3A_42 = arith.constant 0 : i32
    %dma_start3A_43 = tpu.memref_slice %arg6[%mul3A_4, %dma_start3A_42] : memref<4096x64xf32, #tpu.memory_space<hbm>> -> memref<128x64xf32, #tpu.memory_space<hbm>>
    %dma_start3A_44 = arith.constant 0 : i32
    %dma_start3A_45 = tpu.memref_slice %arg24[%mul3A_6, %dma_start3A_44] : memref<2048x64xf32, #tpu.memory_space<vmem_shared>> -> memref<128x64xf32, #tpu.memory_space<vmem_shared>>
    tpu.enqueue_dma source(%dma_start3A_45 : memref<128x64xf32, #tpu.memory_space<vmem_shared>>) target(%dma_start3A_43 : memref<128x64xf32, #tpu.memory_space<hbm>>) target_semaphore(%arg25 : memref<!tpu.dma_semaphore, #tpu.memory_space<semaphore_mem>>)
    %dma_wait3A_46 = arith.constant 0 : i32
    %dma_wait3A_47 = tpu.memref_slice %arg6[%mul3A_4, %dma_wait3A_46] : memref<4096x64xf32, #tpu.memory_space<hbm>> -> memref<128x64xf32, #tpu.memory_space<hbm>>
    %dma_wait3A_48 = arith.constant 0 : i32
    %dma_wait3A_49 = tpu.memref_slice %arg24[%mul3A_6, %dma_wait3A_48] : memref<2048x64xf32, #tpu.memory_space<vmem_shared>> -> memref<128x64xf32, #tpu.memory_space<vmem_shared>>
    tpu.wait_dma2 semaphore(%arg25 : memref<!tpu.dma_semaphore, #tpu.memory_space<semaphore_mem>>) src(%dma_wait3A_49 : memref<128x64xf32, #tpu.memory_space<vmem_shared>>) dst(%dma_wait3A_47 : memref<128x64xf32, #tpu.memory_space<hbm>>)
    return
  }
}

#map = affine_map<(d0, d1) -> (0)>
#map1 = affine_map<(d0, d1) -> (0, 0)>
module attributes {stable_mosaic.version = 14 : i64} {
  func.func @_sc_body(%arg0: i32, %arg1: i32, %arg2: memref<409600xi32, #tpu.memory_space<hbm>>, %arg3: memref<100000x64xf32, #tpu.memory_space<hbm>>, %arg4: memref<25x256xi32, #tpu.memory_space<hbm>>, %arg5: memref<128x64xf32, #tpu.memory_space<hbm>>, %arg6: memref<4096x64xf32, #tpu.memory_space<hbm>>, %arg7: memref<6400xi32, #tpu.memory_space<vmem>>, %arg8: memref<25x256xi32, #tpu.memory_space<vmem>>, %arg9: memref<256x64xf32, #tpu.memory_space<vmem>>, %arg10: memref<256x64xf32, #tpu.memory_space<vmem>>, %arg11: memref<256x64xf32, #tpu.memory_space<vmem>>, %arg12: memref<256x64xf32, #tpu.memory_space<vmem>>, %arg13: memref<256x64xf32, #tpu.memory_space<vmem>>, %arg14: memref<!tpu.dma_semaphore, #tpu.memory_space<semaphore_mem>>, %arg15: memref<!tpu.dma_semaphore, #tpu.memory_space<semaphore_mem>>, %arg16: memref<!tpu.dma_semaphore, #tpu.memory_space<semaphore_mem>>, %arg17: memref<!tpu.dma_semaphore, #tpu.memory_space<semaphore_mem>>, %arg18: memref<!tpu.dma_semaphore, #tpu.memory_space<semaphore_mem>>, %arg19: memref<!tpu.dma_semaphore, #tpu.memory_space<semaphore_mem>>, %arg20: memref<!tpu.dma_semaphore, #tpu.memory_space<semaphore_mem>>, %arg21: memref<!tpu.dma_semaphore, #tpu.memory_space<semaphore_mem>>, %arg22: memref<!tpu.dma_semaphore, #tpu.memory_space<semaphore_mem>>, %arg23: memref<!tpu.dma_semaphore, #tpu.memory_space<semaphore_mem>>, %arg24: memref<2048x64xf32, #tpu.memory_space<vmem_shared>>, %arg25: memref<!tpu.dma_semaphore, #tpu.memory_space<semaphore_mem>>) attributes {dimension_semantics = [#tpu.dimension_semantics<core_parallel>, #tpu.dimension_semantics<subcore_parallel>], iteration_bounds = array<i64: 2, 16>, scalar_prefetch = 0 : i64, scratch_operands = 19 : i64, tpu.core_type = #tpu.core_type<sc_vector_subcore>, window_params = [{transform_indices = #map}, {transform_indices = #map1}, {transform_indices = #map1}, {transform_indices = #map1}, {transform_indices = #map1}]} {
    %mul3A = arith.constant 2 : i32
    %mul3A_0 = arith.muli %arg1, %mul3A : i32
    %add3A = arith.addi %mul3A_0, %arg0 : i32
    %mul3A_1 = arith.constant 6400 : i32
    %mul3A_2 = arith.muli %add3A, %mul3A_1 : i32
    %mul3A_3 = arith.constant 128 : i32
    %mul3A_4 = arith.muli %add3A, %mul3A_3 : i32
    %mul3A_5 = arith.constant 128 : i32
    %mul3A_6 = arith.muli %arg1, %mul3A_5 : i32
    "tpu.region"() ({
      %run_scoped3A = tpu.sem_alloc : memref<!tpu.dma_semaphore, #tpu.memory_space<semaphore_mem>>
      tpu.enqueue_dma source(%arg4 : memref<25x256xi32, #tpu.memory_space<hbm>>) target(%arg8 : memref<25x256xi32, #tpu.memory_space<vmem>>) target_semaphore(%run_scoped3A : memref<!tpu.dma_semaphore, #tpu.memory_space<semaphore_mem>>)
      tpu.wait_dma2 semaphore(%run_scoped3A : memref<!tpu.dma_semaphore, #tpu.memory_space<semaphore_mem>>) src(%arg4 : memref<25x256xi32, #tpu.memory_space<hbm>>) dst(%arg8 : memref<25x256xi32, #tpu.memory_space<vmem>>)
      tpu.yield
    }) : () -> ()
    %add3A_7 = arith.constant 0 : i32
    %add3A_8 = arith.addi %add3A_7, %mul3A_2 : i32
    "tpu.region"() ({
      %run_scoped3A = tpu.sem_alloc : memref<!tpu.dma_semaphore, #tpu.memory_space<semaphore_mem>>
      %dma_start3A_50 = tpu.memref_slice %arg2[%add3A_8] : memref<409600xi32, #tpu.memory_space<hbm>> -> memref<6400xi32, #tpu.memory_space<hbm>>
      %dma_start3A_51 = tpu.memref_slice %arg2[%add3A_8] : memref<409600xi32, #tpu.memory_space<hbm>> -> memref<6400xi32, #tpu.memory_space<hbm>>
      tpu.enqueue_dma source(%dma_start3A_51 : memref<6400xi32, #tpu.memory_space<hbm>>) target(%arg7 : memref<6400xi32, #tpu.memory_space<vmem>>) target_semaphore(%run_scoped3A : memref<!tpu.dma_semaphore, #tpu.memory_space<semaphore_mem>>)
      %dma_wait3A_52 = tpu.memref_slice %arg2[%add3A_8] : memref<409600xi32, #tpu.memory_space<hbm>> -> memref<6400xi32, #tpu.memory_space<hbm>>
      %dma_wait3A_53 = tpu.memref_slice %arg2[%add3A_8] : memref<409600xi32, #tpu.memory_space<hbm>> -> memref<6400xi32, #tpu.memory_space<hbm>>
      tpu.wait_dma2 semaphore(%run_scoped3A : memref<!tpu.dma_semaphore, #tpu.memory_space<semaphore_mem>>) src(%dma_wait3A_53 : memref<6400xi32, #tpu.memory_space<hbm>>) dst(%arg7 : memref<6400xi32, #tpu.memory_space<vmem>>)
      tpu.yield
    }) : () -> ()
    "tpu.region"() ({
      %run_scoped3A = tpu.sem_alloc : memref<!tpu.dma_semaphore, #tpu.memory_space<semaphore_mem>>
      %dma_start3A_50 = arith.constant 0 : i32
      %dma_start3A_51 = tpu.memref_slice %arg24[%mul3A_6, %dma_start3A_50] : memref<2048x64xf32, #tpu.memory_space<vmem_shared>> -> memref<128x64xf32, #tpu.memory_space<vmem_shared>>
      tpu.enqueue_dma source(%arg5 : memref<128x64xf32, #tpu.memory_space<hbm>>) target(%dma_start3A_51 : memref<128x64xf32, #tpu.memory_space<vmem_shared>>) target_semaphore(%run_scoped3A : memref<!tpu.dma_semaphore, #tpu.memory_space<semaphore_mem>>)
      %dma_wait3A_52 = arith.constant 0 : i32
      %dma_wait3A_53 = tpu.memref_slice %arg24[%mul3A_6, %dma_wait3A_52] : memref<2048x64xf32, #tpu.memory_space<vmem_shared>> -> memref<128x64xf32, #tpu.memory_space<vmem_shared>>
      tpu.wait_dma2 semaphore(%run_scoped3A : memref<!tpu.dma_semaphore, #tpu.memory_space<semaphore_mem>>) src(%arg5 : memref<128x64xf32, #tpu.memory_space<hbm>>) dst(%dma_wait3A_53 : memref<128x64xf32, #tpu.memory_space<vmem_shared>>)
      tpu.yield
    }) : () -> ()
    %dma_start3A = arith.constant 0 : i32
    %dma_start3A_9 = tpu.memref_slice %arg7[%dma_start3A] : memref<6400xi32, #tpu.memory_space<vmem>> -> memref<256xi32, #tpu.memory_space<vmem>>
    %dma_start3A_10 = arith.constant 0 : i32
    %dma_start3A_11 = arith.constant 0 : i32
    %dma_start3A_12 = tpu.memref_slice %arg3[%dma_start3A_10, %dma_start3A_11] : memref<100000x64xf32, #tpu.memory_space<hbm>> -> memref<100000x64xf32, #tpu.memory_space<hbm>>
    tpu.enqueue_indirect_dma source(%dma_start3A_12 : memref<100000x64xf32, #tpu.memory_space<hbm>>) target(%arg9 : memref<256x64xf32, #tpu.memory_space<vmem>>) offsets(%dma_start3A_9 : memref<256xi32, #tpu.memory_space<vmem>>) semaphore(%arg14 : memref<!tpu.dma_semaphore, #tpu.memory_space<semaphore_mem>>)
    %dma_start3A_13 = arith.constant 256 : i32
    %dma_start3A_14 = tpu.memref_slice %arg7[%dma_start3A_13] : memref<6400xi32, #tpu.memory_space<vmem>> -> memref<256xi32, #tpu.memory_space<vmem>>
    %dma_start3A_15 = arith.constant 0 : i32
    %dma_start3A_16 = arith.constant 0 : i32
    %dma_start3A_17 = tpu.memref_slice %arg3[%dma_start3A_15, %dma_start3A_16] : memref<100000x64xf32, #tpu.memory_space<hbm>> -> memref<100000x64xf32, #tpu.memory_space<hbm>>
    tpu.enqueue_indirect_dma source(%dma_start3A_17 : memref<100000x64xf32, #tpu.memory_space<hbm>>) target(%arg10 : memref<256x64xf32, #tpu.memory_space<vmem>>) offsets(%dma_start3A_14 : memref<256xi32, #tpu.memory_space<vmem>>) semaphore(%arg15 : memref<!tpu.dma_semaphore, #tpu.memory_space<semaphore_mem>>)
    %dma_start3A_18 = arith.constant 512 : i32
    %dma_start3A_19 = tpu.memref_slice %arg7[%dma_start3A_18] : memref<6400xi32, #tpu.memory_space<vmem>> -> memref<256xi32, #tpu.memory_space<vmem>>
    %dma_start3A_20 = arith.constant 0 : i32
    %dma_start3A_21 = arith.constant 0 : i32
    %dma_start3A_22 = tpu.memref_slice %arg3[%dma_start3A_20, %dma_start3A_21] : memref<100000x64xf32, #tpu.memory_space<hbm>> -> memref<100000x64xf32, #tpu.memory_space<hbm>>
    tpu.enqueue_indirect_dma source(%dma_start3A_22 : memref<100000x64xf32, #tpu.memory_space<hbm>>) target(%arg11 : memref<256x64xf32, #tpu.memory_space<vmem>>) offsets(%dma_start3A_19 : memref<256xi32, #tpu.memory_space<vmem>>) semaphore(%arg16 : memref<!tpu.dma_semaphore, #tpu.memory_space<semaphore_mem>>)
    %dma_start3A_23 = arith.constant 768 : i32
    %dma_start3A_24 = tpu.memref_slice %arg7[%dma_start3A_23] : memref<6400xi32, #tpu.memory_space<vmem>> -> memref<256xi32, #tpu.memory_space<vmem>>
    %dma_start3A_25 = arith.constant 0 : i32
    %dma_start3A_26 = arith.constant 0 : i32
    %dma_start3A_27 = tpu.memref_slice %arg3[%dma_start3A_25, %dma_start3A_26] : memref<100000x64xf32, #tpu.memory_space<hbm>> -> memref<100000x64xf32, #tpu.memory_space<hbm>>
    tpu.enqueue_indirect_dma source(%dma_start3A_27 : memref<100000x64xf32, #tpu.memory_space<hbm>>) target(%arg12 : memref<256x64xf32, #tpu.memory_space<vmem>>) offsets(%dma_start3A_24 : memref<256xi32, #tpu.memory_space<vmem>>) semaphore(%arg17 : memref<!tpu.dma_semaphore, #tpu.memory_space<semaphore_mem>>)
    %scan3A = arith.constant 0 : i32
    %scan3A_28 = arith.constant 0 : i32
    %scan3A_29 = arith.constant 5 : i32
    %scan3A_30 = arith.addi %scan3A_28, %scan3A_29 : i32
    %scan3A_31 = arith.constant 1 : i32
    %scan3A_32 = scf.for %scan3A_50 = %scan3A_28 to %scan3A_30 step %scan3A_31 iter_args(%scan3A_51 = %scan3A) -> (i32)  : i32 {
      %mul3A_52 = arith.constant 5 : i32
      %mul3A_53 = arith.muli %scan3A_50, %mul3A_52 : i32
      %add3A_54 = arith.constant 0 : i32
      %add3A_55 = arith.addi %mul3A_53, %add3A_54 : i32
      %gt3A = arith.constant 0 : i32
      %gt3A_56 = arith.cmpi sgt, %scan3A_50, %gt3A : i32
      %convert_element_type3A = arith.extui %gt3A_56 : i1 to i32
      %cond3A = arith.constant 0 : i32
      %cond3A_57 = arith.cmpi ne, %convert_element_type3A, %cond3A : i32
      scf.if %cond3A_57 {
        %sub3A_213 = arith.constant 1 : i32
        %sub3A_214 = arith.subi %add3A_55, %sub3A_213 : i32
        %dma_wait3A_215 = arith.constant 0 : i32
        %dma_wait3A_216 = tpu.memref_slice %arg8[%sub3A_214, %dma_wait3A_215] : memref<25x256xi32, #tpu.memory_space<vmem>> -> memref<1x256xi32, #tpu.memory_space<vmem>>
        %dma_wait3A_217 = tpu.memref_squeeze %dma_wait3A_216 : memref<1x256xi32, #tpu.memory_space<vmem>> -> memref<256xi32, #tpu.memory_space<vmem>>
        %dma_wait3A_218 = arith.constant 0 : i32
        %dma_wait3A_219 = tpu.memref_slice %arg24[%mul3A_6, %dma_wait3A_218] : memref<2048x64xf32, #tpu.memory_space<vmem_shared>> -> memref<128x64xf32, #tpu.memory_space<vmem_shared>>
        %dma_wait3A_220 = arith.constant 0 : i32
        %dma_wait3A_221 = arith.constant 0 : i32
        %dma_wait3A_222 = tpu.memref_slice %dma_wait3A_219[%dma_wait3A_220, %dma_wait3A_221] : memref<128x64xf32, #tpu.memory_space<vmem_shared>> -> memref<128x64xf32, #tpu.memory_space<vmem_shared>>
        tpu.wait_indirect_dma semaphore(%arg23 : memref<!tpu.dma_semaphore, #tpu.memory_space<semaphore_mem>>) src(%arg13 : memref<256x64xf32, #tpu.memory_space<vmem>>) dst(%dma_wait3A_222 : memref<128x64xf32, #tpu.memory_space<vmem_shared>>)
      } else {
      }
      %add3A_58 = arith.constant 5 : i32
      %add3A_59 = arith.addi %add3A_55, %add3A_58 : i32
      %sub3A = arith.constant 1 : i32
      %sub3A_60 = arith.subi %add3A_59, %sub3A : i32
      %mul3A_61 = arith.constant 256 : i32
      %mul3A_62 = arith.muli %sub3A_60, %mul3A_61 : i32
      %dma_start3A_63 = tpu.memref_slice %arg7[%mul3A_62] : memref<6400xi32, #tpu.memory_space<vmem>> -> memref<256xi32, #tpu.memory_space<vmem>>
      %dma_start3A_64 = arith.constant 0 : i32
      %dma_start3A_65 = arith.constant 0 : i32
      %dma_start3A_66 = tpu.memref_slice %arg3[%dma_start3A_64, %dma_start3A_65] : memref<100000x64xf32, #tpu.memory_space<hbm>> -> memref<100000x64xf32, #tpu.memory_space<hbm>>
      tpu.enqueue_indirect_dma source(%dma_start3A_66 : memref<100000x64xf32, #tpu.memory_space<hbm>>) target(%arg13 : memref<256x64xf32, #tpu.memory_space<vmem>>) offsets(%dma_start3A_63 : memref<256xi32, #tpu.memory_space<vmem>>) semaphore(%arg18 : memref<!tpu.dma_semaphore, #tpu.memory_space<semaphore_mem>>)
      %mul3A_67 = arith.constant 256 : i32
      %mul3A_68 = arith.muli %add3A_55, %mul3A_67 : i32
      %dma_wait3A_69 = tpu.memref_slice %arg7[%mul3A_68] : memref<6400xi32, #tpu.memory_space<vmem>> -> memref<256xi32, #tpu.memory_space<vmem>>
      %dma_wait3A_70 = arith.constant 0 : i32
      %dma_wait3A_71 = arith.constant 0 : i32
      %dma_wait3A_72 = tpu.memref_slice %arg3[%dma_wait3A_70, %dma_wait3A_71] : memref<100000x64xf32, #tpu.memory_space<hbm>> -> memref<100000x64xf32, #tpu.memory_space<hbm>>
      tpu.wait_indirect_dma semaphore(%arg14 : memref<!tpu.dma_semaphore, #tpu.memory_space<semaphore_mem>>) src(%dma_wait3A_72 : memref<100000x64xf32, #tpu.memory_space<hbm>>) dst(%arg9 : memref<256x64xf32, #tpu.memory_space<vmem>>)
      %dma_start3A_73 = arith.constant 0 : i32
      %dma_start3A_74 = tpu.memref_slice %arg8[%add3A_55, %dma_start3A_73] : memref<25x256xi32, #tpu.memory_space<vmem>> -> memref<1x256xi32, #tpu.memory_space<vmem>>
      %dma_start3A_75 = tpu.memref_squeeze %dma_start3A_74 : memref<1x256xi32, #tpu.memory_space<vmem>> -> memref<256xi32, #tpu.memory_space<vmem>>
      %dma_start3A_76 = arith.constant 0 : i32
      %dma_start3A_77 = tpu.memref_slice %arg24[%mul3A_6, %dma_start3A_76] : memref<2048x64xf32, #tpu.memory_space<vmem_shared>> -> memref<128x64xf32, #tpu.memory_space<vmem_shared>>
      %dma_start3A_78 = arith.constant 0 : i32
      %dma_start3A_79 = arith.constant 0 : i32
      %dma_start3A_80 = tpu.memref_slice %dma_start3A_77[%dma_start3A_78, %dma_start3A_79] : memref<128x64xf32, #tpu.memory_space<vmem_shared>> -> memref<128x64xf32, #tpu.memory_space<vmem_shared>>
      tpu.enqueue_indirect_dma source(%arg9 : memref<256x64xf32, #tpu.memory_space<vmem>>) target(%dma_start3A_80 : memref<128x64xf32, #tpu.memory_space<vmem_shared>>) offsets(%dma_start3A_75 : memref<256xi32, #tpu.memory_space<vmem>>) semaphore(%arg19 : memref<!tpu.dma_semaphore, #tpu.memory_space<semaphore_mem>>) {add = true}
      %mul3A_81 = arith.constant 5 : i32
      %mul3A_82 = arith.muli %scan3A_50, %mul3A_81 : i32
      %add3A_83 = arith.constant 1 : i32
      %add3A_84 = arith.addi %mul3A_82, %add3A_83 : i32
      %sub3A_85 = arith.constant 1 : i32
      %sub3A_86 = arith.subi %add3A_84, %sub3A_85 : i32
      %dma_wait3A_87 = arith.constant 0 : i32
      %dma_wait3A_88 = tpu.memref_slice %arg8[%sub3A_86, %dma_wait3A_87] : memref<25x256xi32, #tpu.memory_space<vmem>> -> memref<1x256xi32, #tpu.memory_space<vmem>>
      %dma_wait3A_89 = tpu.memref_squeeze %dma_wait3A_88 : memref<1x256xi32, #tpu.memory_space<vmem>> -> memref<256xi32, #tpu.memory_space<vmem>>
      %dma_wait3A_90 = arith.constant 0 : i32
      %dma_wait3A_91 = tpu.memref_slice %arg24[%mul3A_6, %dma_wait3A_90] : memref<2048x64xf32, #tpu.memory_space<vmem_shared>> -> memref<128x64xf32, #tpu.memory_space<vmem_shared>>
      %dma_wait3A_92 = arith.constant 0 : i32
      %dma_wait3A_93 = arith.constant 0 : i32
      %dma_wait3A_94 = tpu.memref_slice %dma_wait3A_91[%dma_wait3A_92, %dma_wait3A_93] : memref<128x64xf32, #tpu.memory_space<vmem_shared>> -> memref<128x64xf32, #tpu.memory_space<vmem_shared>>
      tpu.wait_indirect_dma semaphore(%arg19 : memref<!tpu.dma_semaphore, #tpu.memory_space<semaphore_mem>>) src(%arg9 : memref<256x64xf32, #tpu.memory_space<vmem>>) dst(%dma_wait3A_94 : memref<128x64xf32, #tpu.memory_space<vmem_shared>>)
      %lt3A = arith.constant 4 : i32
      %lt3A_95 = arith.cmpi slt, %scan3A_50, %lt3A : i32
      %convert_element_type3A_96 = arith.extui %lt3A_95 : i1 to i32
      %cond3A_97 = arith.constant 0 : i32
      %cond3A_98 = arith.cmpi ne, %convert_element_type3A_96, %cond3A_97 : i32
      scf.if %cond3A_98 {
        %add3A_213 = arith.constant 5 : i32
        %add3A_214 = arith.addi %add3A_84, %add3A_213 : i32
        %sub3A_215 = arith.constant 1 : i32
        %sub3A_216 = arith.subi %add3A_214, %sub3A_215 : i32
        %mul3A_217 = arith.constant 256 : i32
        %mul3A_218 = arith.muli %sub3A_216, %mul3A_217 : i32
        %dma_start3A_219 = tpu.memref_slice %arg7[%mul3A_218] : memref<6400xi32, #tpu.memory_space<vmem>> -> memref<256xi32, #tpu.memory_space<vmem>>
        %dma_start3A_220 = arith.constant 0 : i32
        %dma_start3A_221 = arith.constant 0 : i32
        %dma_start3A_222 = tpu.memref_slice %arg3[%dma_start3A_220, %dma_start3A_221] : memref<100000x64xf32, #tpu.memory_space<hbm>> -> memref<100000x64xf32, #tpu.memory_space<hbm>>
        tpu.enqueue_indirect_dma source(%dma_start3A_222 : memref<100000x64xf32, #tpu.memory_space<hbm>>) target(%arg9 : memref<256x64xf32, #tpu.memory_space<vmem>>) offsets(%dma_start3A_219 : memref<256xi32, #tpu.memory_space<vmem>>) semaphore(%arg14 : memref<!tpu.dma_semaphore, #tpu.memory_space<semaphore_mem>>)
      } else {
      }
      %mul3A_99 = arith.constant 256 : i32
      %mul3A_100 = arith.muli %add3A_84, %mul3A_99 : i32
      %dma_wait3A_101 = tpu.memref_slice %arg7[%mul3A_100] : memref<6400xi32, #tpu.memory_space<vmem>> -> memref<256xi32, #tpu.memory_space<vmem>>
      %dma_wait3A_102 = arith.constant 0 : i32
      %dma_wait3A_103 = arith.constant 0 : i32
      %dma_wait3A_104 = tpu.memref_slice %arg3[%dma_wait3A_102, %dma_wait3A_103] : memref<100000x64xf32, #tpu.memory_space<hbm>> -> memref<100000x64xf32, #tpu.memory_space<hbm>>
      tpu.wait_indirect_dma semaphore(%arg15 : memref<!tpu.dma_semaphore, #tpu.memory_space<semaphore_mem>>) src(%dma_wait3A_104 : memref<100000x64xf32, #tpu.memory_space<hbm>>) dst(%arg10 : memref<256x64xf32, #tpu.memory_space<vmem>>)
      %dma_start3A_105 = arith.constant 0 : i32
      %dma_start3A_106 = tpu.memref_slice %arg8[%add3A_84, %dma_start3A_105] : memref<25x256xi32, #tpu.memory_space<vmem>> -> memref<1x256xi32, #tpu.memory_space<vmem>>
      %dma_start3A_107 = tpu.memref_squeeze %dma_start3A_106 : memref<1x256xi32, #tpu.memory_space<vmem>> -> memref<256xi32, #tpu.memory_space<vmem>>
      %dma_start3A_108 = arith.constant 0 : i32
      %dma_start3A_109 = tpu.memref_slice %arg24[%mul3A_6, %dma_start3A_108] : memref<2048x64xf32, #tpu.memory_space<vmem_shared>> -> memref<128x64xf32, #tpu.memory_space<vmem_shared>>
      %dma_start3A_110 = arith.constant 0 : i32
      %dma_start3A_111 = arith.constant 0 : i32
      %dma_start3A_112 = tpu.memref_slice %dma_start3A_109[%dma_start3A_110, %dma_start3A_111] : memref<128x64xf32, #tpu.memory_space<vmem_shared>> -> memref<128x64xf32, #tpu.memory_space<vmem_shared>>
      tpu.enqueue_indirect_dma source(%arg10 : memref<256x64xf32, #tpu.memory_space<vmem>>) target(%dma_start3A_112 : memref<128x64xf32, #tpu.memory_space<vmem_shared>>) offsets(%dma_start3A_107 : memref<256xi32, #tpu.memory_space<vmem>>) semaphore(%arg20 : memref<!tpu.dma_semaphore, #tpu.memory_space<semaphore_mem>>) {add = true}
      %mul3A_113 = arith.constant 5 : i32
      %mul3A_114 = arith.muli %scan3A_50, %mul3A_113 : i32
      %add3A_115 = arith.constant 2 : i32
      %add3A_116 = arith.addi %mul3A_114, %add3A_115 : i32
      %sub3A_117 = arith.constant 1 : i32
      %sub3A_118 = arith.subi %add3A_116, %sub3A_117 : i32
      %dma_wait3A_119 = arith.constant 0 : i32
      %dma_wait3A_120 = tpu.memref_slice %arg8[%sub3A_118, %dma_wait3A_119] : memref<25x256xi32, #tpu.memory_space<vmem>> -> memref<1x256xi32, #tpu.memory_space<vmem>>
      %dma_wait3A_121 = tpu.memref_squeeze %dma_wait3A_120 : memref<1x256xi32, #tpu.memory_space<vmem>> -> memref<256xi32, #tpu.memory_space<vmem>>
      %dma_wait3A_122 = arith.constant 0 : i32
      %dma_wait3A_123 = tpu.memref_slice %arg24[%mul3A_6, %dma_wait3A_122] : memref<2048x64xf32, #tpu.memory_space<vmem_shared>> -> memref<128x64xf32, #tpu.memory_space<vmem_shared>>
      %dma_wait3A_124 = arith.constant 0 : i32
      %dma_wait3A_125 = arith.constant 0 : i32
      %dma_wait3A_126 = tpu.memref_slice %dma_wait3A_123[%dma_wait3A_124, %dma_wait3A_125] : memref<128x64xf32, #tpu.memory_space<vmem_shared>> -> memref<128x64xf32, #tpu.memory_space<vmem_shared>>
      tpu.wait_indirect_dma semaphore(%arg20 : memref<!tpu.dma_semaphore, #tpu.memory_space<semaphore_mem>>) src(%arg10 : memref<256x64xf32, #tpu.memory_space<vmem>>) dst(%dma_wait3A_126 : memref<128x64xf32, #tpu.memory_space<vmem_shared>>)
      %lt3A_127 = arith.constant 4 : i32
      %lt3A_128 = arith.cmpi slt, %scan3A_50, %lt3A_127 : i32
      %convert_element_type3A_129 = arith.extui %lt3A_128 : i1 to i32
      %cond3A_130 = arith.constant 0 : i32
      %cond3A_131 = arith.cmpi ne, %convert_element_type3A_129, %cond3A_130 : i32
      scf.if %cond3A_131 {
        %add3A_213 = arith.constant 5 : i32
        %add3A_214 = arith.addi %add3A_116, %add3A_213 : i32
        %sub3A_215 = arith.constant 1 : i32
        %sub3A_216 = arith.subi %add3A_214, %sub3A_215 : i32
        %mul3A_217 = arith.constant 256 : i32
        %mul3A_218 = arith.muli %sub3A_216, %mul3A_217 : i32
        %dma_start3A_219 = tpu.memref_slice %arg7[%mul3A_218] : memref<6400xi32, #tpu.memory_space<vmem>> -> memref<256xi32, #tpu.memory_space<vmem>>
        %dma_start3A_220 = arith.constant 0 : i32
        %dma_start3A_221 = arith.constant 0 : i32
        %dma_start3A_222 = tpu.memref_slice %arg3[%dma_start3A_220, %dma_start3A_221] : memref<100000x64xf32, #tpu.memory_space<hbm>> -> memref<100000x64xf32, #tpu.memory_space<hbm>>
        tpu.enqueue_indirect_dma source(%dma_start3A_222 : memref<100000x64xf32, #tpu.memory_space<hbm>>) target(%arg10 : memref<256x64xf32, #tpu.memory_space<vmem>>) offsets(%dma_start3A_219 : memref<256xi32, #tpu.memory_space<vmem>>) semaphore(%arg15 : memref<!tpu.dma_semaphore, #tpu.memory_space<semaphore_mem>>)
      } else {
      }
      %mul3A_132 = arith.constant 256 : i32
      %mul3A_133 = arith.muli %add3A_116, %mul3A_132 : i32
      %dma_wait3A_134 = tpu.memref_slice %arg7[%mul3A_133] : memref<6400xi32, #tpu.memory_space<vmem>> -> memref<256xi32, #tpu.memory_space<vmem>>
      %dma_wait3A_135 = arith.constant 0 : i32
      %dma_wait3A_136 = arith.constant 0 : i32
      %dma_wait3A_137 = tpu.memref_slice %arg3[%dma_wait3A_135, %dma_wait3A_136] : memref<100000x64xf32, #tpu.memory_space<hbm>> -> memref<100000x64xf32, #tpu.memory_space<hbm>>
      tpu.wait_indirect_dma semaphore(%arg16 : memref<!tpu.dma_semaphore, #tpu.memory_space<semaphore_mem>>) src(%dma_wait3A_137 : memref<100000x64xf32, #tpu.memory_space<hbm>>) dst(%arg11 : memref<256x64xf32, #tpu.memory_space<vmem>>)
      %dma_start3A_138 = arith.constant 0 : i32
      %dma_start3A_139 = tpu.memref_slice %arg8[%add3A_116, %dma_start3A_138] : memref<25x256xi32, #tpu.memory_space<vmem>> -> memref<1x256xi32, #tpu.memory_space<vmem>>
      %dma_start3A_140 = tpu.memref_squeeze %dma_start3A_139 : memref<1x256xi32, #tpu.memory_space<vmem>> -> memref<256xi32, #tpu.memory_space<vmem>>
      %dma_start3A_141 = arith.constant 0 : i32
      %dma_start3A_142 = tpu.memref_slice %arg24[%mul3A_6, %dma_start3A_141] : memref<2048x64xf32, #tpu.memory_space<vmem_shared>> -> memref<128x64xf32, #tpu.memory_space<vmem_shared>>
      %dma_start3A_143 = arith.constant 0 : i32
      %dma_start3A_144 = arith.constant 0 : i32
      %dma_start3A_145 = tpu.memref_slice %dma_start3A_142[%dma_start3A_143, %dma_start3A_144] : memref<128x64xf32, #tpu.memory_space<vmem_shared>> -> memref<128x64xf32, #tpu.memory_space<vmem_shared>>
      tpu.enqueue_indirect_dma source(%arg11 : memref<256x64xf32, #tpu.memory_space<vmem>>) target(%dma_start3A_145 : memref<128x64xf32, #tpu.memory_space<vmem_shared>>) offsets(%dma_start3A_140 : memref<256xi32, #tpu.memory_space<vmem>>) semaphore(%arg21 : memref<!tpu.dma_semaphore, #tpu.memory_space<semaphore_mem>>) {add = true}
      %mul3A_146 = arith.constant 5 : i32
      %mul3A_147 = arith.muli %scan3A_50, %mul3A_146 : i32
      %add3A_148 = arith.constant 3 : i32
      %add3A_149 = arith.addi %mul3A_147, %add3A_148 : i32
      %sub3A_150 = arith.constant 1 : i32
      %sub3A_151 = arith.subi %add3A_149, %sub3A_150 : i32
      %dma_wait3A_152 = arith.constant 0 : i32
      %dma_wait3A_153 = tpu.memref_slice %arg8[%sub3A_151, %dma_wait3A_152] : memref<25x256xi32, #tpu.memory_space<vmem>> -> memref<1x256xi32, #tpu.memory_space<vmem>>
      %dma_wait3A_154 = tpu.memref_squeeze %dma_wait3A_153 : memref<1x256xi32, #tpu.memory_space<vmem>> -> memref<256xi32, #tpu.memory_space<vmem>>
      %dma_wait3A_155 = arith.constant 0 : i32
      %dma_wait3A_156 = tpu.memref_slice %arg24[%mul3A_6, %dma_wait3A_155] : memref<2048x64xf32, #tpu.memory_space<vmem_shared>> -> memref<128x64xf32, #tpu.memory_space<vmem_shared>>
      %dma_wait3A_157 = arith.constant 0 : i32
      %dma_wait3A_158 = arith.constant 0 : i32
      %dma_wait3A_159 = tpu.memref_slice %dma_wait3A_156[%dma_wait3A_157, %dma_wait3A_158] : memref<128x64xf32, #tpu.memory_space<vmem_shared>> -> memref<128x64xf32, #tpu.memory_space<vmem_shared>>
      tpu.wait_indirect_dma semaphore(%arg21 : memref<!tpu.dma_semaphore, #tpu.memory_space<semaphore_mem>>) src(%arg11 : memref<256x64xf32, #tpu.memory_space<vmem>>) dst(%dma_wait3A_159 : memref<128x64xf32, #tpu.memory_space<vmem_shared>>)
      %lt3A_160 = arith.constant 4 : i32
      %lt3A_161 = arith.cmpi slt, %scan3A_50, %lt3A_160 : i32
      %convert_element_type3A_162 = arith.extui %lt3A_161 : i1 to i32
      %cond3A_163 = arith.constant 0 : i32
      %cond3A_164 = arith.cmpi ne, %convert_element_type3A_162, %cond3A_163 : i32
      scf.if %cond3A_164 {
        %add3A_213 = arith.constant 5 : i32
        %add3A_214 = arith.addi %add3A_149, %add3A_213 : i32
        %sub3A_215 = arith.constant 1 : i32
        %sub3A_216 = arith.subi %add3A_214, %sub3A_215 : i32
        %mul3A_217 = arith.constant 256 : i32
        %mul3A_218 = arith.muli %sub3A_216, %mul3A_217 : i32
        %dma_start3A_219 = tpu.memref_slice %arg7[%mul3A_218] : memref<6400xi32, #tpu.memory_space<vmem>> -> memref<256xi32, #tpu.memory_space<vmem>>
        %dma_start3A_220 = arith.constant 0 : i32
        %dma_start3A_221 = arith.constant 0 : i32
        %dma_start3A_222 = tpu.memref_slice %arg3[%dma_start3A_220, %dma_start3A_221] : memref<100000x64xf32, #tpu.memory_space<hbm>> -> memref<100000x64xf32, #tpu.memory_space<hbm>>
        tpu.enqueue_indirect_dma source(%dma_start3A_222 : memref<100000x64xf32, #tpu.memory_space<hbm>>) target(%arg11 : memref<256x64xf32, #tpu.memory_space<vmem>>) offsets(%dma_start3A_219 : memref<256xi32, #tpu.memory_space<vmem>>) semaphore(%arg16 : memref<!tpu.dma_semaphore, #tpu.memory_space<semaphore_mem>>)
      } else {
      }
      %mul3A_165 = arith.constant 256 : i32
      %mul3A_166 = arith.muli %add3A_149, %mul3A_165 : i32
      %dma_wait3A_167 = tpu.memref_slice %arg7[%mul3A_166] : memref<6400xi32, #tpu.memory_space<vmem>> -> memref<256xi32, #tpu.memory_space<vmem>>
      %dma_wait3A_168 = arith.constant 0 : i32
      %dma_wait3A_169 = arith.constant 0 : i32
      %dma_wait3A_170 = tpu.memref_slice %arg3[%dma_wait3A_168, %dma_wait3A_169] : memref<100000x64xf32, #tpu.memory_space<hbm>> -> memref<100000x64xf32, #tpu.memory_space<hbm>>
      tpu.wait_indirect_dma semaphore(%arg17 : memref<!tpu.dma_semaphore, #tpu.memory_space<semaphore_mem>>) src(%dma_wait3A_170 : memref<100000x64xf32, #tpu.memory_space<hbm>>) dst(%arg12 : memref<256x64xf32, #tpu.memory_space<vmem>>)
      %dma_start3A_171 = arith.constant 0 : i32
      %dma_start3A_172 = tpu.memref_slice %arg8[%add3A_149, %dma_start3A_171] : memref<25x256xi32, #tpu.memory_space<vmem>> -> memref<1x256xi32, #tpu.memory_space<vmem>>
      %dma_start3A_173 = tpu.memref_squeeze %dma_start3A_172 : memref<1x256xi32, #tpu.memory_space<vmem>> -> memref<256xi32, #tpu.memory_space<vmem>>
      %dma_start3A_174 = arith.constant 0 : i32
      %dma_start3A_175 = tpu.memref_slice %arg24[%mul3A_6, %dma_start3A_174] : memref<2048x64xf32, #tpu.memory_space<vmem_shared>> -> memref<128x64xf32, #tpu.memory_space<vmem_shared>>
      %dma_start3A_176 = arith.constant 0 : i32
      %dma_start3A_177 = arith.constant 0 : i32
      %dma_start3A_178 = tpu.memref_slice %dma_start3A_175[%dma_start3A_176, %dma_start3A_177] : memref<128x64xf32, #tpu.memory_space<vmem_shared>> -> memref<128x64xf32, #tpu.memory_space<vmem_shared>>
      tpu.enqueue_indirect_dma source(%arg12 : memref<256x64xf32, #tpu.memory_space<vmem>>) target(%dma_start3A_178 : memref<128x64xf32, #tpu.memory_space<vmem_shared>>) offsets(%dma_start3A_173 : memref<256xi32, #tpu.memory_space<vmem>>) semaphore(%arg22 : memref<!tpu.dma_semaphore, #tpu.memory_space<semaphore_mem>>) {add = true}
      %mul3A_179 = arith.constant 5 : i32
      %mul3A_180 = arith.muli %scan3A_50, %mul3A_179 : i32
      %add3A_181 = arith.constant 4 : i32
      %add3A_182 = arith.addi %mul3A_180, %add3A_181 : i32
      %sub3A_183 = arith.constant 1 : i32
      %sub3A_184 = arith.subi %add3A_182, %sub3A_183 : i32
      %dma_wait3A_185 = arith.constant 0 : i32
      %dma_wait3A_186 = tpu.memref_slice %arg8[%sub3A_184, %dma_wait3A_185] : memref<25x256xi32, #tpu.memory_space<vmem>> -> memref<1x256xi32, #tpu.memory_space<vmem>>
      %dma_wait3A_187 = tpu.memref_squeeze %dma_wait3A_186 : memref<1x256xi32, #tpu.memory_space<vmem>> -> memref<256xi32, #tpu.memory_space<vmem>>
      %dma_wait3A_188 = arith.constant 0 : i32
      %dma_wait3A_189 = tpu.memref_slice %arg24[%mul3A_6, %dma_wait3A_188] : memref<2048x64xf32, #tpu.memory_space<vmem_shared>> -> memref<128x64xf32, #tpu.memory_space<vmem_shared>>
      %dma_wait3A_190 = arith.constant 0 : i32
      %dma_wait3A_191 = arith.constant 0 : i32
      %dma_wait3A_192 = tpu.memref_slice %dma_wait3A_189[%dma_wait3A_190, %dma_wait3A_191] : memref<128x64xf32, #tpu.memory_space<vmem_shared>> -> memref<128x64xf32, #tpu.memory_space<vmem_shared>>
      tpu.wait_indirect_dma semaphore(%arg22 : memref<!tpu.dma_semaphore, #tpu.memory_space<semaphore_mem>>) src(%arg12 : memref<256x64xf32, #tpu.memory_space<vmem>>) dst(%dma_wait3A_192 : memref<128x64xf32, #tpu.memory_space<vmem_shared>>)
      %lt3A_193 = arith.constant 4 : i32
      %lt3A_194 = arith.cmpi slt, %scan3A_50, %lt3A_193 : i32
      %convert_element_type3A_195 = arith.extui %lt3A_194 : i1 to i32
      %cond3A_196 = arith.constant 0 : i32
      %cond3A_197 = arith.cmpi ne, %convert_element_type3A_195, %cond3A_196 : i32
      scf.if %cond3A_197 {
        %add3A_213 = arith.constant 5 : i32
        %add3A_214 = arith.addi %add3A_182, %add3A_213 : i32
        %sub3A_215 = arith.constant 1 : i32
        %sub3A_216 = arith.subi %add3A_214, %sub3A_215 : i32
        %mul3A_217 = arith.constant 256 : i32
        %mul3A_218 = arith.muli %sub3A_216, %mul3A_217 : i32
        %dma_start3A_219 = tpu.memref_slice %arg7[%mul3A_218] : memref<6400xi32, #tpu.memory_space<vmem>> -> memref<256xi32, #tpu.memory_space<vmem>>
        %dma_start3A_220 = arith.constant 0 : i32
        %dma_start3A_221 = arith.constant 0 : i32
        %dma_start3A_222 = tpu.memref_slice %arg3[%dma_start3A_220, %dma_start3A_221] : memref<100000x64xf32, #tpu.memory_space<hbm>> -> memref<100000x64xf32, #tpu.memory_space<hbm>>
        tpu.enqueue_indirect_dma source(%dma_start3A_222 : memref<100000x64xf32, #tpu.memory_space<hbm>>) target(%arg12 : memref<256x64xf32, #tpu.memory_space<vmem>>) offsets(%dma_start3A_219 : memref<256xi32, #tpu.memory_space<vmem>>) semaphore(%arg17 : memref<!tpu.dma_semaphore, #tpu.memory_space<semaphore_mem>>)
      } else {
      }
      %mul3A_198 = arith.constant 256 : i32
      %mul3A_199 = arith.muli %add3A_182, %mul3A_198 : i32
      %dma_wait3A_200 = tpu.memref_slice %arg7[%mul3A_199] : memref<6400xi32, #tpu.memory_space<vmem>> -> memref<256xi32, #tpu.memory_space<vmem>>
      %dma_wait3A_201 = arith.constant 0 : i32
      %dma_wait3A_202 = arith.constant 0 : i32
      %dma_wait3A_203 = tpu.memref_slice %arg3[%dma_wait3A_201, %dma_wait3A_202] : memref<100000x64xf32, #tpu.memory_space<hbm>> -> memref<100000x64xf32, #tpu.memory_space<hbm>>
      tpu.wait_indirect_dma semaphore(%arg18 : memref<!tpu.dma_semaphore, #tpu.memory_space<semaphore_mem>>) src(%dma_wait3A_203 : memref<100000x64xf32, #tpu.memory_space<hbm>>) dst(%arg13 : memref<256x64xf32, #tpu.memory_space<vmem>>)
      %dma_start3A_204 = arith.constant 0 : i32
      %dma_start3A_205 = tpu.memref_slice %arg8[%add3A_182, %dma_start3A_204] : memref<25x256xi32, #tpu.memory_space<vmem>> -> memref<1x256xi32, #tpu.memory_space<vmem>>
      %dma_start3A_206 = tpu.memref_squeeze %dma_start3A_205 : memref<1x256xi32, #tpu.memory_space<vmem>> -> memref<256xi32, #tpu.memory_space<vmem>>
      %dma_start3A_207 = arith.constant 0 : i32
      %dma_start3A_208 = tpu.memref_slice %arg24[%mul3A_6, %dma_start3A_207] : memref<2048x64xf32, #tpu.memory_space<vmem_shared>> -> memref<128x64xf32, #tpu.memory_space<vmem_shared>>
      %dma_start3A_209 = arith.constant 0 : i32
      %dma_start3A_210 = arith.constant 0 : i32
      %dma_start3A_211 = tpu.memref_slice %dma_start3A_208[%dma_start3A_209, %dma_start3A_210] : memref<128x64xf32, #tpu.memory_space<vmem_shared>> -> memref<128x64xf32, #tpu.memory_space<vmem_shared>>
      tpu.enqueue_indirect_dma source(%arg13 : memref<256x64xf32, #tpu.memory_space<vmem>>) target(%dma_start3A_211 : memref<128x64xf32, #tpu.memory_space<vmem_shared>>) offsets(%dma_start3A_206 : memref<256xi32, #tpu.memory_space<vmem>>) semaphore(%arg23 : memref<!tpu.dma_semaphore, #tpu.memory_space<semaphore_mem>>) {add = true}
      %scan3A_212 = arith.constant 0 : i32
      scf.yield %scan3A_212 : i32
    }
    %scan3A_33 = arith.constant 5 : i32
    %dma_wait3A = arith.constant 24 : i32
    %dma_wait3A_34 = arith.constant 0 : i32
    %dma_wait3A_35 = tpu.memref_slice %arg8[%dma_wait3A, %dma_wait3A_34] : memref<25x256xi32, #tpu.memory_space<vmem>> -> memref<1x256xi32, #tpu.memory_space<vmem>>
    %dma_wait3A_36 = tpu.memref_squeeze %dma_wait3A_35 : memref<1x256xi32, #tpu.memory_space<vmem>> -> memref<256xi32, #tpu.memory_space<vmem>>
    %dma_wait3A_37 = arith.constant 0 : i32
    %dma_wait3A_38 = tpu.memref_slice %arg24[%mul3A_6, %dma_wait3A_37] : memref<2048x64xf32, #tpu.memory_space<vmem_shared>> -> memref<128x64xf32, #tpu.memory_space<vmem_shared>>
    %dma_wait3A_39 = arith.constant 0 : i32
    %dma_wait3A_40 = arith.constant 0 : i32
    %dma_wait3A_41 = tpu.memref_slice %dma_wait3A_38[%dma_wait3A_39, %dma_wait3A_40] : memref<128x64xf32, #tpu.memory_space<vmem_shared>> -> memref<128x64xf32, #tpu.memory_space<vmem_shared>>
    tpu.wait_indirect_dma semaphore(%arg23 : memref<!tpu.dma_semaphore, #tpu.memory_space<semaphore_mem>>) src(%arg13 : memref<256x64xf32, #tpu.memory_space<vmem>>) dst(%dma_wait3A_41 : memref<128x64xf32, #tpu.memory_space<vmem_shared>>)
    %dma_start3A_42 = arith.constant 0 : i32
    %dma_start3A_43 = tpu.memref_slice %arg6[%mul3A_4, %dma_start3A_42] : memref<4096x64xf32, #tpu.memory_space<hbm>> -> memref<128x64xf32, #tpu.memory_space<hbm>>
    %dma_start3A_44 = arith.constant 0 : i32
    %dma_start3A_45 = tpu.memref_slice %arg24[%mul3A_6, %dma_start3A_44] : memref<2048x64xf32, #tpu.memory_space<vmem_shared>> -> memref<128x64xf32, #tpu.memory_space<vmem_shared>>
    tpu.enqueue_dma source(%dma_start3A_45 : memref<128x64xf32, #tpu.memory_space<vmem_shared>>) target(%dma_start3A_43 : memref<128x64xf32, #tpu.memory_space<hbm>>) target_semaphore(%arg25 : memref<!tpu.dma_semaphore, #tpu.memory_space<semaphore_mem>>)
    %dma_wait3A_46 = arith.constant 0 : i32
    %dma_wait3A_47 = tpu.memref_slice %arg6[%mul3A_4, %dma_wait3A_46] : memref<4096x64xf32, #tpu.memory_space<hbm>> -> memref<128x64xf32, #tpu.memory_space<hbm>>
    %dma_wait3A_48 = arith.constant 0 : i32
    %dma_wait3A_49 = tpu.memref_slice %arg24[%mul3A_6, %dma_wait3A_48] : memref<2048x64xf32, #tpu.memory_space<vmem_shared>> -> memref<128x64xf32, #tpu.memory_space<vmem_shared>>
    tpu.wait_dma2 semaphore(%arg25 : memref<!tpu.dma_semaphore, #tpu.memory_space<semaphore_mem>>) src(%dma_wait3A_49 : memref<128x64xf32, #tpu.memory_space<vmem_shared>>) dst(%dma_wait3A_47 : memref<128x64xf32, #tpu.memory_space<hbm>>)
    return
  }
}

module attributes {stable_mosaic.version = 14 : i64} {
  func.func @_mlp_body(%arg0: i32, %arg1: memref<4096x64xf32, #tpu.memory_space<vmem>>, %arg2: memref<4096x64xf32, #tpu.memory_space<vmem>>, %arg3: memref<64x128xf32, #tpu.memory_space<vmem>>, %arg4: memref<64x128xf32, #tpu.memory_space<vmem>>, %arg5: memref<1x128xf32, #tpu.memory_space<vmem>>, %arg6: memref<128x128xf32, #tpu.memory_space<vmem>>, %arg7: memref<1x128xf32, #tpu.memory_space<vmem>>, %arg8: memref<4096x5xf32, #tpu.memory_space<vmem>>) attributes {dimension_semantics = [#tpu.dimension_semantics<arbitrary>], iteration_bounds = array<i64: 1>, scalar_prefetch = 0 : i64, scratch_operands = 0 : i64, tpu.core_type = #tpu.core_type<tc>, window_params = [{transform_indices = @transform_0, window_bounds = array<i64: 4096, 64>}, {transform_indices = @transform_1, window_bounds = array<i64: 4096, 64>}, {pipeline_mode = #tpu.pipeline_mode<synchronous>, transform_indices = @transform_2, window_bounds = array<i64: 64, 128>}, {pipeline_mode = #tpu.pipeline_mode<synchronous>, transform_indices = @transform_3, window_bounds = array<i64: 64, 128>}, {pipeline_mode = #tpu.pipeline_mode<synchronous>, transform_indices = @transform_4, window_bounds = array<i64: 1, 128>}, {pipeline_mode = #tpu.pipeline_mode<synchronous>, transform_indices = @transform_5, window_bounds = array<i64: 128, 128>}, {pipeline_mode = #tpu.pipeline_mode<synchronous>, transform_indices = @transform_6, window_bounds = array<i64: 1, 128>}, {transform_indices = @transform_7, window_bounds = array<i64: 4096, 5>}]} {
    %get3A = arith.constant 0 : index
    %get3A_0 = arith.constant 0 : index
    %get3A_1 = vector.load %arg1[%get3A, %get3A_0] : memref<4096x64xf32, #tpu.memory_space<vmem>>, vector<4096x64xf32>
    %mul3A = arith.constant 2.000000e-02 : f32
    %mul3A_2 = vector.broadcast %mul3A : f32 to vector<4096x64xf32>
    %mul3A_3 = arith.mulf %get3A_1, %mul3A_2 : vector<4096x64xf32>
    %get3A_4 = arith.constant 0 : index
    %get3A_5 = arith.constant 0 : index
    %get3A_6 = vector.load %arg2[%get3A_4, %get3A_5] : memref<4096x64xf32, #tpu.memory_space<vmem>>, vector<4096x64xf32>
    %mul3A_7 = arith.constant 2.000000e-02 : f32
    %mul3A_8 = vector.broadcast %mul3A_7 : f32 to vector<4096x64xf32>
    %mul3A_9 = arith.mulf %get3A_6, %mul3A_8 : vector<4096x64xf32>
    %get3A_10 = arith.constant 0 : index
    %get3A_11 = arith.constant 0 : index
    %get3A_12 = vector.load %arg3[%get3A_10, %get3A_11] : memref<64x128xf32, #tpu.memory_space<vmem>>, vector<64x128xf32>
    %dot_general3A = arith.constant dense<0.000000e+00> : vector<4096x128xf32>
    %dot_general3A_13 = tpu.matmul %mul3A_3, %get3A_12, %dot_general3A {dimension_numbers = #tpu.dot_dimension_numbers<[1], [0], [0], [1], [0, 0, 1, 1], [], []>, transpose_lhs_hint = false} : vector<4096x64xf32>, vector<64x128xf32>, vector<4096x128xf32> -> vector<4096x128xf32>
    %get3A_14 = arith.constant 0 : index
    %get3A_15 = arith.constant 0 : index
    %get3A_16 = vector.load %arg4[%get3A_14, %get3A_15] : memref<64x128xf32, #tpu.memory_space<vmem>>, vector<64x128xf32>
    %dot_general3A_17 = arith.constant dense<0.000000e+00> : vector<4096x128xf32>
    %dot_general3A_18 = tpu.matmul %mul3A_9, %get3A_16, %dot_general3A_17 {dimension_numbers = #tpu.dot_dimension_numbers<[1], [0], [0], [1], [0, 0, 1, 1], [], []>, transpose_lhs_hint = false} : vector<4096x64xf32>, vector<64x128xf32>, vector<4096x128xf32> -> vector<4096x128xf32>
    %add3A = arith.addf %dot_general3A_13, %dot_general3A_18 : vector<4096x128xf32>
    %get3A_19 = arith.constant 0 : index
    %get3A_20 = arith.constant 0 : index
    %get3A_21 = vector.load %arg5[%get3A_19, %get3A_20] : memref<1x128xf32, #tpu.memory_space<vmem>>, vector<1x128xf32>
    %add3A_22 = vector.broadcast %get3A_21 : vector<1x128xf32> to vector<4096x128xf32>
    %add3A_23 = arith.addf %add3A, %add3A_22 : vector<4096x128xf32>
    %max3A = arith.constant 0.000000e+00 : f32
    %max3A_24 = vector.broadcast %max3A : f32 to vector<4096x128xf32>
    %max3A_25 = arith.maximumf %add3A_23, %max3A_24 : vector<4096x128xf32>
    %get3A_26 = arith.constant 0 : index
    %get3A_27 = arith.constant 0 : index
    %get3A_28 = vector.load %arg6[%get3A_26, %get3A_27] : memref<128x128xf32, #tpu.memory_space<vmem>>, vector<128x128xf32>
    %dot_general3A_29 = arith.constant dense<0.000000e+00> : vector<4096x128xf32>
    %dot_general3A_30 = tpu.matmul %max3A_25, %get3A_28, %dot_general3A_29 {dimension_numbers = #tpu.dot_dimension_numbers<[1], [0], [0], [1], [0, 0, 1, 1], [], []>, transpose_lhs_hint = false} : vector<4096x128xf32>, vector<128x128xf32>, vector<4096x128xf32> -> vector<4096x128xf32>
    %get3A_31 = arith.constant 0 : index
    %get3A_32 = arith.constant 0 : index
    %get3A_33 = vector.load %arg7[%get3A_31, %get3A_32] : memref<1x128xf32, #tpu.memory_space<vmem>>, vector<1x128xf32>
    %add3A_34 = vector.broadcast %get3A_33 : vector<1x128xf32> to vector<4096x128xf32>
    %add3A_35 = arith.addf %dot_general3A_30, %add3A_34 : vector<4096x128xf32>
    %reduce_max3A = arith.constant dense<0xFF800000> : vector<4096xf32>
    %reduce_max3A_36 = vector.multi_reduction <maximumf>, %add3A_35, %reduce_max3A [1] : vector<4096x128xf32> to vector<4096xf32>
    %broadcast_in_dim3A = vector.shape_cast %reduce_max3A_36 : vector<4096xf32> to vector<4096x1xf32>
    %sub3A = vector.broadcast %broadcast_in_dim3A : vector<4096x1xf32> to vector<4096x128xf32>
    %sub3A_37 = arith.subf %add3A_35, %sub3A : vector<4096x128xf32>
    %exp3A = math.exp %sub3A_37 : vector<4096x128xf32>
    %reduce_sum3A = arith.constant dense<0.000000e+00> : vector<4096xf32>
    %reduce_sum3A_38 = vector.multi_reduction <add>, %exp3A, %reduce_sum3A [1] : vector<4096x128xf32> to vector<4096xf32>
    %broadcast_in_dim3A_39 = vector.shape_cast %reduce_sum3A_38 : vector<4096xf32> to vector<4096x1xf32>
    %div3A = vector.broadcast %broadcast_in_dim3A_39 : vector<4096x1xf32> to vector<4096x128xf32>
    %div3A_40 = arith.divf %exp3A, %div3A : vector<4096x128xf32>
    %slice3A = vector.extract_strided_slice %div3A_40 {offsets = [0, 0], sizes = [4096, 5], strides = [1, 1]} : vector<4096x128xf32> to vector<4096x5xf32>
    %swap3A = arith.constant 0 : index
    %swap3A_41 = arith.constant 0 : index
    %swap3A_42 = vector.load %arg8[%swap3A, %swap3A_41] : memref<4096x5xf32, #tpu.memory_space<vmem>>, vector<4096x5xf32>
    tpu.vector_store %arg8[%swap3A, %swap3A_41], %slice3A {strides = array<i32>} : memref<4096x5xf32, #tpu.memory_space<vmem>>, vector<4096x5xf32>,
    return
  }
  func.func @transform_0(%arg0: i32) -> (i32, i32) {
    %c0_i32 = arith.constant 0 : i32
    %c0_i32_0 = arith.constant 0 : i32
    return %arg0, %c0_i32 : i32, i32
  }
  func.func @transform_1(%arg0: i32) -> (i32, i32) {
    %c0_i32 = arith.constant 0 : i32
    %c0_i32_0 = arith.constant 0 : i32
    return %arg0, %c0_i32 : i32, i32
  }
  func.func @transform_2(%arg0: i32) -> (i32, i32) {
    %c0_i32 = arith.constant 0 : i32
    %c0_i32_0 = arith.constant 0 : i32
    %c0_i32_1 = arith.constant 0 : i32
    return %c0_i32, %c0_i32_0 : i32, i32
  }
  func.func @transform_3(%arg0: i32) -> (i32, i32) {
    %c0_i32 = arith.constant 0 : i32
    %c0_i32_0 = arith.constant 0 : i32
    %c0_i32_1 = arith.constant 0 : i32
    return %c0_i32, %c0_i32_0 : i32, i32
  }
  func.func @transform_4(%arg0: i32) -> (i32, i32) {
    %c0_i32 = arith.constant 0 : i32
    %c0_i32_0 = arith.constant 0 : i32
    %c0_i32_1 = arith.constant 0 : i32
    return %c0_i32, %c0_i32_0 : i32, i32
  }
  func.func @transform_5(%arg0: i32) -> (i32, i32) {
    %c0_i32 = arith.constant 0 : i32
    %c0_i32_0 = arith.constant 0 : i32
    %c0_i32_1 = arith.constant 0 : i32
    return %c0_i32, %c0_i32_0 : i32, i32
  }
  func.func @transform_6(%arg0: i32) -> (i32, i32) {
    %c0_i32 = arith.constant 0 : i32
    %c0_i32_0 = arith.constant 0 : i32
    %c0_i32_1 = arith.constant 0 : i32
    return %c0_i32, %c0_i32_0 : i32, i32
  }
  func.func @transform_7(%arg0: i32) -> (i32, i32) {
    %c0_i32 = arith.constant 0 : i32
    %c0_i32_0 = arith.constant 0 : i32
    return %arg0, %c0_i32 : i32, i32
  }
}

</mosaic_0001>

<sc_bundles>
// kernel: kernel.5.cloned.1.call-start
scs
__scs_entry_jumppad:
0x0: {  	(pc) =	sbr.rel $0x88, $3  }
0x1: {  	(tag) =	ssettag $0x0;
	lr =	simm.s32 $0x1  }
0x2: {  	[smem:$0x3F9A] =	sst lr;
	_ =	strace $0xD0000000  }
0x3: {  	_ = 	snop  }
0x4: {  	_ = 	snop  }
0x5: {  	_ = 	snop  }
0x6: {  	_ = 	snop  }
0x7: {  	_ = 	snop  }
__scs_overlays_trampoline_lowered:
0x8: {  	[smem:$0x3FA9] =	sst s0  }
0x9: {  	[smem:$0x3FAA] =	sst s1  }
0xa: {  	[smem:$0x3FAB] =	sst s2  }
0xb: {  	[smem:$0x3FAC] =	sst s3  }
0xc: {  	[smem:$0x3FAD] =	sst s4  }
0xd: {  	[smem:$0x3FAE] =	sst s5  }
0xe: {  	[smem:$0x3FAF] =	sst s6  }
0xf: {  	[smem:$0x3FB0] =	sst s7  }
0x10: {  	[smem:$0x3FB1] =	sst s8  }
0x11: {  	[smem:$0x3FB2] =	sst s9;
	s0 =	simm.s32 @!p0 $0x0  }
0x12: {  	s1 =	sld [smem:$0x3F98];
	s0 =	simm.s32 @p0 $0x1  }
0x13: {  	[smem:$0x3FB3] =	sst s0;
	s0 =	simm.s32 @!p1 $0x0  }
0x14: {  	s2 =	sld [smem:$0x3F97];
	s0 =	simm.s32 @p1 $0x1  }
0x15: {  	[smem:$0x3FB4] =	sst s0;
	s0 =	simm.s32 @!p2 $0x0  }
0x16: {  	s3 =	sld [smem:$0x3FDB];
	s0 =	simm.s32 @p2 $0x1  }
0x17: {  	s4 =	simm.s32 $0x1BF5;
	[smem:$0x3FB6] =	sst s0  }
0x18: {  	s0 =	sld [smem:$0x3F99];
	_ =	swait.ge [sflag:s4], $0x0  }
0x19: {  	s7 =	sld [smem:$0x3F9A]  }
0x1a: {  	s8 =	sadd.s32 $0xFFFFE003, lr  }
0x1b: {  	s9 =	sadd.s32 $0xFFFFFEF7, lr;
	s5 =	simm.s32 $0xFFFFFFFF;
	p2 =	slt.u32 s8, $0xFFFFF086  }
0x1c: {  	p1 =	slt.u32 s9, $0xF7A;
	s5 =	simm.s32 @!p2 $0x0  }
0x1d: {  	s5 =	simm.s32 @p1 $0x1;
	p0 =	seq.s32 s7, s2  }
0x1e: {  	s7 =	smul.u32 @!p0 $0xF7A, s2;
	p2 =	seq.s32 @!p0 s5, $0x0  }
0x1f: {  	s9 =	smul.u32 $0xF7A, s1;
	s8 =	simm.s32 @!p0 $0x1BF5;
	p2 =	por !p2, p0  }
0x20: {  	[sflag:s8] =	ssyncset.s32 @!p0 $0xFFFFF086;
	s6 =	sadd.s32 @!p0 s3, s7;
	s7 =	simm.s32 @!p0 $0x108  }
0x21: {  	s3 =	sadd.s32 s3, s9;
	s6 =	sadd.s32 @!p0 $0x88, s6;
	s7 =	simm.s32 @p2 $0x1082  }
0x22: {  	[simem:s7], [sflag:s8] =	dma.local @!p0 [hbm:s6], $0xF7A  }
0x23: {  	s9 =	sor.u32 $0xD0000000, s2;
	s6 =	simm.s32 $0x108;
	_ =	swait.ge @!p0 [sflag:s8], $0x0  }
0x24: {  	s3 =	sadd.s32 $0x88, s3;
	s6 =	simm.s32 @!p1 $0x1082;
	[sflag:s4] =	ssyncset.s32 $0xFFFFF086  }
0x25: {  	[simem:s6], [sflag:s4] =	dma.local [hbm:s3], $0xF7A  }
0x26: {  	[smem:$0x3F9A] =	sst s1;
	(tag) =	ssettag s2;
	_ =	strace s9  }
0x27: {  	s1 =	sld [smem:$0x3FAA]  }
0x28: {  	s2 =	sld [smem:$0x3FAB]  }
0x29: {  	s4 =	sld [smem:$0x3FAD]  }
0x2a: {  	p0 =	seq.s32 s5, $0x0;
	s5 =	sld [smem:$0x3FAE]  }
0x2b: {  	s6 =	sld [smem:$0x3FAF]  }
0x2c: {  	s7 =	sld [smem:$0x3FB0]  }
0x2d: {  	s3 =	simm.s32 $0x108;
	s8 =	sld [smem:$0x3FB1]  }
0x2e: {  	s3 =	simm.s32 @!p0 $0x1082;
	s9 =	sld [smem:$0x3FB2]  }
0x2f: {  	lr =	sadd.s32 s0, s3;
	s0 =	sld [smem:$0x3FA9]  }
0x30: {  	s3 =	sld [smem:$0x3FAC]  }
0x31: {  	[smem:$0x3FB5] =	sst s10  }
0x32: {  	s10 =	sld [smem:$0x3FB3];
	_ =	sdelay $0x3  }
0x33: {  	p0 =	seq.s32 s10, $0x1;
	s10 =	sld [smem:$0x3FB5];
	_ =	sdelay $0x3  }
0x34: {  	[smem:$0x3FB5] =	sst s10  }
0x35: {  	s10 =	sld [smem:$0x3FB4];
	_ =	sdelay $0x3  }
0x36: {  	p1 =	seq.s32 s10, $0x1;
	s10 =	sld [smem:$0x3FB5];
	_ =	sdelay $0x3  }
0x37: {  	[smem:$0x3FB5] =	sst s10  }
0x38: {  	s10 =	sld [smem:$0x3FB6]  }
0x39: {  	_ = 	snop;
	(pc) =	sbr.ind lr, $3  }
0x3a: {  	_ = 	snop  }
0x3b: {  	_ = 	snop  }
0x3c: {  	p2 =	seq.s32 s10, $0x1;
	s10 =	sld [smem:$0x3FB5]  }
0x3d: {  	_ =	shalt  }
0x3e: {  	_ =	shalt  }
0x3f: {  	_ =	shalt  }
0x40: {  	_ =	shalt  }
0x41: {  	_ =	shalt  }
0x42: {  	_ =	shalt  }
0x43: {  	_ =	shalt  }
0x44: {  	_ =	shalt  }
0x45: {  	_ =	shalt  }
0x46: {  	_ =	shalt  }
0x47: {  	_ =	shalt  }
0x48: {  	_ =	shalt  }
0x49: {  	_ =	shalt  }
0x4a: {  	_ =	shalt  }
0x4b: {  	_ =	shalt  }
0x4c: {  	_ =	shalt  }
0x4d: {  	_ =	shalt  }
0x4e: {  	_ =	shalt  }
0x4f: {  	_ =	shalt  }
0x50: {  	_ =	shalt  }
0x51: {  	_ =	shalt  }
0x52: {  	_ =	shalt  }
0x53: {  	_ =	shalt  }
0x54: {  	_ =	shalt  }
0x55: {  	_ =	shalt  }
0x56: {  	_ =	shalt  }
0x57: {  	_ =	shalt  }
0x58: {  	_ =	shalt  }
0x59: {  	_ =	shalt  }
0x5a: {  	_ =	shalt  }
0x5b: {  	_ =	shalt  }
0x5c: {  	_ =	shalt  }
0x5d: {  	_ =	shalt  }
0x5e: {  	_ =	shalt  }
0x5f: {  	_ =	shalt  }
0x60: {  	_ =	shalt  }
0x61: {  	_ =	shalt  }
0x62: {  	_ =	shalt  }
0x63: {  	_ =	shalt  }
0x64: {  	_ =	shalt  }
0x65: {  	_ =	shalt  }
0x66: {  	_ =	shalt  }
0x67: {  	_ =	shalt  }
0x68: {  	_ =	shalt  }
0x69: {  	_ =	shalt  }
0x6a: {  	_ =	shalt  }
0x6b: {  	_ =	shalt  }
0x6c: {  	_ =	shalt  }
0x6d: {  	_ =	shalt  }
0x6e: {  	_ =	shalt  }
0x6f: {  	_ =	shalt  }
0x70: {  	_ =	shalt  }
0x71: {  	_ =	shalt  }
0x72: {  	_ =	shalt  }
0x73: {  	_ =	shalt  }
0x74: {  	_ =	shalt  }
0x75: {  	_ =	shalt  }
0x76: {  	_ =	shalt  }
0x77: {  	_ =	shalt  }
0x78: {  	_ =	shalt  }
0x79: {  	_ =	shalt  }
0x7a: {  	_ =	shalt  }
0x7b: {  	_ =	shalt  }
0x7c: {  	_ =	shalt  }
0x7d: {  	_ =	shalt  }
0x7e: {  	_ =	shalt  }
0x7f: {  	_ =	shalt  }
0x80: {  	_ =	shalt  }
0x81: {  	_ =	shalt  }
0x82: {  	_ =	shalt  }
0x83: {  	_ =	shalt  }
0x84: {  	_ =	shalt  }
0x85: {  	_ =	shalt  }
0x86: {  	_ =	shalt  }
0x87: {  	_ =	shalt  }
.Lfunc_end0:
.L_simem_size_0:
called_computation_lowered:
.L_overlay_start_0:
0x88: {  	s2 =	sld [smem:$0x3FD9]  }
0x89: {  	s3 =	sld [smem:$0x3FFE];
	_ =	sdelay $0x1  }
0x8a: {  	s1 =	srdreg.scid  }
0x8b: {  	s0 =	sand.u32 $0x1, s1  }
0x8c: {  	s17 =	sshll.u32 s0, $0xA;
	s2 =	sadd.s32 s3, s2  }
0x8d: {  	s2 =	sadd.s32 s2, s17  }
0x8e: {  	[smem:$0x3FC1] =	sst s2  }
0x8f: {  	_ = 	snop  }
0x90: {  	s2 =	sld [smem:$0x3FD0];
	(tm) =	ssettm $0x1  }
0x91: {  	s18 =	sld [smem:$0x3FFB];
	_ =	sdelay $0x3  }
0x92: {  	_ =	strace s18  }
0x93: {  	s3 =	sld [smem:$0x3FFC];
	_ =	sdelay $0x3  }
0x94: {  	_ =	strace s3  }
0x95: {  	s3 =	sld [smem:$0x3FFD];
	_ =	sdelay $0x3  }
0x96: {  	_ =	strace s3  }
0x97: {  	_ =	strace $0x8FFFFFFF  }
0x98: {  	s19 =	sld [smem:$0x3FDB];
	_ =	sdelay $0x1  }
0x99: {  	s4 =	simm.s32 $_scs_section_size  }
0x9a: {  	s5 =	simm.s32 $_size__tile_overlayer_lowered;
	s6 =	simm.s32 $_tile_overlayer_lowered  }
0x9b: {  	s22 =	simm.s32 $0x1BFF;
	s21 =	sshll.u32 s6, $0x1;
	s3 =	sadd.s32 s4, s19  }
0x9c: {  	s7 =	simm.s32 $0x0;
	s20 =	sshll.u32 s5, $0x1;
	s5 =	sadd.s32 s21, s3  }
0x9d: {  	[timem:s7], [sflag:s22] =	dma.local [hbm:s5], s20  }
0x9e: {  	_ =	swait.ge [sflag:s22], s20  }
0x9f: {  	s4 =	ssub.s32 $0x0, s20;
	[sflag:s22] =	ssyncset.done $0x0  }
0xa0: {  	[sflag:s22] =	ssyncadd.s32 s4;
	_ =	sdelay $0x1  }
0xa1: {  	s23 =	simm.s32 $0x1B8B  }
0xa2: {  	_ =	swait.ge [sflag:s23], $0x1  }
0xa3: {  	[sflag:s23] =	ssyncset.done $0x0  }
0xa4: {  	s25 =	simm.s32 $0x1B8E;
	s24 =	sld [smem:$0x3FFE];
	[sflag:s23] =	ssyncadd.s32 $0xFFFFFFFF  }
0xa5: {  	s26 =	simm.s32 $execute0_lowered;
	[smem:$0x3FD2] =	sst s25  }
0xa6: {  	s5 =	sshll.u32 s26, $0x1;
	_ =	strace $0x80000046;
	[dreg:$0x1] =	wrdreg $0xFFFFFFFF  }
0xa7: {  	s28 =	simm.s32 $_size_execute0_lowered;
	s3 =	sadd.s32 s3, s5;
	[dreg:$0x0] =	wrdreg $0x0  }
0xa8: {  	s5 =	sshll.u32 s28, $0x1;
	[dreg:$0x2] =	wrdreg s3  }
0xa9: {  	[dreg:$0x3] =	wrdreg s5  }
0xaa: {  	[dreg:$0x4] =	wrdreg $0xC0  }
0xab: {  	_ =	task [dreg:s7], $0x5FFFF  }
0xac: {  	[dreg:$0x1] =	wrdreg $0xFFFFFFFF  }
0xad: {  	[dreg:$0x0] =	wrdreg $0x60  }
0xae: {  	[dreg:$0x2] =	wrdreg s24  }
0xaf: {  	[dreg:$0x3] =	wrdreg s2  }
0xb0: {  	[dreg:$0x4] =	wrdreg $0x172000  }
0xb1: {  	[dreg:$0x5] =	wrdreg $0x9  }
0xb2: {  	_ =	task.clear_ibuf [dreg:s7], $0x6FFFF;
	_ =	strace $0x90000046  }
0xb3: {  	s29 =	simm.s32 $0x9;
	_ =	strace $0x80000048  }
0xb4: {  	_ =	swait.ge [sflag:s29], $0x1  }
0xb5: {  	[sflag:s29] =	ssyncadd.s32 $0xFFFFFFFF  }
0xb6: {  	_ =	strace $0x90000048  }
0xb7: {  	_ =	sfence  }
0xb8: {  	s30 =	sld [smem:$0x0];
	_ =	sdelay $0x2  }
0xb9: {  	s31 =	sshll.u32 s1, $0xD;
	s1 =	sshrl.u32 s1, $0x2  }
0xba: {  	s3 =	sand.u32 $0x4000, s31;
	s1 =	sadd.s32 s1, s30  }
0xbb: {  	s0 =	sor.u32 s3, s0;
	s1 =	sshll.u32 s1, $0x11  }
0xbc: {  	s0 =	sor.u32 s1, s0  }
0xbd: {  	s0 =	sadd.s32 $0x8F2B, s0  }
0xbe: {  	[sflag:s0] =	ssyncadd.remote.s32 $0x1  }
0xbf: {  	_ =	sfence.sel $0xFFFF  }
0xc0: {  	[dreg:$0x0] =	wrdreg $0xFFFFFFFF;
	(pc) =	sbr.abs _section_cstart, $3  }
0xc1: {  	[dreg:$0x1] =	wrdreg $0xFFFFFFFF  }
0xc2: {  	_ =	task.clear_ibuf [dreg:s7], $0x2FFFF;
	_ =	strace $0x9FFFFFFF  }
0xc3: {  	(tm) =	ssettm $0x7FFFFFFF  }
tec
execute0_lowered:
.L_overlay_start_1:
0x0: {  	(tag) =	ssettag $0x1  }
0x1: {  	s3 =	rddreg [dreg:$0x0]  }
0x2: {  	s0 =	rddreg [dreg:$0x1]  }
0x3: {  	s1 =	rddreg [dreg:$0x2]  }
0x4: {  	s31 =	rddreg [dreg:$0x3]  }
0x5: {  	s28 =	simm.s32 $0x0;
	[dreg:$0x5] =	wrdreg s0  }
0x6: {  	[smem:$0x7FF] =	sst s28;
	s6 =	sadd.s32 $0xF000, s3  }
0x7: {  	s12 =	simm.s32 $0x200;
	_ =	strace $0x80000047;
	[dreg:$0x4] =	wrdreg s6  }
0x8: {  	s13 =	simm.s32 $0x300;
	[dreg:$0x9] =	wrdreg s12  }
0x9: {  	s14 =	simm.s32 $0x400;
	[dreg:$0xa] =	wrdreg s13  }
0xa: {  	s15 =	simm.s32 $0x500;
	[dreg:$0xb] =	wrdreg s14  }
0xb: {  	s16 =	simm.s32 $0x1A00;
	[dreg:$0xc] =	wrdreg s15  }
0xc: {  	s17 =	simm.s32 $0x600;
	[dreg:$0xd] =	wrdreg s16  }
0xd: {  	s18 =	simm.s32 $0x1B00;
	[dreg:$0xe] =	wrdreg s17  }
0xe: {  	s19 =	simm.s32 $0x700;
	[dreg:$0xf] =	wrdreg s18  }
0xf: {  	s20 =	simm.s32 $0x1C00;
	[dreg:$0x10] =	wrdreg s19  }
0x10: {  	s21 =	simm.s32 $0x800;
	[dreg:$0x11] =	wrdreg s20  }
0x11: {  	s22 =	simm.s32 $0x1D00;
	[dreg:$0x12] =	wrdreg s21  }
0x12: {  	s24 =	simm.s32 $0x900;
	[dreg:$0x13] =	wrdreg s22  }
0x13: {  	s25 =	simm.s32 $0x1E00;
	[dreg:$0x14] =	wrdreg s24  }
0x14: {  	s26 =	simm.s32 $0xA00;
	[dreg:$0x15] =	wrdreg s25  }
0x15: {  	s2 =	srdreg.scid;
	s0 =	simm.s32 $0x1F00;
	[dreg:$0x16] =	wrdreg s26  }
0x16: {  	s23 =	stileid.u32;
	s7 =	simm.s32 $0x2000;
	[dreg:$0x17] =	wrdreg s0  }
0x17: {  	s8 =	simm.s32 $0xC00;
	s4 =	sand.u32 $0x1, s2;
	[dreg:$0x19] =	wrdreg s7  }
0x18: {  	s9 =	sshll.u32 s23, $0x1;
	s6 =	simm.s32 $0xB00;
	[dreg:$0x1a] =	wrdreg s8  }
0x19: {  	s2 =	sor.u32 s4, s9;
	s9 =	simm.s32 $0x2100;
	[dreg:$0x18] =	wrdreg s6  }
0x1a: {  	s12 =	simm.s32 $0xE00;
	[dreg:$0x1b] =	wrdreg s9  }
0x1b: {  	s14 =	simm.s32 $0x2300;
	[dreg:$0x1e] =	wrdreg s12  }
0x1c: {  	s29 =	simm.s32 $0x1900;
	s15 =	simm.s32 $0xF00;
	[dreg:$0x1f] =	wrdreg s14  }
0x1d: {  	s30 =	simm.s32 $0xC;
	s7 =	simm.s32 $0x2400;
	[smem:$0x7EA] =	sst s15  }
0x1e: {  	p0 =	por $0x0, $0x0;
	s17 =	simm.s32 $0x1000;
	[smem:$0x7EB] =	sst s7  }
0x1f: {  	s4 =	ssub.s32 $0x2, s4;
	s18 =	simm.s32 $0x2500;
	[smem:$0x7EC] =	sst s17  }
0x20: {  	s16 =	sshll.u32 s23, $0xD;
	s19 =	simm.s32 $0x1100;
	[smem:$0x7ED] =	sst s18  }
0x21: {  	s20 =	simm.s32 $0x2600;
	s21 =	simm.s32 $0x1200;
	[smem:$0x7EE] =	sst s19  }
0x22: {  	s22 =	simm.s32 $0x2700;
	s24 =	simm.s32 $0x1300;
	[smem:$0x7EF] =	sst s20  }
0x23: {  	s25 =	simm.s32 $0x2800;
	s26 =	simm.s32 $0x1400;
	[smem:$0x7F0] =	sst s21  }
0x24: {  	s8 =	simm.s32 $0xF200;
	s0 =	simm.s32 $0x2900;
	[smem:$0x7F1] =	sst s22  }
0x25: {  	s5 =	smul.u32 $0x320, s2;
	s2 =	sshll.u32 s2, $0xA;
	[smem:$0x7F2] =	sst s24  }
0x26: {  	s6 =	sadd.s32 $0x195A00, s3;
	s13 =	sshrl.u32 s4, $0x1;
	[smem:$0x7F3] =	sst s25  }
0x27: {  	s9 =	simm.s32 $0xB200;
	[smem:$0x7F4] =	sst s26;
	s7 =	simm.s32 $0x13200  }
0x28: {  	[smem:$0x7F5] =	sst s0;
	s12 =	simm.s32 $0x1500;
	s22 =	simm.s32 $0x1  }
0x29: {  	s20 =	simm.s32 $0x6;
	s15 =	simm.s32 $0x1600;
	s21 =	simm.s32 $0x2  }
0x2a: {  	s18 =	simm.s32 $0x7;
	s17 =	simm.s32 $0x1700;
	[smem:$0x7F6] =	sst s12  }
0x2b: {  	s19 =	simm.s32 $0x3;
	s24 =	simm.s32 $0x2C00;
	[smem:$0x7F8] =	sst s15  }
0x2c: {  	s25 =	simm.s32 $0x1800;
	s26 =	simm.s32 $0x2D00;
	[smem:$0x7FA] =	sst s17  }
0x2d: {  	s2 =	sadd.s32 s2, s3;
	s4 =	ssub.s32 s4, s13;
	[smem:$0x7FB] =	sst s24  }
0x2e: {  	s13 =	simm.s32 $0x2A00;
	s17 =	simm.s32 $0x4;
	[smem:$0x7FC] =	sst s25  }
0x2f: {  	s15 =	simm.s32 $0x9;
	[smem:$0x7FD] =	sst s26;
	s12 =	simm.s32 $0xA  }
0x30: {  	s26 =	simm.s32 $0x2E00;
	s25 =	simm.s32 $0x2F00;
	s24 =	simm.s32 $0x3000  }
0x31: {  	s5 =	sadd.s32 s5, s3;
	s10 =	sadd.s32 $0xF400, s2;
	s2 =	sshll.u32 s23, $0x6  }
0x32: {  	s3 =	sadd.s32 s16, s1;
	s14 =	smax.u32 s4, $0x1;
	[smem:$0x7F7] =	sst s13  }
0x33: {  	s16 =	simm.s32 $0x2B00;
	s13 =	simm.s32 $0x5;
	s5 =	sadd.s32 $0x2800, s5  }
0x34: {  	[dreg:$0x7] =	wrdreg s10;
	s11 =	sor.u32 $0x1C0C, s2;
	p1 =	sne.s32 s14, $0x1  }
.Ltmp0:
0x35: {  	s10 =	simm.s32 $0xD00;
	[smem:$0x7F9] =	sst s16;
	(pc) =	sbr.rel @!p1 .LBB2_5-.Ltmp0, $4  }
0x36: {  	s4 =	sshrl.u32 s3, $0x3;
	s16 =	simm.s32 $0x8;
	[dreg:$0x6] =	wrdreg s5  }
0x37: {  	s1 =	sadd.s32 $0xFFFFFFFF, s14;
	s14 =	simm.s32 $0xB;
	[dreg:$0x8] =	wrdreg s11  }
0x38: {  	[dreg:$0x1c] =	wrdreg s10;
	s11 =	simm.s32 $0x2200;
	s5 =	simm.s32 $0x100  }
0x39: {  	s10 =	simm.s32 $0x7200;
	[dreg:$0x1d] =	wrdreg s11;
	s11 =	simm.s32 $0x3200  }
0x3a: {  	s31 =	rddreg [dreg:$0x4]  }
0x3b: {  	[tilespmem:s29], [sflag:$0xC] =	stream.linear.gather [hbm4b:s31+s28], $0x1900, $0x38;
	[tilespmem:$0x19200] =	vst v63  }
0x3c: {  	_ =	swait.ge [sflag:s30], $0x1900  }
0x3d: {  	[sflag:s30] =	ssyncset.done $0x0  }
0x3e: {  	s31 =	rddreg [dreg:$0x6];
	[sflag:s30] =	ssyncadd.s32 $0xFFFFE700  }
0x3f: {  	[tilespmem:s28], [sflag:$0xC] =	stream.linear.gather [hbm4b:s31+s28], $0x1900, $0x38;
	[tilespmem:$0x19200] =	vst v63  }
0x40: {  	_ =	swait.ge [sflag:s30], $0x1900  }
0x41: {  	s31 =	rddreg [dreg:$0x5];
	[sflag:s30] =	ssyncset.done $0x0  }
0x42: {  	s0 =	rddreg [dreg:$0x8];
	[sflag:s30] =	ssyncadd.s32 $0xFFFFE700  }
0x43: {  	[spmem:s4], [sflag:s0] =	dma.local [hbm:s31], $0x400  }
0x44: {  	_ =	swait.ge [sflag:s30], $0x400  }
0x45: {  	[sflag:s30] =	ssyncset.done $0x0  }
0x46: {  	[sflag:s30] =	ssyncadd.s32 $0xFFFFFC00  }
0x47: {  	[tilespmem:s11], [sflag:$0x1] =	stream.indirect.gather [hbm4b:s6+s5], $0x40, s28, s5, $0xb8;
	[tilespmem:$0x19200] =	vst v63  }
0x48: {  	_ = 	snop  }
0x49: {  	[tilespmem:s10], [sflag:$0x2] =	stream.indirect.gather [hbm4b:s6+s5], $0x40, s5, s5, $0xb8;
	[tilespmem:$0x19200] =	vst v63  }
0x4a: {  	s23 =	rddreg [dreg:$0x9]  }
0x4b: {  	[tilespmem:s9], [sflag:$0x3] =	stream.indirect.gather [hbm4b:s6+s5], $0x40, s23, s5, $0xb8;
	[tilespmem:$0x19200] =	vst v63  }
0x4c: {  	s31 =	rddreg [dreg:$0xa]  }
0x4d: {  	[tilespmem:s8], [sflag:$0x4] =	stream.indirect.gather [hbm4b:s6+s5], $0x40, s31, s5, $0xb8;
	[tilespmem:$0x19200] =	vst v63  }
0x4e: {  	s23 =	rddreg [dreg:$0xb]  }
0x4f: {  	[tilespmem:s7], [sflag:$0x5] =	stream.indirect.gather [hbm4b:s6+s5], $0x40, s23, s5, $0xb8;
	[tilespmem:$0x19200] =	vst v63  }
0x50: {  	_ =	swait.ge [sflag:s22], $0x4000  }
0x51: {  	[sflag:s22] =	ssyncset.done $0x0  }
0x52: {  	[sflag:s22] =	ssyncadd.s32 $0xFFFFC000  }
0x53: {  	[spmem:s3] =	stream.indirect.scatter.add.f32 [tilespmem:s11], [sflag:$0x6], $0x40, s29, s5, $0xb8;
	[tilespmem:$0x19200] =	vst v63  }
0x54: {  	_ =	swait.ge [sflag:s20], $0x4000  }
0x55: {  	[sflag:s20] =	ssyncset.done $0x0  }
0x56: {  	s23 =	rddreg [dreg:$0xc];
	[sflag:s20] =	ssyncadd.s32 $0xFFFFC000  }
0x57: {  	[tilespmem:s11], [sflag:$0x1] =	stream.indirect.gather [hbm4b:s6+s5], $0x40, s23, s5, $0xb8;
	[tilespmem:$0x19200] =	vst v63  }
0x58: {  	_ =	swait.ge [sflag:s21], $0x4000  }
0x59: {  	[sflag:s21] =	ssyncset.done $0x0  }
0x5a: {  	s23 =	rddreg [dreg:$0xd];
	[sflag:s21] =	ssyncadd.s32 $0xFFFFC000  }
0x5b: {  	[spmem:s3] =	stream.indirect.scatter.add.f32 [tilespmem:s10], [sflag:$0x7], $0x40, s23, s5, $0xb8;
	[tilespmem:$0x19200] =	vst v63  }
0x5c: {  	_ =	swait.ge [sflag:s18], $0x4000  }
0x5d: {  	[sflag:s18] =	ssyncset.done $0x0  }
0x5e: {  	s23 =	rddreg [dreg:$0xe];
	[sflag:s18] =	ssyncadd.s32 $0xFFFFC000  }
0x5f: {  	[tilespmem:s10], [sflag:$0x2] =	stream.indirect.gather [hbm4b:s6+s5], $0x40, s23, s5, $0xb8;
	[tilespmem:$0x19200] =	vst v63  }
0x60: {  	_ =	swait.ge [sflag:s19], $0x4000  }
0x61: {  	[sflag:s19] =	ssyncset.done $0x0  }
0x62: {  	s23 =	rddreg [dreg:$0xf];
	[sflag:s19] =	ssyncadd.s32 $0xFFFFC000  }
0x63: {  	[spmem:s3] =	stream.indirect.scatter.add.f32 [tilespmem:s9], [sflag:$0x8], $0x40, s23, s5, $0xb8;
	[tilespmem:$0x19200] =	vst v63  }
0x64: {  	_ =	swait.ge [sflag:s16], $0x4000  }
0x65: {  	[sflag:s16] =	ssyncset.done $0x0  }
0x66: {  	s23 =	rddreg [dreg:$0x10];
	[sflag:s16] =	ssyncadd.s32 $0xFFFFC000  }
0x67: {  	[tilespmem:s9], [sflag:$0x3] =	stream.indirect.gather [hbm4b:s6+s5], $0x40, s23, s5, $0xb8;
	[tilespmem:$0x19200] =	vst v63  }
0x68: {  	_ =	swait.ge [sflag:s17], $0x4000  }
0x69: {  	[sflag:s17] =	ssyncset.done $0x0  }
0x6a: {  	s23 =	rddreg [dreg:$0x11];
	[sflag:s17] =	ssyncadd.s32 $0xFFFFC000  }
0x6b: {  	[spmem:s3] =	stream.indirect.scatter.add.f32 [tilespmem:s8], [sflag:$0x9], $0x40, s23, s5, $0xb8;
	[tilespmem:$0x19200] =	vst v63  }
0x6c: {  	_ =	swait.ge [sflag:s15], $0x4000  }
0x6d: {  	[sflag:s15] =	ssyncset.done $0x0  }
0x6e: {  	s23 =	rddreg [dreg:$0x12];
	[sflag:s15] =	ssyncadd.s32 $0xFFFFC000  }
0x6f: {  	[tilespmem:s8], [sflag:$0x4] =	stream.indirect.gather [hbm4b:s6+s5], $0x40, s23, s5, $0xb8;
	[tilespmem:$0x19200] =	vst v63  }
0x70: {  	_ =	swait.ge [sflag:s13], $0x4000  }
0x71: {  	[sflag:s13] =	ssyncset.done $0x0  }
0x72: {  	s23 =	rddreg [dreg:$0x13];
	[sflag:s13] =	ssyncadd.s32 $0xFFFFC000  }
0x73: {  	[spmem:s3] =	stream.indirect.scatter.add.f32 [tilespmem:s7], [sflag:$0xA], $0x40, s23, s5, $0xb8;
	[tilespmem:$0x19200] =	vst v63  }
0x74: {  	_ =	swait.ge [sflag:s12], $0x4000  }
0x75: {  	[sflag:s12] =	ssyncset.done $0x0  }
0x76: {  	s23 =	rddreg [dreg:$0x14];
	[sflag:s12] =	ssyncadd.s32 $0xFFFFC000  }
0x77: {  	[tilespmem:s7], [sflag:$0x5] =	stream.indirect.gather [hbm4b:s6+s5], $0x40, s23, s5, $0xb8;
	[tilespmem:$0x19200] =	vst v63  }
0x78: {  	_ =	swait.ge [sflag:s22], $0x4000  }
0x79: {  	[sflag:s22] =	ssyncset.done $0x0  }
0x7a: {  	s23 =	rddreg [dreg:$0x15];
	[sflag:s22] =	ssyncadd.s32 $0xFFFFC000  }
0x7b: {  	[spmem:s3] =	stream.indirect.scatter.add.f32 [tilespmem:s11], [sflag:$0x6], $0x40, s23, s5, $0xb8;
	[tilespmem:$0x19200] =	vst v63  }
0x7c: {  	_ =	swait.ge [sflag:s20], $0x4000  }
0x7d: {  	[sflag:s20] =	ssyncset.done $0x0  }
0x7e: {  	s23 =	rddreg [dreg:$0x16];
	[sflag:s20] =	ssyncadd.s32 $0xFFFFC000  }
0x7f: {  	[tilespmem:s11], [sflag:$0x1] =	stream.indirect.gather [hbm4b:s6+s5], $0x40, s23, s5, $0xb8;
	[tilespmem:$0x19200] =	vst v63  }
0x80: {  	_ =	swait.ge [sflag:s21], $0x4000  }
0x81: {  	[sflag:s21] =	ssyncset.done $0x0  }
0x82: {  	s23 =	rddreg [dreg:$0x17];
	[sflag:s21] =	ssyncadd.s32 $0xFFFFC000  }
0x83: {  	[spmem:s3] =	stream.indirect.scatter.add.f32 [tilespmem:s10], [sflag:$0x7], $0x40, s23, s5, $0xb8;
	[tilespmem:$0x19200] =	vst v63  }
0x84: {  	_ =	swait.ge [sflag:s18], $0x4000  }
0x85: {  	[sflag:s18] =	ssyncset.done $0x0  }
0x86: {  	s23 =	rddreg [dreg:$0x18];
	[sflag:s18] =	ssyncadd.s32 $0xFFFFC000  }
0x87: {  	[tilespmem:s10], [sflag:$0x2] =	stream.indirect.gather [hbm4b:s6+s5], $0x40, s23, s5, $0xb8;
	[tilespmem:$0x19200] =	vst v63  }
0x88: {  	_ =	swait.ge [sflag:s19], $0x4000  }
0x89: {  	[sflag:s19] =	ssyncset.done $0x0  }
0x8a: {  	s23 =	rddreg [dreg:$0x19];
	[sflag:s19] =	ssyncadd.s32 $0xFFFFC000  }
0x8b: {  	[spmem:s3] =	stream.indirect.scatter.add.f32 [tilespmem:s9], [sflag:$0x8], $0x40, s23, s5, $0xb8;
	[tilespmem:$0x19200] =	vst v63  }
0x8c: {  	_ =	swait.ge [sflag:s16], $0x4000  }
0x8d: {  	[sflag:s16] =	ssyncset.done $0x0  }
0x8e: {  	s23 =	rddreg [dreg:$0x1a];
	[sflag:s16] =	ssyncadd.s32 $0xFFFFC000  }
0x8f: {  	[tilespmem:s9], [sflag:$0x3] =	stream.indirect.gather [hbm4b:s6+s5], $0x40, s23, s5, $0xb8;
	[tilespmem:$0x19200] =	vst v63  }
0x90: {  	_ =	swait.ge [sflag:s17], $0x4000  }
0x91: {  	[sflag:s17] =	ssyncset.done $0x0  }
0x92: {  	s23 =	rddreg [dreg:$0x1b];
	[sflag:s17] =	ssyncadd.s32 $0xFFFFC000  }
0x93: {  	[spmem:s3] =	stream.indirect.scatter.add.f32 [tilespmem:s8], [sflag:$0x9], $0x40, s23, s5, $0xb8;
	[tilespmem:$0x19200] =	vst v63  }
0x94: {  	_ =	swait.ge [sflag:s15], $0x4000  }
0x95: {  	[sflag:s15] =	ssyncset.done $0x0  }
0x96: {  	s23 =	rddreg [dreg:$0x1c];
	[sflag:s15] =	ssyncadd.s32 $0xFFFFC000  }
0x97: {  	[tilespmem:s8], [sflag:$0x4] =	stream.indirect.gather [hbm4b:s6+s5], $0x40, s23, s5, $0xb8;
	[tilespmem:$0x19200] =	vst v63  }
0x98: {  	_ =	swait.ge [sflag:s13], $0x4000  }
0x99: {  	[sflag:s13] =	ssyncset.done $0x0  }
0x9a: {  	s23 =	rddreg [dreg:$0x1d];
	[sflag:s13] =	ssyncadd.s32 $0xFFFFC000  }
0x9b: {  	[spmem:s3] =	stream.indirect.scatter.add.f32 [tilespmem:s7], [sflag:$0xA], $0x40, s23, s5, $0xb8;
	[tilespmem:$0x19200] =	vst v63  }
0x9c: {  	_ =	swait.ge [sflag:s12], $0x4000  }
0x9d: {  	[sflag:s12] =	ssyncset.done $0x0  }
0x9e: {  	s23 =	rddreg [dreg:$0x1e];
	[sflag:s12] =	ssyncadd.s32 $0xFFFFC000  }
0x9f: {  	[tilespmem:s7], [sflag:$0x5] =	stream.indirect.gather [hbm4b:s6+s5], $0x40, s23, s5, $0xb8;
	[tilespmem:$0x19200] =	vst v63  }
0xa0: {  	_ =	swait.ge [sflag:s22], $0x4000  }
0xa1: {  	[sflag:s22] =	ssyncset.done $0x0  }
0xa2: {  	s23 =	rddreg [dreg:$0x1f];
	[sflag:s22] =	ssyncadd.s32 $0xFFFFC000  }
0xa3: {  	[spmem:s3] =	stream.indirect.scatter.add.f32 [tilespmem:s11], [sflag:$0x6], $0x40, s23, s5, $0xb8;
	[tilespmem:$0x19200] =	vst v63  }
0xa4: {  	_ =	swait.ge [sflag:s20], $0x4000  }
0xa5: {  	s23 =	sld [smem:$0x7EA]  }
0xa6: {  	[sflag:s20] =	ssyncset.done $0x0  }
0xa7: {  	[sflag:s20] =	ssyncadd.s32 $0xFFFFC000  }
0xa8: {  	[tilespmem:s11], [sflag:$0x1] =	stream.indirect.gather [hbm4b:s6+s5], $0x40, s23, s5, $0xb8;
	[tilespmem:$0x19200] =	vst v63  }
0xa9: {  	_ =	swait.ge [sflag:s21], $0x4000  }
0xaa: {  	s23 =	sld [smem:$0x7EB]  }
0xab: {  	[sflag:s21] =	ssyncset.done $0x0  }
0xac: {  	[sflag:s21] =	ssyncadd.s32 $0xFFFFC000  }
0xad: {  	[spmem:s3] =	stream.indirect.scatter.add.f32 [tilespmem:s10], [sflag:$0x7], $0x40, s23, s5, $0xb8;
	[tilespmem:$0x19200] =	vst v63  }
0xae: {  	_ =	swait.ge [sflag:s18], $0x4000  }
0xaf: {  	s23 =	sld [smem:$0x7EC]  }
0xb0: {  	[sflag:s18] =	ssyncset.done $0x0  }
0xb1: {  	[sflag:s18] =	ssyncadd.s32 $0xFFFFC000  }
0xb2: {  	[tilespmem:s10], [sflag:$0x2] =	stream.indirect.gather [hbm4b:s6+s5], $0x40, s23, s5, $0xb8;
	[tilespmem:$0x19200] =	vst v63  }
0xb3: {  	_ =	swait.ge [sflag:s19], $0x4000  }
0xb4: {  	s23 =	sld [smem:$0x7ED]  }
0xb5: {  	[sflag:s19] =	ssyncset.done $0x0  }
0xb6: {  	[sflag:s19] =	ssyncadd.s32 $0xFFFFC000  }
0xb7: {  	[spmem:s3] =	stream.indirect.scatter.add.f32 [tilespmem:s9], [sflag:$0x8], $0x40, s23, s5, $0xb8;
	[tilespmem:$0x19200] =	vst v63  }
0xb8: {  	_ =	swait.ge [sflag:s16], $0x4000  }
0xb9: {  	s23 =	sld [smem:$0x7EE]  }
0xba: {  	[sflag:s16] =	ssyncset.done $0x0  }
0xbb: {  	[sflag:s16] =	ssyncadd.s32 $0xFFFFC000  }
0xbc: {  	[tilespmem:s9], [sflag:$0x3] =	stream.indirect.gather [hbm4b:s6+s5], $0x40, s23, s5, $0xb8;
	[tilespmem:$0x19200] =	vst v63  }
0xbd: {  	_ =	swait.ge [sflag:s17], $0x4000  }
0xbe: {  	s23 =	sld [smem:$0x7EF]  }
0xbf: {  	[sflag:s17] =	ssyncset.done $0x0  }
0xc0: {  	[sflag:s17] =	ssyncadd.s32 $0xFFFFC000  }
0xc1: {  	[spmem:s3] =	stream.indirect.scatter.add.f32 [tilespmem:s8], [sflag:$0x9], $0x40, s23, s5, $0xb8;
	[tilespmem:$0x19200] =	vst v63  }
0xc2: {  	_ =	swait.ge [sflag:s15], $0x4000  }
0xc3: {  	s23 =	sld [smem:$0x7F0]  }
0xc4: {  	[sflag:s15] =	ssyncset.done $0x0  }
0xc5: {  	[sflag:s15] =	ssyncadd.s32 $0xFFFFC000  }
0xc6: {  	[tilespmem:s8], [sflag:$0x4] =	stream.indirect.gather [hbm4b:s6+s5], $0x40, s23, s5, $0xb8;
	[tilespmem:$0x19200] =	vst v63  }
0xc7: {  	_ =	swait.ge [sflag:s13], $0x4000  }
0xc8: {  	s23 =	sld [smem:$0x7F1]  }
0xc9: {  	[sflag:s13] =	ssyncset.done $0x0  }
0xca: {  	[sflag:s13] =	ssyncadd.s32 $0xFFFFC000  }
0xcb: {  	[spmem:s3] =	stream.indirect.scatter.add.f32 [tilespmem:s7], [sflag:$0xA], $0x40, s23, s5, $0xb8;
	[tilespmem:$0x19200] =	vst v63  }
0xcc: {  	_ =	swait.ge [sflag:s12], $0x4000  }
0xcd: {  	s23 =	sld [smem:$0x7F2]  }
0xce: {  	[sflag:s12] =	ssyncset.done $0x0  }
0xcf: {  	[sflag:s12] =	ssyncadd.s32 $0xFFFFC000  }
0xd0: {  	[tilespmem:s7], [sflag:$0x5] =	stream.indirect.gather [hbm4b:s6+s5], $0x40, s23, s5, $0xb8;
	[tilespmem:$0x19200] =	vst v63  }
0xd1: {  	_ =	swait.ge [sflag:s22], $0x4000  }
0xd2: {  	s23 =	sld [smem:$0x7F3]  }
0xd3: {  	[sflag:s22] =	ssyncset.done $0x0  }
0xd4: {  	[sflag:s22] =	ssyncadd.s32 $0xFFFFC000  }
0xd5: {  	[spmem:s3] =	stream.indirect.scatter.add.f32 [tilespmem:s11], [sflag:$0x6], $0x40, s23, s5, $0xb8;
	[tilespmem:$0x19200] =	vst v63  }
0xd6: {  	_ =	swait.ge [sflag:s20], $0x4000  }
0xd7: {  	s23 =	sld [smem:$0x7F4]  }
0xd8: {  	[sflag:s20] =	ssyncset.done $0x0  }
0xd9: {  	[sflag:s20] =	ssyncadd.s32 $0xFFFFC000  }
0xda: {  	[tilespmem:s11], [sflag:$0x1] =	stream.indirect.gather [hbm4b:s6+s5], $0x40, s23, s5, $0xb8;
	[tilespmem:$0x19200] =	vst v63  }
0xdb: {  	_ =	swait.ge [sflag:s21], $0x4000  }
0xdc: {  	s23 =	sld [smem:$0x7F5]  }
0xdd: {  	[sflag:s21] =	ssyncset.done $0x0  }
0xde: {  	[sflag:s21] =	ssyncadd.s32 $0xFFFFC000  }
0xdf: {  	[spmem:s3] =	stream.indirect.scatter.add.f32 [tilespmem:s10], [sflag:$0x7], $0x40, s23, s5, $0xb8;
	[tilespmem:$0x19200] =	vst v63  }
0xe0: {  	_ =	swait.ge [sflag:s18], $0x4000  }
0xe1: {  	s23 =	sld [smem:$0x7F6]  }
0xe2: {  	[sflag:s18] =	ssyncset.done $0x0  }
0xe3: {  	[sflag:s18] =	ssyncadd.s32 $0xFFFFC000  }
0xe4: {  	[tilespmem:s10], [sflag:$0x2] =	stream.indirect.gather [hbm4b:s6+s5], $0x40, s23, s5, $0xb8;
	[tilespmem:$0x19200] =	vst v63  }
0xe5: {  	_ =	swait.ge [sflag:s19], $0x4000  }
0xe6: {  	s23 =	sld [smem:$0x7F7]  }
0xe7: {  	[sflag:s19] =	ssyncset.done $0x0  }
0xe8: {  	[sflag:s19] =	ssyncadd.s32 $0xFFFFC000  }
0xe9: {  	[spmem:s3] =	stream.indirect.scatter.add.f32 [tilespmem:s9], [sflag:$0x8], $0x40, s23, s5, $0xb8;
	[tilespmem:$0x19200] =	vst v63  }
0xea: {  	_ =	swait.ge [sflag:s16], $0x4000  }
0xeb: {  	s23 =	sld [smem:$0x7F8]  }
0xec: {  	[sflag:s16] =	ssyncset.done $0x0  }
0xed: {  	[sflag:s16] =	ssyncadd.s32 $0xFFFFC000  }
0xee: {  	[tilespmem:s9], [sflag:$0x3] =	stream.indirect.gather [hbm4b:s6+s5], $0x40, s23, s5, $0xb8;
	[tilespmem:$0x19200] =	vst v63  }
0xef: {  	_ =	swait.ge [sflag:s17], $0x4000  }
0xf0: {  	s23 =	sld [smem:$0x7F9]  }
0xf1: {  	[sflag:s17] =	ssyncset.done $0x0  }
0xf2: {  	[sflag:s17] =	ssyncadd.s32 $0xFFFFC000  }
0xf3: {  	[spmem:s3] =	stream.indirect.scatter.add.f32 [tilespmem:s8], [sflag:$0x9], $0x40, s23, s5, $0xb8;
	[tilespmem:$0x19200] =	vst v63  }
0xf4: {  	_ =	swait.ge [sflag:s15], $0x4000  }
0xf5: {  	s23 =	sld [smem:$0x7FA]  }
0xf6: {  	[sflag:s15] =	ssyncset.done $0x0  }
0xf7: {  	[sflag:s15] =	ssyncadd.s32 $0xFFFFC000  }
0xf8: {  	[tilespmem:s8], [sflag:$0x4] =	stream.indirect.gather [hbm4b:s6+s5], $0x40, s23, s5, $0xb8;
	[tilespmem:$0x19200] =	vst v63  }
0xf9: {  	_ =	swait.ge [sflag:s13], $0x4000  }
0xfa: {  	s23 =	sld [smem:$0x7FB]  }
0xfb: {  	[sflag:s13] =	ssyncset.done $0x0  }
0xfc: {  	[sflag:s13] =	ssyncadd.s32 $0xFFFFC000  }
0xfd: {  	[spmem:s3] =	stream.indirect.scatter.add.f32 [tilespmem:s7], [sflag:$0xA], $0x40, s23, s5, $0xb8;
	[tilespmem:$0x19200] =	vst v63  }
0xfe: {  	_ =	swait.ge [sflag:s12], $0x4000  }
0xff: {  	s23 =	sld [smem:$0x7FC]  }
0x100: {  	[sflag:s12] =	ssyncset.done $0x0  }
0x101: {  	[sflag:s12] =	ssyncadd.s32 $0xFFFFC000  }
0x102: {  	[tilespmem:s7], [sflag:$0x5] =	stream.indirect.gather [hbm4b:s6+s5], $0x40, s23, s5, $0xb8;
	[tilespmem:$0x19200] =	vst v63  }
0x103: {  	_ =	swait.ge [sflag:s22], $0x4000  }
0x104: {  	s23 =	sld [smem:$0x7FD]  }
0x105: {  	[sflag:s22] =	ssyncset.done $0x0  }
0x106: {  	[sflag:s22] =	ssyncadd.s32 $0xFFFFC000  }
0x107: {  	[spmem:s3] =	stream.indirect.scatter.add.f32 [tilespmem:s11], [sflag:$0x6], $0x40, s23, s5, $0xb8;
	[tilespmem:$0x19200] =	vst v63  }
0x108: {  	_ =	swait.ge [sflag:s20], $0x4000  }
0x109: {  	[sflag:s20] =	ssyncset.done $0x0  }
0x10a: {  	[sflag:s20] =	ssyncadd.s32 $0xFFFFC000  }
0x10b: {  	_ =	swait.ge [sflag:s21], $0x4000  }
0x10c: {  	[sflag:s21] =	ssyncset.done $0x0  }
0x10d: {  	[sflag:s21] =	ssyncadd.s32 $0xFFFFC000  }
0x10e: {  	[spmem:s3] =	stream.indirect.scatter.add.f32 [tilespmem:s10], [sflag:$0x7], $0x40, s26, s5, $0xb8;
	[tilespmem:$0x19200] =	vst v63  }
0x10f: {  	_ =	swait.ge [sflag:s18], $0x4000  }
0x110: {  	[sflag:s18] =	ssyncset.done $0x0  }
0x111: {  	[sflag:s18] =	ssyncadd.s32 $0xFFFFC000  }
0x112: {  	_ =	swait.ge [sflag:s19], $0x4000  }
0x113: {  	[sflag:s19] =	ssyncset.done $0x0  }
0x114: {  	[sflag:s19] =	ssyncadd.s32 $0xFFFFC000  }
0x115: {  	[spmem:s3] =	stream.indirect.scatter.add.f32 [tilespmem:s9], [sflag:$0x8], $0x40, s25, s5, $0xb8;
	[tilespmem:$0x19200] =	vst v63  }
0x116: {  	_ =	swait.ge [sflag:s16], $0x4000  }
0x117: {  	[sflag:s16] =	ssyncset.done $0x0  }
0x118: {  	[sflag:s16] =	ssyncadd.s32 $0xFFFFC000  }
0x119: {  	_ =	swait.ge [sflag:s17], $0x4000  }
0x11a: {  	[sflag:s17] =	ssyncset.done $0x0  }
0x11b: {  	[sflag:s17] =	ssyncadd.s32 $0xFFFFC000  }
0x11c: {  	[spmem:s3] =	stream.indirect.scatter.add.f32 [tilespmem:s8], [sflag:$0x9], $0x40, s24, s5, $0xb8;
	[tilespmem:$0x19200] =	vst v63  }
0x11d: {  	_ =	swait.ge [sflag:s15], $0x4000  }
0x11e: {  	[sflag:s15] =	ssyncset.done $0x0  }
0x11f: {  	[sflag:s15] =	ssyncadd.s32 $0xFFFFC000  }
0x120: {  	_ =	swait.ge [sflag:s13], $0x4000  }
0x121: {  	[sflag:s13] =	ssyncset.done $0x0  }
0x122: {  	p1 =	sne.s32 s1, $0x1;
	s23 =	simm.s32 $0x3100;
	[sflag:s13] =	ssyncadd.s32 $0xFFFFC000  }
0x123: {  	[spmem:s3] =	stream.indirect.scatter.add.f32 [tilespmem:s7], [sflag:$0xA], $0x40, s23, s5, $0xb8;
	[tilespmem:$0x19200] =	vst v63  }
.Ltmp1:
0x124: {  	_ =	swait.ge [sflag:s12], $0x4000;
	(pc) =	sbr.rel @!p1 .LBB2_2-.Ltmp1, $4  }
0x125: {  	s23 =	rddreg [dreg:$0x7];
	[sflag:s12] =	ssyncset.done $0x0  }
0x126: {  	s31 =	sor.u32 $0x1C0B, s2;
	[smem:$0x7E9] =	sst s2;
	[sflag:s12] =	ssyncadd.s32 $0xFFFFC000  }
0x127: {  	[hbm:s23], [sflag:s31] =	dma.local [spmem:s4], $0x400  }
0x128: {  	s1 =	sadd.s32 $0xFFFFFFFF, s1;
	p0 =	por $0x1, $0x1;
	_ =	swait.ge [sflag:s14], $0x400  }
.LBB2_3:
0x129: {  	[sflag:s14] =	ssyncset.done $0x0  }
0x12a: {  	s0 =	rddreg [dreg:$0x4];
	[sflag:s14] =	ssyncadd.s32 $0xFFFFFC00  }
0x12b: {  	[tilespmem:s29], [sflag:$0xC] =	stream.linear.gather [hbm4b:s0+s28], $0x1900, $0x38;
	[tilespmem:$0x19200] =	vst v63  }
0x12c: {  	_ =	swait.ge [sflag:s30], $0x1900  }
0x12d: {  	[sflag:s30] =	ssyncset.done $0x0  }
0x12e: {  	s2 =	rddreg [dreg:$0x6];
	[sflag:s30] =	ssyncadd.s32 $0xFFFFE700  }
0x12f: {  	[tilespmem:s28], [sflag:$0xC] =	stream.linear.gather [hbm4b:s2+s28], $0x1900, $0x38;
	[tilespmem:$0x19200] =	vst v63  }
0x130: {  	_ =	swait.ge [sflag:s30], $0x1900  }
0x131: {  	[sflag:s30] =	ssyncset.done $0x0;
	s23 =	rddreg [dreg:$0x5]  }
0x132: {  	s2 =	rddreg [dreg:$0x8];
	[sflag:s30] =	ssyncadd.s32 $0xFFFFE700  }
0x133: {  	[spmem:s4], [sflag:s2] =	dma.local [hbm:s23], $0x400  }
0x134: {  	_ =	swait.ge [sflag:s30], $0x400  }
0x135: {  	[sflag:s30] =	ssyncset.done $0x0  }
0x136: {  	[sflag:s30] =	ssyncadd.s32 $0xFFFFFC00  }
0x137: {  	[tilespmem:s11], [sflag:$0x1] =	stream.indirect.gather [hbm4b:s6+s5], $0x40, s28, s5, $0xb8;
	[tilespmem:$0x19200] =	vst v63  }
0x138: {  	_ = 	snop  }
0x139: {  	[tilespmem:s10], [sflag:$0x2] =	stream.indirect.gather [hbm4b:s6+s5], $0x40, s5, s5, $0xb8;
	[tilespmem:$0x19200] =	vst v63  }
0x13a: {  	s0 =	rddreg [dreg:$0x9]  }
0x13b: {  	[tilespmem:s9], [sflag:$0x3] =	stream.indirect.gather [hbm4b:s6+s5], $0x40, s0, s5, $0xb8;
	[tilespmem:$0x19200] =	vst v63  }
0x13c: {  	s2 =	rddreg [dreg:$0xa]  }
0x13d: {  	[tilespmem:s8], [sflag:$0x4] =	stream.indirect.gather [hbm4b:s6+s5], $0x40, s2, s5, $0xb8;
	[tilespmem:$0x19200] =	vst v63  }
0x13e: {  	s23 =	rddreg [dreg:$0xb]  }
0x13f: {  	[tilespmem:s7], [sflag:$0x5] =	stream.indirect.gather [hbm4b:s6+s5], $0x40, s23, s5, $0xb8;
	[tilespmem:$0x19200] =	vst v63  }
0x140: {  	_ =	swait.ge [sflag:s22], $0x4000  }
0x141: {  	[sflag:s22] =	ssyncset.done $0x0  }
0x142: {  	[sflag:s22] =	ssyncadd.s32 $0xFFFFC000  }
0x143: {  	[spmem:s3] =	stream.indirect.scatter.add.f32 [tilespmem:s11], [sflag:$0x6], $0x40, s29, s5, $0xb8;
	[tilespmem:$0x19200] =	vst v63  }
0x144: {  	_ =	swait.ge [sflag:s20], $0x4000  }
0x145: {  	[sflag:s20] =	ssyncset.done $0x0  }
0x146: {  	s2 =	rddreg [dreg:$0xc];
	[sflag:s20] =	ssyncadd.s32 $0xFFFFC000  }
0x147: {  	[tilespmem:s11], [sflag:$0x1] =	stream.indirect.gather [hbm4b:s6+s5], $0x40, s2, s5, $0xb8;
	[tilespmem:$0x19200] =	vst v63  }
0x148: {  	_ =	swait.ge [sflag:s21], $0x4000  }
0x149: {  	[sflag:s21] =	ssyncset.done $0x0  }
0x14a: {  	s23 =	rddreg [dreg:$0xd];
	[sflag:s21] =	ssyncadd.s32 $0xFFFFC000  }
0x14b: {  	[spmem:s3] =	stream.indirect.scatter.add.f32 [tilespmem:s10], [sflag:$0x7], $0x40, s23, s5, $0xb8;
	[tilespmem:$0x19200] =	vst v63  }
0x14c: {  	_ =	swait.ge [sflag:s18], $0x4000  }
0x14d: {  	[sflag:s18] =	ssyncset.done $0x0  }
0x14e: {  	s2 =	rddreg [dreg:$0xe];
	[sflag:s18] =	ssyncadd.s32 $0xFFFFC000  }
0x14f: {  	[tilespmem:s10], [sflag:$0x2] =	stream.indirect.gather [hbm4b:s6+s5], $0x40, s2, s5, $0xb8;
	[tilespmem:$0x19200] =	vst v63  }
0x150: {  	_ =	swait.ge [sflag:s19], $0x4000  }
0x151: {  	[sflag:s19] =	ssyncset.done $0x0  }
0x152: {  	s23 =	rddreg [dreg:$0xf];
	[sflag:s19] =	ssyncadd.s32 $0xFFFFC000  }
0x153: {  	[spmem:s3] =	stream.indirect.scatter.add.f32 [tilespmem:s9], [sflag:$0x8], $0x40, s23, s5, $0xb8;
	[tilespmem:$0x19200] =	vst v63  }
0x154: {  	_ =	swait.ge [sflag:s16], $0x4000  }
0x155: {  	[sflag:s16] =	ssyncset.done $0x0  }
0x156: {  	s2 =	rddreg [dreg:$0x10];
	[sflag:s16] =	ssyncadd.s32 $0xFFFFC000  }
0x157: {  	[tilespmem:s9], [sflag:$0x3] =	stream.indirect.gather [hbm4b:s6+s5], $0x40, s2, s5, $0xb8;
	[tilespmem:$0x19200] =	vst v63  }
0x158: {  	_ =	swait.ge [sflag:s17], $0x4000  }
0x159: {  	[sflag:s17] =	ssyncset.done $0x0  }
0x15a: {  	s23 =	rddreg [dreg:$0x11];
	[sflag:s17] =	ssyncadd.s32 $0xFFFFC000  }
0x15b: {  	[spmem:s3] =	stream.indirect.scatter.add.f32 [tilespmem:s8], [sflag:$0x9], $0x40, s23, s5, $0xb8;
	[tilespmem:$0x19200] =	vst v63  }
0x15c: {  	_ =	swait.ge [sflag:s15], $0x4000  }
0x15d: {  	[sflag:s15] =	ssyncset.done $0x0  }
0x15e: {  	s2 =	rddreg [dreg:$0x12];
	[sflag:s15] =	ssyncadd.s32 $0xFFFFC000  }
0x15f: {  	[tilespmem:s8], [sflag:$0x4] =	stream.indirect.gather [hbm4b:s6+s5], $0x40, s2, s5, $0xb8;
	[tilespmem:$0x19200] =	vst v63  }
0x160: {  	_ =	swait.ge [sflag:s13], $0x4000  }
0x161: {  	[sflag:s13] =	ssyncset.done $0x0  }
0x162: {  	s23 =	rddreg [dreg:$0x13];
	[sflag:s13] =	ssyncadd.s32 $0xFFFFC000  }
0x163: {  	[spmem:s3] =	stream.indirect.scatter.add.f32 [tilespmem:s7], [sflag:$0xA], $0x40, s23, s5, $0xb8;
	[tilespmem:$0x19200] =	vst v63  }
0x164: {  	_ =	swait.ge [sflag:s12], $0x4000  }
0x165: {  	[sflag:s12] =	ssyncset.done $0x0  }
0x166: {  	s2 =	rddreg [dreg:$0x14];
	[sflag:s12] =	ssyncadd.s32 $0xFFFFC000  }
0x167: {  	[tilespmem:s7], [sflag:$0x5] =	stream.indirect.gather [hbm4b:s6+s5], $0x40, s2, s5, $0xb8;
	[tilespmem:$0x19200] =	vst v63  }
0x168: {  	_ =	swait.ge [sflag:s22], $0x4000  }
0x169: {  	[sflag:s22] =	ssyncset.done $0x0  }
0x16a: {  	s23 =	rddreg [dreg:$0x15];
	[sflag:s22] =	ssyncadd.s32 $0xFFFFC000  }
0x16b: {  	[spmem:s3] =	stream.indirect.scatter.add.f32 [tilespmem:s11], [sflag:$0x6], $0x40, s23, s5, $0xb8;
	[tilespmem:$0x19200] =	vst v63  }
0x16c: {  	_ =	swait.ge [sflag:s20], $0x4000  }
0x16d: {  	[sflag:s20] =	ssyncset.done $0x0  }
0x16e: {  	s2 =	rddreg [dreg:$0x16];
	[sflag:s20] =	ssyncadd.s32 $0xFFFFC000  }
0x16f: {  	[tilespmem:s11], [sflag:$0x1] =	stream.indirect.gather [hbm4b:s6+s5], $0x40, s2, s5, $0xb8;
	[tilespmem:$0x19200] =	vst v63  }
0x170: {  	_ =	swait.ge [sflag:s21], $0x4000  }
0x171: {  	[sflag:s21] =	ssyncset.done $0x0  }
0x172: {  	s23 =	rddreg [dreg:$0x17];
	[sflag:s21] =	ssyncadd.s32 $0xFFFFC000  }
0x173: {  	[spmem:s3] =	stream.indirect.scatter.add.f32 [tilespmem:s10], [sflag:$0x7], $0x40, s23, s5, $0xb8;
	[tilespmem:$0x19200] =	vst v63  }
0x174: {  	_ =	swait.ge [sflag:s18], $0x4000  }
0x175: {  	[sflag:s18] =	ssyncset.done $0x0  }
0x176: {  	s2 =	rddreg [dreg:$0x18];
	[sflag:s18] =	ssyncadd.s32 $0xFFFFC000  }
0x177: {  	[tilespmem:s10], [sflag:$0x2] =	stream.indirect.gather [hbm4b:s6+s5], $0x40, s2, s5, $0xb8;
	[tilespmem:$0x19200] =	vst v63  }
0x178: {  	_ =	swait.ge [sflag:s19], $0x4000  }
0x179: {  	[sflag:s19] =	ssyncset.done $0x0  }
0x17a: {  	s23 =	rddreg [dreg:$0x19];
	[sflag:s19] =	ssyncadd.s32 $0xFFFFC000  }
0x17b: {  	[spmem:s3] =	stream.indirect.scatter.add.f32 [tilespmem:s9], [sflag:$0x8], $0x40, s23, s5, $0xb8;
	[tilespmem:$0x19200] =	vst v63  }
0x17c: {  	_ =	swait.ge [sflag:s16], $0x4000  }
0x17d: {  	[sflag:s16] =	ssyncset.done $0x0  }
0x17e: {  	s2 =	rddreg [dreg:$0x1a];
	[sflag:s16] =	ssyncadd.s32 $0xFFFFC000  }
0x17f: {  	[tilespmem:s9], [sflag:$0x3] =	stream.indirect.gather [hbm4b:s6+s5], $0x40, s2, s5, $0xb8;
	[tilespmem:$0x19200] =	vst v63  }
0x180: {  	_ =	swait.ge [sflag:s17], $0x4000  }
0x181: {  	[sflag:s17] =	ssyncset.done $0x0  }
0x182: {  	s23 =	rddreg [dreg:$0x1b];
	[sflag:s17] =	ssyncadd.s32 $0xFFFFC000  }
0x183: {  	[spmem:s3] =	stream.indirect.scatter.add.f32 [tilespmem:s8], [sflag:$0x9], $0x40, s23, s5, $0xb8;
	[tilespmem:$0x19200] =	vst v63  }
0x184: {  	_ =	swait.ge [sflag:s15], $0x4000  }
0x185: {  	[sflag:s15] =	ssyncset.done $0x0  }
0x186: {  	s2 =	rddreg [dreg:$0x1c];
	[sflag:s15] =	ssyncadd.s32 $0xFFFFC000  }
0x187: {  	[tilespmem:s8], [sflag:$0x4] =	stream.indirect.gather [hbm4b:s6+s5], $0x40, s2, s5, $0xb8;
	[tilespmem:$0x19200] =	vst v63  }
0x188: {  	_ =	swait.ge [sflag:s13], $0x4000  }
0x189: {  	[sflag:s13] =	ssyncset.done $0x0  }
0x18a: {  	s23 =	rddreg [dreg:$0x1d];
	[sflag:s13] =	ssyncadd.s32 $0xFFFFC000  }
0x18b: {  	[spmem:s3] =	stream.indirect.scatter.add.f32 [tilespmem:s7], [sflag:$0xA], $0x40, s23, s5, $0xb8;
	[tilespmem:$0x19200] =	vst v63  }
0x18c: {  	_ =	swait.ge [sflag:s12], $0x4000  }
0x18d: {  	[sflag:s12] =	ssyncset.done $0x0  }
0x18e: {  	s2 =	rddreg [dreg:$0x1e];
	[sflag:s12] =	ssyncadd.s32 $0xFFFFC000  }
0x18f: {  	[tilespmem:s7], [sflag:$0x5] =	stream.indirect.gather [hbm4b:s6+s5], $0x40, s2, s5, $0xb8;
	[tilespmem:$0x19200] =	vst v63  }
0x190: {  	_ =	swait.ge [sflag:s22], $0x4000  }
0x191: {  	[sflag:s22] =	ssyncset.done $0x0  }
0x192: {  	s23 =	rddreg [dreg:$0x1f];
	[sflag:s22] =	ssyncadd.s32 $0xFFFFC000  }
0x193: {  	[spmem:s3] =	stream.indirect.scatter.add.f32 [tilespmem:s11], [sflag:$0x6], $0x40, s23, s5, $0xb8;
	[tilespmem:$0x19200] =	vst v63  }
0x194: {  	_ =	swait.ge [sflag:s20], $0x4000  }
0x195: {  	s2 =	sld [smem:$0x7EA]  }
0x196: {  	[sflag:s20] =	ssyncset.done $0x0  }
0x197: {  	[sflag:s20] =	ssyncadd.s32 $0xFFFFC000  }
0x198: {  	[tilespmem:s11], [sflag:$0x1] =	stream.indirect.gather [hbm4b:s6+s5], $0x40, s2, s5, $0xb8;
	[tilespmem:$0x19200] =	vst v63  }
0x199: {  	_ =	swait.ge [sflag:s21], $0x4000  }
0x19a: {  	s23 =	sld [smem:$0x7EB]  }
0x19b: {  	[sflag:s21] =	ssyncset.done $0x0  }
0x19c: {  	[sflag:s21] =	ssyncadd.s32 $0xFFFFC000  }
0x19d: {  	[spmem:s3] =	stream.indirect.scatter.add.f32 [tilespmem:s10], [sflag:$0x7], $0x40, s23, s5, $0xb8;
	[tilespmem:$0x19200] =	vst v63  }
0x19e: {  	_ =	swait.ge [sflag:s18], $0x4000  }
0x19f: {  	s2 =	sld [smem:$0x7EC]  }
0x1a0: {  	[sflag:s18] =	ssyncset.done $0x0  }
0x1a1: {  	[sflag:s18] =	ssyncadd.s32 $0xFFFFC000  }
0x1a2: {  	[tilespmem:s10], [sflag:$0x2] =	stream.indirect.gather [hbm4b:s6+s5], $0x40, s2, s5, $0xb8;
	[tilespmem:$0x19200] =	vst v63  }
0x1a3: {  	_ =	swait.ge [sflag:s19], $0x4000  }
0x1a4: {  	s23 =	sld [smem:$0x7ED]  }
0x1a5: {  	[sflag:s19] =	ssyncset.done $0x0  }
0x1a6: {  	[sflag:s19] =	ssyncadd.s32 $0xFFFFC000  }
0x1a7: {  	[spmem:s3] =	stream.indirect.scatter.add.f32 [tilespmem:s9], [sflag:$0x8], $0x40, s23, s5, $0xb8;
	[tilespmem:$0x19200] =	vst v63  }
0x1a8: {  	_ =	swait.ge [sflag:s16], $0x4000  }
0x1a9: {  	s2 =	sld [smem:$0x7EE]  }
0x1aa: {  	[sflag:s16] =	ssyncset.done $0x0  }
0x1ab: {  	[sflag:s16] =	ssyncadd.s32 $0xFFFFC000  }
0x1ac: {  	[tilespmem:s9], [sflag:$0x3] =	stream.indirect.gather [hbm4b:s6+s5], $0x40, s2, s5, $0xb8;
	[tilespmem:$0x19200] =	vst v63  }
0x1ad: {  	_ =	swait.ge [sflag:s17], $0x4000  }
0x1ae: {  	s23 =	sld [smem:$0x7EF]  }
0x1af: {  	[sflag:s17] =	ssyncset.done $0x0  }
0x1b0: {  	[sflag:s17] =	ssyncadd.s32 $0xFFFFC000  }
0x1b1: {  	[spmem:s3] =	stream.indirect.scatter.add.f32 [tilespmem:s8], [sflag:$0x9], $0x40, s23, s5, $0xb8;
	[tilespmem:$0x19200] =	vst v63  }
0x1b2: {  	_ =	swait.ge [sflag:s15], $0x4000  }
0x1b3: {  	s2 =	sld [smem:$0x7F0]  }
0x1b4: {  	[sflag:s15] =	ssyncset.done $0x0  }
0x1b5: {  	[sflag:s15] =	ssyncadd.s32 $0xFFFFC000  }
0x1b6: {  	[tilespmem:s8], [sflag:$0x4] =	stream.indirect.gather [hbm4b:s6+s5], $0x40, s2, s5, $0xb8;
	[tilespmem:$0x19200] =	vst v63  }
0x1b7: {  	_ =	swait.ge [sflag:s13], $0x4000  }
0x1b8: {  	s23 =	sld [smem:$0x7F1]  }
0x1b9: {  	[sflag:s13] =	ssyncset.done $0x0  }
0x1ba: {  	[sflag:s13] =	ssyncadd.s32 $0xFFFFC000  }
0x1bb: {  	[spmem:s3] =	stream.indirect.scatter.add.f32 [tilespmem:s7], [sflag:$0xA], $0x40, s23, s5, $0xb8;
	[tilespmem:$0x19200] =	vst v63  }
0x1bc: {  	_ =	swait.ge [sflag:s12], $0x4000  }
0x1bd: {  	s2 =	sld [smem:$0x7F2]  }
0x1be: {  	[sflag:s12] =	ssyncset.done $0x0  }
0x1bf: {  	[sflag:s12] =	ssyncadd.s32 $0xFFFFC000  }
0x1c0: {  	[tilespmem:s7], [sflag:$0x5] =	stream.indirect.gather [hbm4b:s6+s5], $0x40, s2, s5, $0xb8;
	[tilespmem:$0x19200] =	vst v63  }
0x1c1: {  	_ =	swait.ge [sflag:s22], $0x4000  }
0x1c2: {  	s23 =	sld [smem:$0x7F3]  }
0x1c3: {  	[sflag:s22] =	ssyncset.done $0x0  }
0x1c4: {  	[sflag:s22] =	ssyncadd.s32 $0xFFFFC000  }
0x1c5: {  	[spmem:s3] =	stream.indirect.scatter.add.f32 [tilespmem:s11], [sflag:$0x6], $0x40, s23, s5, $0xb8;
	[tilespmem:$0x19200] =	vst v63  }
0x1c6: {  	_ =	swait.ge [sflag:s20], $0x4000  }
0x1c7: {  	s2 =	sld [smem:$0x7F4]  }
0x1c8: {  	[sflag:s20] =	ssyncset.done $0x0  }
0x1c9: {  	[sflag:s20] =	ssyncadd.s32 $0xFFFFC000  }
0x1ca: {  	[tilespmem:s11], [sflag:$0x1] =	stream.indirect.gather [hbm4b:s6+s5], $0x40, s2, s5, $0xb8;
	[tilespmem:$0x19200] =	vst v63  }
0x1cb: {  	_ =	swait.ge [sflag:s21], $0x4000  }
0x1cc: {  	s23 =	sld [smem:$0x7F5]  }
0x1cd: {  	[sflag:s21] =	ssyncset.done $0x0  }
0x1ce: {  	[sflag:s21] =	ssyncadd.s32 $0xFFFFC000  }
0x1cf: {  	[spmem:s3] =	stream.indirect.scatter.add.f32 [tilespmem:s10], [sflag:$0x7], $0x40, s23, s5, $0xb8;
	[tilespmem:$0x19200] =	vst v63  }
0x1d0: {  	_ =	swait.ge [sflag:s18], $0x4000  }
0x1d1: {  	s2 =	sld [smem:$0x7F6]  }
0x1d2: {  	[sflag:s18] =	ssyncset.done $0x0  }
0x1d3: {  	[sflag:s18] =	ssyncadd.s32 $0xFFFFC000  }
0x1d4: {  	[tilespmem:s10], [sflag:$0x2] =	stream.indirect.gather [hbm4b:s6+s5], $0x40, s2, s5, $0xb8;
	[tilespmem:$0x19200] =	vst v63  }
0x1d5: {  	_ =	swait.ge [sflag:s19], $0x4000  }
0x1d6: {  	s23 =	sld [smem:$0x7F7]  }
0x1d7: {  	[sflag:s19] =	ssyncset.done $0x0  }
0x1d8: {  	[sflag:s19] =	ssyncadd.s32 $0xFFFFC000  }
0x1d9: {  	[spmem:s3] =	stream.indirect.scatter.add.f32 [tilespmem:s9], [sflag:$0x8], $0x40, s23, s5, $0xb8;
	[tilespmem:$0x19200] =	vst v63  }
0x1da: {  	_ =	swait.ge [sflag:s16], $0x4000  }
0x1db: {  	s2 =	sld [smem:$0x7F8]  }
0x1dc: {  	[sflag:s16] =	ssyncset.done $0x0  }
0x1dd: {  	[sflag:s16] =	ssyncadd.s32 $0xFFFFC000  }
0x1de: {  	[tilespmem:s9], [sflag:$0x3] =	stream.indirect.gather [hbm4b:s6+s5], $0x40, s2, s5, $0xb8;
	[tilespmem:$0x19200] =	vst v63  }
0x1df: {  	_ =	swait.ge [sflag:s17], $0x4000  }
0x1e0: {  	s23 =	sld [smem:$0x7F9]  }
0x1e1: {  	[sflag:s17] =	ssyncset.done $0x0  }
0x1e2: {  	[sflag:s17] =	ssyncadd.s32 $0xFFFFC000  }
0x1e3: {  	[spmem:s3] =	stream.indirect.scatter.add.f32 [tilespmem:s8], [sflag:$0x9], $0x40, s23, s5, $0xb8;
	[tilespmem:$0x19200] =	vst v63  }
0x1e4: {  	_ =	swait.ge [sflag:s15], $0x4000  }
0x1e5: {  	s2 =	sld [smem:$0x7FA]  }
0x1e6: {  	[sflag:s15] =	ssyncset.done $0x0  }
0x1e7: {  	[sflag:s15] =	ssyncadd.s32 $0xFFFFC000  }
0x1e8: {  	[tilespmem:s8], [sflag:$0x4] =	stream.indirect.gather [hbm4b:s6+s5], $0x40, s2, s5, $0xb8;
	[tilespmem:$0x19200] =	vst v63  }
0x1e9: {  	_ =	swait.ge [sflag:s13], $0x4000  }
0x1ea: {  	s23 =	sld [smem:$0x7FB]  }
0x1eb: {  	[sflag:s13] =	ssyncset.done $0x0  }
0x1ec: {  	[sflag:s13] =	ssyncadd.s32 $0xFFFFC000  }
0x1ed: {  	[spmem:s3] =	stream.indirect.scatter.add.f32 [tilespmem:s7], [sflag:$0xA], $0x40, s23, s5, $0xb8;
	[tilespmem:$0x19200] =	vst v63  }
0x1ee: {  	_ =	swait.ge [sflag:s12], $0x4000  }
0x1ef: {  	s2 =	sld [smem:$0x7FC]  }
0x1f0: {  	[sflag:s12] =	ssyncset.done $0x0  }
0x1f1: {  	[sflag:s12] =	ssyncadd.s32 $0xFFFFC000  }
0x1f2: {  	[tilespmem:s7], [sflag:$0x5] =	stream.indirect.gather [hbm4b:s6+s5], $0x40, s2, s5, $0xb8;
	[tilespmem:$0x19200] =	vst v63  }
0x1f3: {  	_ =	swait.ge [sflag:s22], $0x4000  }
0x1f4: {  	s23 =	sld [smem:$0x7FD]  }
0x1f5: {  	[sflag:s22] =	ssyncset.done $0x0  }
0x1f6: {  	[sflag:s22] =	ssyncadd.s32 $0xFFFFC000  }
0x1f7: {  	[spmem:s3] =	stream.indirect.scatter.add.f32 [tilespmem:s11], [sflag:$0x6], $0x40, s23, s5, $0xb8;
	[tilespmem:$0x19200] =	vst v63  }
0x1f8: {  	_ =	swait.ge [sflag:s20], $0x4000  }
0x1f9: {  	[sflag:s20] =	ssyncset.done $0x0  }
0x1fa: {  	[sflag:s20] =	ssyncadd.s32 $0xFFFFC000  }
0x1fb: {  	_ =	swait.ge [sflag:s21], $0x4000  }
0x1fc: {  	[sflag:s21] =	ssyncset.done $0x0  }
0x1fd: {  	[sflag:s21] =	ssyncadd.s32 $0xFFFFC000  }
0x1fe: {  	[spmem:s3] =	stream.indirect.scatter.add.f32 [tilespmem:s10], [sflag:$0x7], $0x40, s26, s5, $0xb8;
	[tilespmem:$0x19200] =	vst v63  }
0x1ff: {  	_ =	swait.ge [sflag:s18], $0x4000  }
0x200: {  	[sflag:s18] =	ssyncset.done $0x0  }
0x201: {  	[sflag:s18] =	ssyncadd.s32 $0xFFFFC000  }
0x202: {  	_ =	swait.ge [sflag:s19], $0x4000  }
0x203: {  	[sflag:s19] =	ssyncset.done $0x0  }
0x204: {  	[sflag:s19] =	ssyncadd.s32 $0xFFFFC000  }
0x205: {  	[spmem:s3] =	stream.indirect.scatter.add.f32 [tilespmem:s9], [sflag:$0x8], $0x40, s25, s5, $0xb8;
	[tilespmem:$0x19200] =	vst v63  }
0x206: {  	_ =	swait.ge [sflag:s16], $0x4000  }
0x207: {  	[sflag:s16] =	ssyncset.done $0x0  }
0x208: {  	[sflag:s16] =	ssyncadd.s32 $0xFFFFC000  }
0x209: {  	_ =	swait.ge [sflag:s17], $0x4000  }
0x20a: {  	[sflag:s17] =	ssyncset.done $0x0  }
0x20b: {  	[sflag:s17] =	ssyncadd.s32 $0xFFFFC000  }
0x20c: {  	[spmem:s3] =	stream.indirect.scatter.add.f32 [tilespmem:s8], [sflag:$0x9], $0x40, s24, s5, $0xb8;
	[tilespmem:$0x19200] =	vst v63  }
0x20d: {  	_ =	swait.ge [sflag:s15], $0x4000  }
0x20e: {  	[sflag:s15] =	ssyncset.done $0x0  }
0x20f: {  	[sflag:s15] =	ssyncadd.s32 $0xFFFFC000  }
0x210: {  	_ =	swait.ge [sflag:s13], $0x4000  }
0x211: {  	[sflag:s13] =	ssyncset.done $0x0  }
0x212: {  	p1 =	sne.s32 s1, $0x1;
	s2 =	simm.s32 $0x3100;
	[sflag:s13] =	ssyncadd.s32 $0xFFFFC000  }
0x213: {  	[spmem:s3] =	stream.indirect.scatter.add.f32 [tilespmem:s7], [sflag:$0xA], $0x40, s2, s5, $0xb8;
	[tilespmem:$0x19200] =	vst v63  }
.Ltmp2:
0x214: {  	_ =	swait.ge [sflag:s12], $0x4000;
	(pc) =	sbr.rel @p1 .LBB2_3-.Ltmp2, $4  }
0x215: {  	[sflag:s12] =	ssyncset.done $0x0  }
0x216: {  	s23 =	rddreg [dreg:$0x7];
	[sflag:s12] =	ssyncadd.s32 $0xFFFFC000  }
0x217: {  	[hbm:s23], [sflag:s31] =	dma.local [spmem:s4], $0x400  }
0x218: {  	s1 =	sadd.s32 $0xFFFFFFFF, s1;
	_ =	swait.ge [sflag:s14], $0x400  }
0x219: {  	s31 =	rddreg [dreg:$0x3]  }
0x21a: {  	s23 =	stileid.u32;
	s2 =	sld [smem:$0x7E9]  }
.LBB2_5:
0x21b: {  	[sflag:s14] =	ssyncset.done @p0 $0x0  }
0x21c: {  	s0 =	rddreg [dreg:$0x4];
	[sflag:s14] =	ssyncadd.s32 @p0 $0xFFFFFC00  }
0x21d: {  	[tilespmem:s29], [sflag:$0xC] =	stream.linear.gather [hbm4b:s0+s28], $0x1900, $0x38;
	[tilespmem:$0x19200] =	vst v63  }
0x21e: {  	_ =	swait.ge [sflag:s30], $0x1900  }
0x21f: {  	[sflag:s30] =	ssyncset.done $0x0  }
0x220: {  	s1 =	rddreg [dreg:$0x6];
	[sflag:s30] =	ssyncadd.s32 $0xFFFFE700  }
0x221: {  	[tilespmem:s28], [sflag:$0xC] =	stream.linear.gather [hbm4b:s1+s28], $0x1900, $0x38;
	[tilespmem:$0x19200] =	vst v63  }
0x222: {  	_ =	swait.ge [sflag:s30], $0x1900  }
0x223: {  	s0 =	rddreg [dreg:$0x5];
	[sflag:s30] =	ssyncset.done $0x0  }
0x224: {  	s1 =	rddreg [dreg:$0x8];
	[sflag:s30] =	ssyncadd.s32 $0xFFFFE700  }
0x225: {  	[spmem:s4], [sflag:s1] =	dma.local [hbm:s0], $0x400  }
0x226: {  	_ =	swait.ge [sflag:s30], $0x400  }
0x227: {  	[sflag:s30] =	ssyncset.done $0x0  }
0x228: {  	[sflag:s30] =	ssyncadd.s32 $0xFFFFFC00  }
0x229: {  	[tilespmem:s11], [sflag:$0x1] =	stream.indirect.gather [hbm4b:s6+s5], $0x40, s28, s5, $0xb8;
	[tilespmem:$0x19200] =	vst v63  }
0x22a: {  	_ = 	snop  }
0x22b: {  	[tilespmem:s10], [sflag:$0x2] =	stream.indirect.gather [hbm4b:s6+s5], $0x40, s5, s5, $0xb8;
	[tilespmem:$0x19200] =	vst v63  }
0x22c: {  	s28 =	rddreg [dreg:$0x9]  }
0x22d: {  	[tilespmem:s9], [sflag:$0x3] =	stream.indirect.gather [hbm4b:s6+s5], $0x40, s28, s5, $0xb8;
	[tilespmem:$0x19200] =	vst v63  }
0x22e: {  	s30 =	rddreg [dreg:$0xa]  }
0x22f: {  	[tilespmem:s8], [sflag:$0x4] =	stream.indirect.gather [hbm4b:s6+s5], $0x40, s30, s5, $0xb8;
	[tilespmem:$0x19200] =	vst v63  }
0x230: {  	s28 =	rddreg [dreg:$0xb]  }
0x231: {  	[tilespmem:s7], [sflag:$0x5] =	stream.indirect.gather [hbm4b:s6+s5], $0x40, s28, s5, $0xb8;
	[tilespmem:$0x19200] =	vst v63  }
0x232: {  	_ =	swait.ge [sflag:s22], $0x4000  }
0x233: {  	[sflag:s22] =	ssyncset.done $0x0  }
0x234: {  	[sflag:s22] =	ssyncadd.s32 $0xFFFFC000  }
0x235: {  	[spmem:s3] =	stream.indirect.scatter.add.f32 [tilespmem:s11], [sflag:$0x6], $0x40, s29, s5, $0xb8;
	[tilespmem:$0x19200] =	vst v63  }
0x236: {  	_ =	swait.ge [sflag:s20], $0x4000  }
0x237: {  	[sflag:s20] =	ssyncset.done $0x0  }
0x238: {  	s29 =	rddreg [dreg:$0xc];
	[sflag:s20] =	ssyncadd.s32 $0xFFFFC000  }
0x239: {  	[tilespmem:s11], [sflag:$0x1] =	stream.indirect.gather [hbm4b:s6+s5], $0x40, s29, s5, $0xb8;
	[tilespmem:$0x19200] =	vst v63  }
0x23a: {  	_ =	swait.ge [sflag:s21], $0x4000  }
0x23b: {  	[sflag:s21] =	ssyncset.done $0x0  }
0x23c: {  	s30 =	rddreg [dreg:$0xd];
	[sflag:s21] =	ssyncadd.s32 $0xFFFFC000  }
0x23d: {  	[spmem:s3] =	stream.indirect.scatter.add.f32 [tilespmem:s10], [sflag:$0x7], $0x40, s30, s5, $0xb8;
	[tilespmem:$0x19200] =	vst v63  }
0x23e: {  	_ =	swait.ge [sflag:s18], $0x4000  }
0x23f: {  	[sflag:s18] =	ssyncset.done $0x0  }
0x240: {  	s1 =	rddreg [dreg:$0xe];
	[sflag:s18] =	ssyncadd.s32 $0xFFFFC000  }
0x241: {  	[tilespmem:s10], [sflag:$0x2] =	stream.indirect.gather [hbm4b:s6+s5], $0x40, s1, s5, $0xb8;
	[tilespmem:$0x19200] =	vst v63  }
0x242: {  	_ =	swait.ge [sflag:s19], $0x4000  }
0x243: {  	[sflag:s19] =	ssyncset.done $0x0  }
0x244: {  	s28 =	rddreg [dreg:$0xf];
	[sflag:s19] =	ssyncadd.s32 $0xFFFFC000  }
0x245: {  	[spmem:s3] =	stream.indirect.scatter.add.f32 [tilespmem:s9], [sflag:$0x8], $0x40, s28, s5, $0xb8;
	[tilespmem:$0x19200] =	vst v63  }
0x246: {  	_ =	swait.ge [sflag:s16], $0x4000  }
0x247: {  	[sflag:s16] =	ssyncset.done $0x0  }
0x248: {  	s29 =	rddreg [dreg:$0x10];
	[sflag:s16] =	ssyncadd.s32 $0xFFFFC000  }
0x249: {  	[tilespmem:s9], [sflag:$0x3] =	stream.indirect.gather [hbm4b:s6+s5], $0x40, s29, s5, $0xb8;
	[tilespmem:$0x19200] =	vst v63  }
0x24a: {  	_ =	swait.ge [sflag:s17], $0x4000  }
0x24b: {  	[sflag:s17] =	ssyncset.done $0x0  }
0x24c: {  	s30 =	rddreg [dreg:$0x11];
	[sflag:s17] =	ssyncadd.s32 $0xFFFFC000  }
0x24d: {  	[spmem:s3] =	stream.indirect.scatter.add.f32 [tilespmem:s8], [sflag:$0x9], $0x40, s30, s5, $0xb8;
	[tilespmem:$0x19200] =	vst v63  }
0x24e: {  	_ =	swait.ge [sflag:s15], $0x4000  }
0x24f: {  	[sflag:s15] =	ssyncset.done $0x0  }
0x250: {  	s1 =	rddreg [dreg:$0x12];
	[sflag:s15] =	ssyncadd.s32 $0xFFFFC000  }
0x251: {  	[tilespmem:s8], [sflag:$0x4] =	stream.indirect.gather [hbm4b:s6+s5], $0x40, s1, s5, $0xb8;
	[tilespmem:$0x19200] =	vst v63  }
0x252: {  	_ =	swait.ge [sflag:s13], $0x4000  }
0x253: {  	[sflag:s13] =	ssyncset.done $0x0  }
0x254: {  	s28 =	rddreg [dreg:$0x13];
	[sflag:s13] =	ssyncadd.s32 $0xFFFFC000  }
0x255: {  	[spmem:s3] =	stream.indirect.scatter.add.f32 [tilespmem:s7], [sflag:$0xA], $0x40, s28, s5, $0xb8;
	[tilespmem:$0x19200] =	vst v63  }
0x256: {  	_ =	swait.ge [sflag:s12], $0x4000  }
0x257: {  	[sflag:s12] =	ssyncset.done $0x0  }
0x258: {  	s29 =	rddreg [dreg:$0x14];
	[sflag:s12] =	ssyncadd.s32 $0xFFFFC000  }
0x259: {  	[tilespmem:s7], [sflag:$0x5] =	stream.indirect.gather [hbm4b:s6+s5], $0x40, s29, s5, $0xb8;
	[tilespmem:$0x19200] =	vst v63  }
0x25a: {  	_ =	swait.ge [sflag:s22], $0x4000  }
0x25b: {  	[sflag:s22] =	ssyncset.done $0x0  }
0x25c: {  	s30 =	rddreg [dreg:$0x15];
	[sflag:s22] =	ssyncadd.s32 $0xFFFFC000  }
0x25d: {  	[spmem:s3] =	stream.indirect.scatter.add.f32 [tilespmem:s11], [sflag:$0x6], $0x40, s30, s5, $0xb8;
	[tilespmem:$0x19200] =	vst v63  }
0x25e: {  	_ =	swait.ge [sflag:s20], $0x4000  }
0x25f: {  	[sflag:s20] =	ssyncset.done $0x0  }
0x260: {  	s1 =	rddreg [dreg:$0x16];
	[sflag:s20] =	ssyncadd.s32 $0xFFFFC000  }
0x261: {  	[tilespmem:s11], [sflag:$0x1] =	stream.indirect.gather [hbm4b:s6+s5], $0x40, s1, s5, $0xb8;
	[tilespmem:$0x19200] =	vst v63  }
0x262: {  	_ =	swait.ge [sflag:s21], $0x4000  }
0x263: {  	[sflag:s21] =	ssyncset.done $0x0  }
0x264: {  	s28 =	rddreg [dreg:$0x17];
	[sflag:s21] =	ssyncadd.s32 $0xFFFFC000  }
0x265: {  	[spmem:s3] =	stream.indirect.scatter.add.f32 [tilespmem:s10], [sflag:$0x7], $0x40, s28, s5, $0xb8;
	[tilespmem:$0x19200] =	vst v63  }
0x266: {  	_ =	swait.ge [sflag:s18], $0x4000  }
0x267: {  	[sflag:s18] =	ssyncset.done $0x0  }
0x268: {  	s29 =	rddreg [dreg:$0x18];
	[sflag:s18] =	ssyncadd.s32 $0xFFFFC000  }
0x269: {  	[tilespmem:s10], [sflag:$0x2] =	stream.indirect.gather [hbm4b:s6+s5], $0x40, s29, s5, $0xb8;
	[tilespmem:$0x19200] =	vst v63  }
0x26a: {  	_ =	swait.ge [sflag:s19], $0x4000  }
0x26b: {  	[sflag:s19] =	ssyncset.done $0x0  }
0x26c: {  	s30 =	rddreg [dreg:$0x19];
	[sflag:s19] =	ssyncadd.s32 $0xFFFFC000  }
0x26d: {  	[spmem:s3] =	stream.indirect.scatter.add.f32 [tilespmem:s9], [sflag:$0x8], $0x40, s30, s5, $0xb8;
	[tilespmem:$0x19200] =	vst v63  }
0x26e: {  	_ =	swait.ge [sflag:s16], $0x4000  }
0x26f: {  	[sflag:s16] =	ssyncset.done $0x0  }
0x270: {  	s1 =	rddreg [dreg:$0x1a];
	[sflag:s16] =	ssyncadd.s32 $0xFFFFC000  }
0x271: {  	[tilespmem:s9], [sflag:$0x3] =	stream.indirect.gather [hbm4b:s6+s5], $0x40, s1, s5, $0xb8;
	[tilespmem:$0x19200] =	vst v63  }
0x272: {  	_ =	swait.ge [sflag:s17], $0x4000  }
0x273: {  	[sflag:s17] =	ssyncset.done $0x0  }
0x274: {  	s28 =	rddreg [dreg:$0x1b];
	[sflag:s17] =	ssyncadd.s32 $0xFFFFC000  }
0x275: {  	[spmem:s3] =	stream.indirect.scatter.add.f32 [tilespmem:s8], [sflag:$0x9], $0x40, s28, s5, $0xb8;
	[tilespmem:$0x19200] =	vst v63  }
0x276: {  	_ =	swait.ge [sflag:s15], $0x4000  }
0x277: {  	[sflag:s15] =	ssyncset.done $0x0  }
0x278: {  	s29 =	rddreg [dreg:$0x1c];
	[sflag:s15] =	ssyncadd.s32 $0xFFFFC000  }
0x279: {  	[tilespmem:s8], [sflag:$0x4] =	stream.indirect.gather [hbm4b:s6+s5], $0x40, s29, s5, $0xb8;
	[tilespmem:$0x19200] =	vst v63  }
0x27a: {  	_ =	swait.ge [sflag:s13], $0x4000  }
0x27b: {  	[sflag:s13] =	ssyncset.done $0x0  }
0x27c: {  	s30 =	rddreg [dreg:$0x1d];
	[sflag:s13] =	ssyncadd.s32 $0xFFFFC000  }
0x27d: {  	[spmem:s3] =	stream.indirect.scatter.add.f32 [tilespmem:s7], [sflag:$0xA], $0x40, s30, s5, $0xb8;
	[tilespmem:$0x19200] =	vst v63  }
0x27e: {  	_ =	swait.ge [sflag:s12], $0x4000  }
0x27f: {  	[sflag:s12] =	ssyncset.done $0x0  }
0x280: {  	s1 =	rddreg [dreg:$0x1e];
	[sflag:s12] =	ssyncadd.s32 $0xFFFFC000  }
0x281: {  	[tilespmem:s7], [sflag:$0x5] =	stream.indirect.gather [hbm4b:s6+s5], $0x40, s1, s5, $0xb8;
	[tilespmem:$0x19200] =	vst v63  }
0x282: {  	_ =	swait.ge [sflag:s22], $0x4000  }
0x283: {  	[sflag:s22] =	ssyncset.done $0x0  }
0x284: {  	s28 =	rddreg [dreg:$0x1f];
	[sflag:s22] =	ssyncadd.s32 $0xFFFFC000  }
0x285: {  	[spmem:s3] =	stream.indirect.scatter.add.f32 [tilespmem:s11], [sflag:$0x6], $0x40, s28, s5, $0xb8;
	[tilespmem:$0x19200] =	vst v63  }
0x286: {  	_ =	swait.ge [sflag:s20], $0x4000  }
0x287: {  	s29 =	sld [smem:$0x7EA]  }
0x288: {  	[sflag:s20] =	ssyncset.done $0x0  }
0x289: {  	[sflag:s20] =	ssyncadd.s32 $0xFFFFC000  }
0x28a: {  	[tilespmem:s11], [sflag:$0x1] =	stream.indirect.gather [hbm4b:s6+s5], $0x40, s29, s5, $0xb8;
	[tilespmem:$0x19200] =	vst v63  }
0x28b: {  	_ =	swait.ge [sflag:s21], $0x4000  }
0x28c: {  	s30 =	sld [smem:$0x7EB]  }
0x28d: {  	[sflag:s21] =	ssyncset.done $0x0  }
0x28e: {  	[sflag:s21] =	ssyncadd.s32 $0xFFFFC000  }
0x28f: {  	[spmem:s3] =	stream.indirect.scatter.add.f32 [tilespmem:s10], [sflag:$0x7], $0x40, s30, s5, $0xb8;
	[tilespmem:$0x19200] =	vst v63  }
0x290: {  	_ =	swait.ge [sflag:s18], $0x4000  }
0x291: {  	s1 =	sld [smem:$0x7EC]  }
0x292: {  	[sflag:s18] =	ssyncset.done $0x0  }
0x293: {  	[sflag:s18] =	ssyncadd.s32 $0xFFFFC000  }
0x294: {  	[tilespmem:s10], [sflag:$0x2] =	stream.indirect.gather [hbm4b:s6+s5], $0x40, s1, s5, $0xb8;
	[tilespmem:$0x19200] =	vst v63  }
0x295: {  	_ =	swait.ge [sflag:s19], $0x4000  }
0x296: {  	s28 =	sld [smem:$0x7ED]  }
0x297: {  	[sflag:s19] =	ssyncset.done $0x0  }
0x298: {  	[sflag:s19] =	ssyncadd.s32 $0xFFFFC000  }
0x299: {  	[spmem:s3] =	stream.indirect.scatter.add.f32 [tilespmem:s9], [sflag:$0x8], $0x40, s28, s5, $0xb8;
	[tilespmem:$0x19200] =	vst v63  }
0x29a: {  	_ =	swait.ge [sflag:s16], $0x4000  }
0x29b: {  	s29 =	sld [smem:$0x7EE]  }
0x29c: {  	[sflag:s16] =	ssyncset.done $0x0  }
0x29d: {  	[sflag:s16] =	ssyncadd.s32 $0xFFFFC000  }
0x29e: {  	[tilespmem:s9], [sflag:$0x3] =	stream.indirect.gather [hbm4b:s6+s5], $0x40, s29, s5, $0xb8;
	[tilespmem:$0x19200] =	vst v63  }
0x29f: {  	_ =	swait.ge [sflag:s17], $0x4000  }
0x2a0: {  	s30 =	sld [smem:$0x7EF]  }
0x2a1: {  	[sflag:s17] =	ssyncset.done $0x0  }
0x2a2: {  	[sflag:s17] =	ssyncadd.s32 $0xFFFFC000  }
0x2a3: {  	[spmem:s3] =	stream.indirect.scatter.add.f32 [tilespmem:s8], [sflag:$0x9], $0x40, s30, s5, $0xb8;
	[tilespmem:$0x19200] =	vst v63  }
0x2a4: {  	_ =	swait.ge [sflag:s15], $0x4000  }
0x2a5: {  	s1 =	sld [smem:$0x7F0]  }
0x2a6: {  	[sflag:s15] =	ssyncset.done $0x0  }
0x2a7: {  	[sflag:s15] =	ssyncadd.s32 $0xFFFFC000  }
0x2a8: {  	[tilespmem:s8], [sflag:$0x4] =	stream.indirect.gather [hbm4b:s6+s5], $0x40, s1, s5, $0xb8;
	[tilespmem:$0x19200] =	vst v63  }
0x2a9: {  	_ =	swait.ge [sflag:s13], $0x4000  }
0x2aa: {  	s28 =	sld [smem:$0x7F1]  }
0x2ab: {  	[sflag:s13] =	ssyncset.done $0x0  }
0x2ac: {  	[sflag:s13] =	ssyncadd.s32 $0xFFFFC000  }
0x2ad: {  	[spmem:s3] =	stream.indirect.scatter.add.f32 [tilespmem:s7], [sflag:$0xA], $0x40, s28, s5, $0xb8;
	[tilespmem:$0x19200] =	vst v63  }
0x2ae: {  	_ =	swait.ge [sflag:s12], $0x4000  }
0x2af: {  	s29 =	sld [smem:$0x7F2]  }
0x2b0: {  	[sflag:s12] =	ssyncset.done $0x0  }
0x2b1: {  	[sflag:s12] =	ssyncadd.s32 $0xFFFFC000  }
0x2b2: {  	[tilespmem:s7], [sflag:$0x5] =	stream.indirect.gather [hbm4b:s6+s5], $0x40, s29, s5, $0xb8;
	[tilespmem:$0x19200] =	vst v63  }
0x2b3: {  	_ =	swait.ge [sflag:s22], $0x4000  }
0x2b4: {  	s30 =	sld [smem:$0x7F3]  }
0x2b5: {  	[sflag:s22] =	ssyncset.done $0x0  }
0x2b6: {  	[sflag:s22] =	ssyncadd.s32 $0xFFFFC000  }
0x2b7: {  	[spmem:s3] =	stream.indirect.scatter.add.f32 [tilespmem:s11], [sflag:$0x6], $0x40, s30, s5, $0xb8;
	[tilespmem:$0x19200] =	vst v63  }
0x2b8: {  	_ =	swait.ge [sflag:s20], $0x4000  }
0x2b9: {  	s1 =	sld [smem:$0x7F4]  }
0x2ba: {  	[sflag:s20] =	ssyncset.done $0x0  }
0x2bb: {  	[sflag:s20] =	ssyncadd.s32 $0xFFFFC000  }
0x2bc: {  	[tilespmem:s11], [sflag:$0x1] =	stream.indirect.gather [hbm4b:s6+s5], $0x40, s1, s5, $0xb8;
	[tilespmem:$0x19200] =	vst v63  }
0x2bd: {  	_ =	swait.ge [sflag:s21], $0x4000  }
0x2be: {  	s28 =	sld [smem:$0x7F5]  }
0x2bf: {  	[sflag:s21] =	ssyncset.done $0x0  }
0x2c0: {  	[sflag:s21] =	ssyncadd.s32 $0xFFFFC000  }
0x2c1: {  	[spmem:s3] =	stream.indirect.scatter.add.f32 [tilespmem:s10], [sflag:$0x7], $0x40, s28, s5, $0xb8;
	[tilespmem:$0x19200] =	vst v63  }
0x2c2: {  	_ =	swait.ge [sflag:s18], $0x4000  }
0x2c3: {  	s29 =	sld [smem:$0x7F6]  }
0x2c4: {  	[sflag:s18] =	ssyncset.done $0x0  }
0x2c5: {  	[sflag:s18] =	ssyncadd.s32 $0xFFFFC000  }
0x2c6: {  	[tilespmem:s10], [sflag:$0x2] =	stream.indirect.gather [hbm4b:s6+s5], $0x40, s29, s5, $0xb8;
	[tilespmem:$0x19200] =	vst v63  }
0x2c7: {  	_ =	swait.ge [sflag:s19], $0x4000  }
0x2c8: {  	s30 =	sld [smem:$0x7F7]  }
0x2c9: {  	[sflag:s19] =	ssyncset.done $0x0  }
0x2ca: {  	[sflag:s19] =	ssyncadd.s32 $0xFFFFC000  }
0x2cb: {  	[spmem:s3] =	stream.indirect.scatter.add.f32 [tilespmem:s9], [sflag:$0x8], $0x40, s30, s5, $0xb8;
	[tilespmem:$0x19200] =	vst v63  }
0x2cc: {  	_ =	swait.ge [sflag:s16], $0x4000  }
0x2cd: {  	s1 =	sld [smem:$0x7F8]  }
0x2ce: {  	[sflag:s16] =	ssyncset.done $0x0  }
0x2cf: {  	[sflag:s16] =	ssyncadd.s32 $0xFFFFC000  }
0x2d0: {  	[tilespmem:s9], [sflag:$0x3] =	stream.indirect.gather [hbm4b:s6+s5], $0x40, s1, s5, $0xb8;
	[tilespmem:$0x19200] =	vst v63  }
0x2d1: {  	_ =	swait.ge [sflag:s17], $0x4000  }
0x2d2: {  	s28 =	sld [smem:$0x7F9]  }
0x2d3: {  	[sflag:s17] =	ssyncset.done $0x0  }
0x2d4: {  	[sflag:s17] =	ssyncadd.s32 $0xFFFFC000  }
0x2d5: {  	[spmem:s3] =	stream.indirect.scatter.add.f32 [tilespmem:s8], [sflag:$0x9], $0x40, s28, s5, $0xb8;
	[tilespmem:$0x19200] =	vst v63  }
0x2d6: {  	_ =	swait.ge [sflag:s15], $0x4000  }
0x2d7: {  	s29 =	sld [smem:$0x7FA]  }
0x2d8: {  	[sflag:s15] =	ssyncset.done $0x0  }
0x2d9: {  	[sflag:s15] =	ssyncadd.s32 $0xFFFFC000  }
0x2da: {  	[tilespmem:s8], [sflag:$0x4] =	stream.indirect.gather [hbm4b:s6+s5], $0x40, s29, s5, $0xb8;
	[tilespmem:$0x19200] =	vst v63  }
0x2db: {  	_ =	swait.ge [sflag:s13], $0x4000  }
0x2dc: {  	s30 =	sld [smem:$0x7FB]  }
0x2dd: {  	[sflag:s13] =	ssyncset.done $0x0  }
0x2de: {  	[sflag:s13] =	ssyncadd.s32 $0xFFFFC000  }
0x2df: {  	[spmem:s3] =	stream.indirect.scatter.add.f32 [tilespmem:s7], [sflag:$0xA], $0x40, s30, s5, $0xb8;
	[tilespmem:$0x19200] =	vst v63  }
0x2e0: {  	_ =	swait.ge [sflag:s12], $0x4000  }
0x2e1: {  	s1 =	sld [smem:$0x7FC]  }
0x2e2: {  	[sflag:s12] =	ssyncset.done $0x0  }
0x2e3: {  	[sflag:s12] =	ssyncadd.s32 $0xFFFFC000  }
0x2e4: {  	[tilespmem:s7], [sflag:$0x5] =	stream.indirect.gather [hbm4b:s6+s5], $0x40, s1, s5, $0xb8;
	[tilespmem:$0x19200] =	vst v63  }
0x2e5: {  	_ =	swait.ge [sflag:s22], $0x4000  }
0x2e6: {  	s6 =	sld [smem:$0x7FD]  }
0x2e7: {  	[sflag:s22] =	ssyncset.done $0x0  }
0x2e8: {  	[sflag:s22] =	ssyncadd.s32 $0xFFFFC000  }
0x2e9: {  	[spmem:s3] =	stream.indirect.scatter.add.f32 [tilespmem:s11], [sflag:$0x6], $0x40, s6, s5, $0xb8;
	[tilespmem:$0x19200] =	vst v63  }
0x2ea: {  	_ =	swait.ge [sflag:s20], $0x4000  }
0x2eb: {  	[sflag:s20] =	ssyncset.done $0x0  }
0x2ec: {  	[sflag:s20] =	ssyncadd.s32 $0xFFFFC000  }
0x2ed: {  	_ =	swait.ge [sflag:s21], $0x4000  }
0x2ee: {  	[sflag:s21] =	ssyncset.done $0x0  }
0x2ef: {  	[sflag:s21] =	ssyncadd.s32 $0xFFFFC000  }
0x2f0: {  	[spmem:s3] =	stream.indirect.scatter.add.f32 [tilespmem:s10], [sflag:$0x7], $0x40, s26, s5, $0xb8;
	[tilespmem:$0x19200] =	vst v63  }
0x2f1: {  	_ =	swait.ge [sflag:s18], $0x4000  }
0x2f2: {  	[sflag:s18] =	ssyncset.done $0x0  }
0x2f3: {  	[sflag:s18] =	ssyncadd.s32 $0xFFFFC000  }
0x2f4: {  	_ =	swait.ge [sflag:s19], $0x4000  }
0x2f5: {  	[sflag:s19] =	ssyncset.done $0x0  }
0x2f6: {  	[sflag:s19] =	ssyncadd.s32 $0xFFFFC000  }
0x2f7: {  	[spmem:s3] =	stream.indirect.scatter.add.f32 [tilespmem:s9], [sflag:$0x8], $0x40, s25, s5, $0xb8;
	[tilespmem:$0x19200] =	vst v63  }
0x2f8: {  	_ =	swait.ge [sflag:s16], $0x4000  }
0x2f9: {  	[sflag:s16] =	ssyncset.done $0x0  }
0x2fa: {  	[sflag:s16] =	ssyncadd.s32 $0xFFFFC000  }
0x2fb: {  	_ =	swait.ge [sflag:s17], $0x4000  }
0x2fc: {  	[sflag:s17] =	ssyncset.done $0x0  }
0x2fd: {  	[sflag:s17] =	ssyncadd.s32 $0xFFFFC000  }
0x2fe: {  	[spmem:s3] =	stream.indirect.scatter.add.f32 [tilespmem:s8], [sflag:$0x9], $0x40, s24, s5, $0xb8;
	[tilespmem:$0x19200] =	vst v63  }
0x2ff: {  	_ =	swait.ge [sflag:s15], $0x4000  }
0x300: {  	[sflag:s15] =	ssyncset.done $0x0  }
0x301: {  	[sflag:s15] =	ssyncadd.s32 $0xFFFFC000  }
0x302: {  	_ =	swait.ge [sflag:s13], $0x4000  }
0x303: {  	[sflag:s13] =	ssyncset.done $0x0  }
0x304: {  	s28 =	simm.s32 $0x3100;
	[sflag:s13] =	ssyncadd.s32 $0xFFFFC000  }
0x305: {  	[spmem:s3] =	stream.indirect.scatter.add.f32 [tilespmem:s7], [sflag:$0xA], $0x40, s28, s5, $0xb8;
	[tilespmem:$0x19200] =	vst v63  }
0x306: {  	_ =	swait.ge [sflag:s12], $0x4000  }
0x307: {  	[sflag:s12] =	ssyncset.done $0x0  }
0x308: {  	s30 =	sor.u32 $0x1C0B, s2;
	s29 =	rddreg [dreg:$0x7];
	[sflag:s12] =	ssyncadd.s32 $0xFFFFC000  }
0x309: {  	[hbm:s29], [sflag:s30] =	dma.local [spmem:s4], $0x400  }
0x30a: {  	_ =	swait.ge [sflag:s14], $0x400  }
0x30b: {  	[sflag:s14] =	ssyncset.done $0x0  }
0x30c: {  	[sflag:s14] =	ssyncadd.s32 $0xFFFFFC00  }
0x30d: {  	_ =	sfence.sel $0x180000  }
0x30e: {  	[bflag:$0x0] =	sbarrier.arrive $0xFFFF  }
0x30f: {  	p0 =	sne.s32 s23, $0x0;
	_ =	strace $0x90000047  }
0x310: {  	s0 =	sadd.s32 @!p0 $0x100000, s31;
	[bflag:$0x2] =	sbarrier.arrive $0xFFFF  }
0x311: {  	[sflag:s0] =	ssyncadd.tile.s32 @!p0 $0x1;
	_ =	shalt  }
.LBB2_2:
.Ltmp3:
0x312: {  	(pc) =	sbr.rel .LBB2_5-.Ltmp3, $3  }
0x313: {  	_ =	sdelay $0x1  }
0x314: {  	s31 =	rddreg [dreg:$0x3]  }
0x315: {  	s23 =	stileid.u32;
	s2 =	sld [smem:$0x7E9]  }
.Lfunc_end2:
_tile_overlayer_lowered:
.L_overlay_start_2:
0x316: {  	(tag) =	ssettag $0x2  }
0x317: {  	s0 =	rddreg [dreg:$0x0];
	s2 =	stileid.u32  }
0x318: {  	s1 =	rddreg [dreg:$0x1];
	p0 =	sne.s32 s2, $0x0  }
0x319: {  	s3 =	rddreg [dreg:$0x2];
	[bflag:$0x3] =	sbarrier.arrive $0xFFFF;
	s2 =	simm.s32 @!p0 $0x1C0C  }
0x31a: {  	[timem:s3], [sflag:s2] =	dma.local @!p0 [hbm:s0], s1  }
0x31b: {  	s0 =	simm.s32 @!p0 $0xC  }
0x31c: {  	_ =	swait.ge @!p0 [sflag:s0], s1  }
0x31d: {  	s1 =	ssub.s32 @!p0 $0x0, s1;
	[sflag:s0] =	ssyncset.done @!p0 $0x0  }
0x31e: {  	[sflag:s0] =	ssyncadd.s32 @!p0 s1  }
0x31f: {  	[bflag:$0x3] =	sbarrier.arrive $0xFFFF  }
0x320: {  	_ =	shalt  }

// kernel: kernel.8.cloned.1.call-start
scs
__scs_entry_jumppad:
0x0: {  	(pc) =	sbr.rel $0x88, $3  }
0x1: {  	(tag) =	ssettag $0x0;
	lr =	simm.s32 $0x1  }
0x2: {  	[smem:$0x3F9A] =	sst lr;
	_ =	strace $0xD0000000  }
0x3: {  	_ = 	snop  }
0x4: {  	_ = 	snop  }
0x5: {  	_ = 	snop  }
0x6: {  	_ = 	snop  }
0x7: {  	_ = 	snop  }
__scs_overlays_trampoline_lowered:
0x8: {  	[smem:$0x3FA9] =	sst s0  }
0x9: {  	[smem:$0x3FAA] =	sst s1  }
0xa: {  	[smem:$0x3FAB] =	sst s2  }
0xb: {  	[smem:$0x3FAC] =	sst s3  }
0xc: {  	[smem:$0x3FAD] =	sst s4  }
0xd: {  	[smem:$0x3FAE] =	sst s5  }
0xe: {  	[smem:$0x3FAF] =	sst s6  }
0xf: {  	[smem:$0x3FB0] =	sst s7  }
0x10: {  	[smem:$0x3FB1] =	sst s8  }
0x11: {  	[smem:$0x3FB2] =	sst s9;
	s0 =	simm.s32 @!p0 $0x0  }
0x12: {  	s1 =	sld [smem:$0x3F98];
	s0 =	simm.s32 @p0 $0x1  }
0x13: {  	[smem:$0x3FB3] =	sst s0;
	s0 =	simm.s32 @!p1 $0x0  }
0x14: {  	s2 =	sld [smem:$0x3F97];
	s0 =	simm.s32 @p1 $0x1  }
0x15: {  	[smem:$0x3FB4] =	sst s0;
	s0 =	simm.s32 @!p2 $0x0  }
0x16: {  	s3 =	sld [smem:$0x3FDB];
	s0 =	simm.s32 @p2 $0x1  }
0x17: {  	s4 =	simm.s32 $0x1BF5;
	[smem:$0x3FB6] =	sst s0  }
0x18: {  	s0 =	sld [smem:$0x3F99];
	_ =	swait.ge [sflag:s4], $0x0  }
0x19: {  	s7 =	sld [smem:$0x3F9A]  }
0x1a: {  	s8 =	sadd.s32 $0xFFFFE003, lr  }
0x1b: {  	s9 =	sadd.s32 $0xFFFFFEF7, lr;
	s5 =	simm.s32 $0xFFFFFFFF;
	p2 =	slt.u32 s8, $0xFFFFF086  }
0x1c: {  	p1 =	slt.u32 s9, $0xF7A;
	s5 =	simm.s32 @!p2 $0x0  }
0x1d: {  	s5 =	simm.s32 @p1 $0x1;
	p0 =	seq.s32 s7, s2  }
0x1e: {  	s7 =	smul.u32 @!p0 $0xF7A, s2;
	p2 =	seq.s32 @!p0 s5, $0x0  }
0x1f: {  	s9 =	smul.u32 $0xF7A, s1;
	s8 =	simm.s32 @!p0 $0x1BF5;
	p2 =	por !p2, p0  }
0x20: {  	[sflag:s8] =	ssyncset.s32 @!p0 $0xFFFFF086;
	s6 =	sadd.s32 @!p0 s3, s7;
	s7 =	simm.s32 @!p0 $0x108  }
0x21: {  	s3 =	sadd.s32 s3, s9;
	s6 =	sadd.s32 @!p0 $0x88, s6;
	s7 =	simm.s32 @p2 $0x1082  }
0x22: {  	[simem:s7], [sflag:s8] =	dma.local @!p0 [hbm:s6], $0xF7A  }
0x23: {  	s9 =	sor.u32 $0xD0000000, s2;
	s6 =	simm.s32 $0x108;
	_ =	swait.ge @!p0 [sflag:s8], $0x0  }
0x24: {  	s3 =	sadd.s32 $0x88, s3;
	s6 =	simm.s32 @!p1 $0x1082;
	[sflag:s4] =	ssyncset.s32 $0xFFFFF086  }
0x25: {  	[simem:s6], [sflag:s4] =	dma.local [hbm:s3], $0xF7A  }
0x26: {  	[smem:$0x3F9A] =	sst s1;
	(tag) =	ssettag s2;
	_ =	strace s9  }
0x27: {  	s1 =	sld [smem:$0x3FAA]  }
0x28: {  	s2 =	sld [smem:$0x3FAB]  }
0x29: {  	s4 =	sld [smem:$0x3FAD]  }
0x2a: {  	p0 =	seq.s32 s5, $0x0;
	s5 =	sld [smem:$0x3FAE]  }
0x2b: {  	s6 =	sld [smem:$0x3FAF]  }
0x2c: {  	s7 =	sld [smem:$0x3FB0]  }
0x2d: {  	s3 =	simm.s32 $0x108;
	s8 =	sld [smem:$0x3FB1]  }
0x2e: {  	s3 =	simm.s32 @!p0 $0x1082;
	s9 =	sld [smem:$0x3FB2]  }
0x2f: {  	lr =	sadd.s32 s0, s3;
	s0 =	sld [smem:$0x3FA9]  }
0x30: {  	s3 =	sld [smem:$0x3FAC]  }
0x31: {  	[smem:$0x3FB5] =	sst s10  }
0x32: {  	s10 =	sld [smem:$0x3FB3];
	_ =	sdelay $0x3  }
0x33: {  	p0 =	seq.s32 s10, $0x1;
	s10 =	sld [smem:$0x3FB5];
	_ =	sdelay $0x3  }
0x34: {  	[smem:$0x3FB5] =	sst s10  }
0x35: {  	s10 =	sld [smem:$0x3FB4];
	_ =	sdelay $0x3  }
0x36: {  	p1 =	seq.s32 s10, $0x1;
	s10 =	sld [smem:$0x3FB5];
	_ =	sdelay $0x3  }
0x37: {  	[smem:$0x3FB5] =	sst s10  }
0x38: {  	s10 =	sld [smem:$0x3FB6]  }
0x39: {  	_ = 	snop;
	(pc) =	sbr.ind lr, $3  }
0x3a: {  	_ = 	snop  }
0x3b: {  	_ = 	snop  }
0x3c: {  	p2 =	seq.s32 s10, $0x1;
	s10 =	sld [smem:$0x3FB5]  }
0x3d: {  	_ =	shalt  }
0x3e: {  	_ =	shalt  }
0x3f: {  	_ =	shalt  }
0x40: {  	_ =	shalt  }
0x41: {  	_ =	shalt  }
0x42: {  	_ =	shalt  }
0x43: {  	_ =	shalt  }
0x44: {  	_ =	shalt  }
0x45: {  	_ =	shalt  }
0x46: {  	_ =	shalt  }
0x47: {  	_ =	shalt  }
0x48: {  	_ =	shalt  }
0x49: {  	_ =	shalt  }
0x4a: {  	_ =	shalt  }
0x4b: {  	_ =	shalt  }
0x4c: {  	_ =	shalt  }
0x4d: {  	_ =	shalt  }
0x4e: {  	_ =	shalt  }
0x4f: {  	_ =	shalt  }
0x50: {  	_ =	shalt  }
0x51: {  	_ =	shalt  }
0x52: {  	_ =	shalt  }
0x53: {  	_ =	shalt  }
0x54: {  	_ =	shalt  }
0x55: {  	_ =	shalt  }
0x56: {  	_ =	shalt  }
0x57: {  	_ =	shalt  }
0x58: {  	_ =	shalt  }
0x59: {  	_ =	shalt  }
0x5a: {  	_ =	shalt  }
0x5b: {  	_ =	shalt  }
0x5c: {  	_ =	shalt  }
0x5d: {  	_ =	shalt  }
0x5e: {  	_ =	shalt  }
0x5f: {  	_ =	shalt  }
0x60: {  	_ =	shalt  }
0x61: {  	_ =	shalt  }
0x62: {  	_ =	shalt  }
0x63: {  	_ =	shalt  }
0x64: {  	_ =	shalt  }
0x65: {  	_ =	shalt  }
0x66: {  	_ =	shalt  }
0x67: {  	_ =	shalt  }
0x68: {  	_ =	shalt  }
0x69: {  	_ =	shalt  }
0x6a: {  	_ =	shalt  }
0x6b: {  	_ =	shalt  }
0x6c: {  	_ =	shalt  }
0x6d: {  	_ =	shalt  }
0x6e: {  	_ =	shalt  }
0x6f: {  	_ =	shalt  }
0x70: {  	_ =	shalt  }
0x71: {  	_ =	shalt  }
0x72: {  	_ =	shalt  }
0x73: {  	_ =	shalt  }
0x74: {  	_ =	shalt  }
0x75: {  	_ =	shalt  }
0x76: {  	_ =	shalt  }
0x77: {  	_ =	shalt  }
0x78: {  	_ =	shalt  }
0x79: {  	_ =	shalt  }
0x7a: {  	_ =	shalt  }
0x7b: {  	_ =	shalt  }
0x7c: {  	_ =	shalt  }
0x7d: {  	_ =	shalt  }
0x7e: {  	_ =	shalt  }
0x7f: {  	_ =	shalt  }
0x80: {  	_ =	shalt  }
0x81: {  	_ =	shalt  }
0x82: {  	_ =	shalt  }
0x83: {  	_ =	shalt  }
0x84: {  	_ =	shalt  }
0x85: {  	_ =	shalt  }
0x86: {  	_ =	shalt  }
0x87: {  	_ =	shalt  }
.Lfunc_end0:
.L_simem_size_0:
called_computation.1_lowered:
.L_overlay_start_0:
0x88: {  	s2 =	sld [smem:$0x3FD9]  }
0x89: {  	s3 =	sld [smem:$0x3FFE];
	_ =	sdelay $0x1  }
0x8a: {  	s1 =	srdreg.scid  }
0x8b: {  	s0 =	sand.u32 $0x1, s1  }
0x8c: {  	s17 =	sshll.u32 s0, $0xA;
	s2 =	sadd.s32 s3, s2  }
0x8d: {  	s2 =	sadd.s32 s2, s17  }
0x8e: {  	[smem:$0x3FC1] =	sst s2  }
0x8f: {  	_ = 	snop  }
0x90: {  	s18 =	sld [smem:$0x3FD0];
	(tm) =	ssettm $0x1  }
0x91: {  	s19 =	sld [smem:$0x3FFB];
	_ =	sdelay $0x3  }
0x92: {  	_ =	strace s19  }
0x93: {  	s2 =	sld [smem:$0x3FFC];
	_ =	sdelay $0x3  }
0x94: {  	_ =	strace s2  }
0x95: {  	s2 =	sld [smem:$0x3FFD];
	_ =	sdelay $0x3  }
0x96: {  	_ =	strace s2  }
0x97: {  	_ =	strace $0x8FFFFFFF  }
0x98: {  	s20 =	sld [smem:$0x3FDB];
	_ =	sdelay $0x1  }
0x99: {  	s4 =	simm.s32 $_scs_section_size  }
0x9a: {  	s5 =	simm.s32 $_size__tile_overlayer_lowered;
	s6 =	simm.s32 $_tile_overlayer_lowered  }
0x9b: {  	s7 =	simm.s32 $0x1BFF;
	s21 =	sshll.u32 s6, $0x1;
	s4 =	sadd.s32 s4, s20  }
0x9c: {  	s22 =	simm.s32 $0x0;
	s5 =	sshll.u32 s5, $0x1;
	s6 =	sadd.s32 s21, s4  }
0x9d: {  	[timem:s22], [sflag:s7] =	dma.local [hbm:s6], s5  }
0x9e: {  	_ =	swait.ge [sflag:s7], s5  }
0x9f: {  	s5 =	ssub.s32 $0x0, s5;
	[sflag:s7] =	ssyncset.done $0x0  }
0xa0: {  	[sflag:s7] =	ssyncadd.s32 s5;
	_ =	sdelay $0x1  }
0xa1: {  	s23 =	simm.s32 $0x1B8B  }
0xa2: {  	_ =	swait.ge [sflag:s23], $0x1  }
0xa3: {  	[sflag:s23] =	ssyncset.done $0x0  }
0xa4: {  	[sflag:s23] =	ssyncadd.s32 $0xFFFFFFFF  }
0xa5: {  	s5 =	sld [smem:$0x0]  }
0xa6: {  	s6 =	sand.u32 $0xFFFFFFFE, s1  }
0xa7: {  	p0 =	sne.s32 s1, s6  }
0xa8: {  	s6 =	sshll.u32 @p0 s6, $0xE  }
0xa9: {  	s6 =	sadd.s32 @p0 $0x11B8D, s6;
	s7 =	sshll.u32 @p0 s5, $0x11  }
0xaa: {  	s6 =	sor.u32 @p0 s7, s6  }
0xab: {  	[sflag:s6] =	ssyncadd.remote.s32 @p0 $0x1;
	_ =	sdelay $0x1  }
0xac: {  	s6 =	simm.s32 @p0 $0x1B8D  }
0xad: {  	_ =	swait.eq @p0 [sflag:s6], $0x1  }
0xae: {  	[sflag:s6] =	ssyncadd.s32 @p0 $0xFFFFFFFF  }
0xaf: {  	s7 =	sshll.u32 @!p0 s1, $0xE  }
0xb0: {  	s7 =	sor.u32 @!p0 $0x4000, s7;
	s6 =	simm.s32 @!p0 $0x1B8D  }
0xb1: {  	s5 =	sshll.u32 @!p0 s5, $0x11;
	s7 =	sadd.s32 @!p0 $0x11B8D, s7;
	_ =	swait.eq @!p0 [sflag:s6], $0x1  }
0xb2: {  	s5 =	sor.u32 @!p0 s5, s7;
	[sflag:s6] =	ssyncadd.s32 @!p0 $0xFFFFFFFF  }
0xb3: {  	s25 =	simm.s32 $0x1B8E;
	s24 =	sld [smem:$0x3FFE];
	[sflag:s5] =	ssyncadd.remote.s32 @!p0 $0x1  }
0xb4: {  	s26 =	simm.s32 $execute0_lowered;
	[smem:$0x3FD2] =	sst s25  }
0xb5: {  	s6 =	sshll.u32 s26, $0x1;
	_ =	strace $0x80000049;
	[dreg:$0x1] =	wrdreg $0xFFFFFFFF  }
0xb6: {  	s28 =	simm.s32 $_size_execute0_lowered;
	s4 =	sadd.s32 s4, s6;
	[dreg:$0x0] =	wrdreg $0x0  }
0xb7: {  	s6 =	sshll.u32 s28, $0x1;
	[dreg:$0x2] =	wrdreg s4  }
0xb8: {  	[dreg:$0x3] =	wrdreg s6  }
0xb9: {  	[dreg:$0x4] =	wrdreg $0xC0  }
0xba: {  	_ =	task [dreg:s22], $0x5FFFF  }
0xbb: {  	[dreg:$0x1] =	wrdreg $0xFFFFFFFF  }
0xbc: {  	[dreg:$0x0] =	wrdreg $0x60  }
0xbd: {  	[dreg:$0x2] =	wrdreg s24  }
0xbe: {  	[dreg:$0x3] =	wrdreg s18  }
0xbf: {  	[dreg:$0x4] =	wrdreg $0x172000  }
0xc0: {  	[dreg:$0x5] =	wrdreg $0xA  }
0xc1: {  	_ =	task.clear_ibuf [dreg:s22], $0x6FFFF;
	_ =	strace $0x90000049  }
0xc2: {  	s29 =	simm.s32 $0xA;
	_ =	strace $0x8000004B  }
0xc3: {  	_ =	swait.ge [sflag:s29], $0x1  }
0xc4: {  	[sflag:s29] =	ssyncadd.s32 $0xFFFFFFFF  }
0xc5: {  	_ =	strace $0x9000004B  }
0xc6: {  	_ =	sfence  }
0xc7: {  	s30 =	sld [smem:$0x0];
	_ =	sdelay $0x2  }
0xc8: {  	s31 =	sshll.u32 s1, $0xD;
	s1 =	sshrl.u32 s1, $0x2  }
0xc9: {  	s4 =	sand.u32 $0x4000, s31;
	s1 =	sadd.s32 s1, s30  }
0xca: {  	s0 =	sor.u32 s4, s0;
	s1 =	sshll.u32 s1, $0x11  }
0xcb: {  	s0 =	sor.u32 s1, s0  }
0xcc: {  	s0 =	sadd.s32 $0x8F2B, s0  }
0xcd: {  	[sflag:s0] =	ssyncadd.remote.s32 $0x1  }
0xce: {  	_ =	sfence.sel $0xFFFF  }
0xcf: {  	[dreg:$0x0] =	wrdreg $0xFFFFFFFF;
	(pc) =	sbr.abs _section_cstart, $3  }
0xd0: {  	[dreg:$0x1] =	wrdreg $0xFFFFFFFF  }
0xd1: {  	_ =	task.clear_ibuf [dreg:s22], $0x2FFFF;
	_ =	strace $0x9FFFFFFF  }
0xd2: {  	(tm) =	ssettm $0x7FFFFFFF  }
0xd3: {  	_ =	shalt  }
tec
execute0_lowered:
.L_overlay_start_1:
0x0: {  	(tag) =	ssettag $0x1  }
0x1: {  	s3 =	rddreg [dreg:$0x0]  }
0x2: {  	s1 =	rddreg [dreg:$0x1]  }
0x3: {  	s31 =	rddreg [dreg:$0x3]  }
0x4: {  	[dreg:$0x5] =	wrdreg s1  }
0x5: {  	s28 =	simm.s32 $0x0;
	s1 =	rddreg [dreg:$0x2]  }
0x6: {  	[smem:$0x7FF] =	sst s28;
	s6 =	sadd.s32 $0xF000, s3  }
0x7: {  	s12 =	simm.s32 $0x200;
	_ =	strace $0x8000004A;
	[dreg:$0x4] =	wrdreg s6  }
0x8: {  	s13 =	simm.s32 $0x300;
	[dreg:$0x9] =	wrdreg s12  }
0x9: {  	s14 =	simm.s32 $0x400;
	[dreg:$0xa] =	wrdreg s13  }
0xa: {  	s15 =	simm.s32 $0x500;
	[dreg:$0xb] =	wrdreg s14  }
0xb: {  	s16 =	simm.s32 $0x1A00;
	[dreg:$0xc] =	wrdreg s15  }
0xc: {  	s17 =	simm.s32 $0x600;
	[dreg:$0xd] =	wrdreg s16  }
0xd: {  	s18 =	simm.s32 $0x1B00;
	[dreg:$0xe] =	wrdreg s17  }
0xe: {  	s19 =	simm.s32 $0x700;
	[dreg:$0xf] =	wrdreg s18  }
0xf: {  	s20 =	simm.s32 $0x1C00;
	[dreg:$0x10] =	wrdreg s19  }
0x10: {  	s21 =	simm.s32 $0x800;
	[dreg:$0x11] =	wrdreg s20  }
0x11: {  	s22 =	simm.s32 $0x1D00;
	[dreg:$0x12] =	wrdreg s21  }
0x12: {  	s24 =	simm.s32 $0x900;
	[dreg:$0x13] =	wrdreg s22  }
0x13: {  	s25 =	simm.s32 $0x1E00;
	[dreg:$0x14] =	wrdreg s24  }
0x14: {  	s26 =	simm.s32 $0xA00;
	[dreg:$0x15] =	wrdreg s25  }
0x15: {  	s2 =	srdreg.scid;
	s0 =	simm.s32 $0x1F00;
	[dreg:$0x16] =	wrdreg s26  }
0x16: {  	s23 =	stileid.u32;
	s7 =	simm.s32 $0x2000;
	[dreg:$0x17] =	wrdreg s0  }
0x17: {  	s8 =	simm.s32 $0xC00;
	s4 =	sand.u32 $0x1, s2;
	[dreg:$0x19] =	wrdreg s7  }
0x18: {  	s9 =	sshll.u32 s23, $0x1;
	s6 =	simm.s32 $0xB00;
	[dreg:$0x1a] =	wrdreg s8  }
0x19: {  	s2 =	sor.u32 s4, s9;
	s9 =	simm.s32 $0x2100;
	[dreg:$0x18] =	wrdreg s6  }
0x1a: {  	s12 =	simm.s32 $0xE00;
	[dreg:$0x1b] =	wrdreg s9  }
0x1b: {  	s14 =	simm.s32 $0x2300;
	[dreg:$0x1e] =	wrdreg s12  }
0x1c: {  	s15 =	simm.s32 $0xF00;
	[dreg:$0x1f] =	wrdreg s14  }
0x1d: {  	s7 =	simm.s32 $0x2400;
	[smem:$0x7EA] =	sst s15  }
0x1e: {  	s29 =	simm.s32 $0x1900;
	s17 =	simm.s32 $0x1000;
	[smem:$0x7EB] =	sst s7  }
0x1f: {  	s30 =	simm.s32 $0xC;
	s18 =	simm.s32 $0x2500;
	[smem:$0x7EC] =	sst s17  }
0x20: {  	p0 =	por $0x0, $0x0;
	s19 =	simm.s32 $0x1100;
	[smem:$0x7ED] =	sst s18  }
0x21: {  	s4 =	ssub.s32 $0x2, s4;
	s20 =	simm.s32 $0x2600;
	[smem:$0x7EE] =	sst s19  }
0x22: {  	s16 =	sshll.u32 s23, $0xD;
	s21 =	simm.s32 $0x1200;
	[smem:$0x7EF] =	sst s20  }
0x23: {  	s22 =	simm.s32 $0x2700;
	s24 =	simm.s32 $0x1300;
	[smem:$0x7F0] =	sst s21  }
0x24: {  	s25 =	simm.s32 $0x2800;
	s26 =	simm.s32 $0x1400;
	[smem:$0x7F1] =	sst s22  }
0x25: {  	s8 =	simm.s32 $0xF200;
	s0 =	simm.s32 $0x2900;
	[smem:$0x7F2] =	sst s24  }
0x26: {  	s5 =	smul.u32 $0x1900, s2;
	s2 =	sshll.u32 s2, $0xA;
	[smem:$0x7F3] =	sst s25  }
0x27: {  	s6 =	sadd.s32 $0x17400, s3;
	s13 =	sshrl.u32 s4, $0x1;
	[smem:$0x7F4] =	sst s26  }
0x28: {  	s9 =	simm.s32 $0xB200;
	s7 =	simm.s32 $0x13200;
	[smem:$0x7F5] =	sst s0  }
0x29: {  	s12 =	simm.s32 $0x1500;
	s22 =	simm.s32 $0x1;
	s20 =	simm.s32 $0x6  }
0x2a: {  	s15 =	simm.s32 $0x1600;
	s21 =	simm.s32 $0x2;
	s18 =	simm.s32 $0x7  }
0x2b: {  	s17 =	simm.s32 $0x1700;
	s19 =	simm.s32 $0x3;
	[smem:$0x7F6] =	sst s12  }
0x2c: {  	s24 =	simm.s32 $0x2C00;
	s25 =	simm.s32 $0x1800;
	[smem:$0x7F8] =	sst s15  }
0x2d: {  	s26 =	simm.s32 $0x2D00;
	s2 =	sadd.s32 s2, s3;
	[smem:$0x7FA] =	sst s17  }
0x2e: {  	s4 =	ssub.s32 s4, s13;
	s13 =	simm.s32 $0x2A00;
	[smem:$0x7FB] =	sst s24  }
0x2f: {  	s17 =	simm.s32 $0x4;
	[smem:$0x7FC] =	sst s25;
	s15 =	simm.s32 $0x9  }
0x30: {  	[smem:$0x7FD] =	sst s26;
	s12 =	simm.s32 $0xA;
	s26 =	simm.s32 $0x2E00  }
0x31: {  	s25 =	simm.s32 $0x2F00;
	s24 =	simm.s32 $0x3000;
	s5 =	sshrl.u32 s5, $0x3  }
0x32: {  	s10 =	sadd.s32 $0xDAA00, s2;
	s2 =	sshll.u32 s23, $0x6;
	s14 =	smax.u32 s4, $0x1  }
0x33: {  	[smem:$0x7F7] =	sst s13;
	s13 =	simm.s32 $0x5;
	s5 =	sadd.s32 s3, s5  }
0x34: {  	[dreg:$0x7] =	wrdreg s10;
	s11 =	sor.u32 $0x1C0C, s2;
	s10 =	simm.s32 $0xD00  }
0x35: {  	s3 =	sadd.s32 s16, s1;
	s16 =	simm.s32 $0x2B00;
	p1 =	sne.s32 s14, $0x1  }
.Ltmp0:
0x36: {  	s1 =	sadd.s32 $0xFFFFFFFF, s14;
	[dreg:$0x8] =	wrdreg s11;
	(pc) =	sbr.rel @!p1 .LBB2_5-.Ltmp0, $4  }
0x37: {  	s14 =	simm.s32 $0xB;
	s5 =	sadd.s32 $0x8C00, s5;
	[dreg:$0x1c] =	wrdreg s10  }
0x38: {  	s11 =	simm.s32 $0x2200;
	s4 =	sshrl.u32 s3, $0x3;
	[smem:$0x7F9] =	sst s16  }
0x39: {  	s10 =	simm.s32 $0x7200;
	s16 =	simm.s32 $0x8;
	[dreg:$0x6] =	wrdreg s5  }
0x3a: {  	[dreg:$0x1d] =	wrdreg s11;
	s5 =	simm.s32 $0x100;
	s11 =	simm.s32 $0x3200  }
0x3b: {  	s31 =	rddreg [dreg:$0x4]  }
0x3c: {  	[tilespmem:s29], [sflag:$0xC] =	stream.linear.gather [hbm4b:s31+s28], $0x1900, $0x38;
	[tilespmem:$0x19200] =	vst v63  }
0x3d: {  	_ =	swait.ge [sflag:s30], $0x1900  }
0x3e: {  	[sflag:s30] =	ssyncset.done $0x0  }
0x3f: {  	s31 =	rddreg [dreg:$0x6];
	[sflag:s30] =	ssyncadd.s32 $0xFFFFE700  }
0x40: {  	[tilespmem:s28], [sflag:$0xC] =	stream.linear.gather [hbm4b:s31+s28], $0x1900, $0x38;
	[tilespmem:$0x19200] =	vst v63  }
0x41: {  	_ =	swait.ge [sflag:s30], $0x1900  }
0x42: {  	s31 =	rddreg [dreg:$0x5];
	[sflag:s30] =	ssyncset.done $0x0  }
0x43: {  	s0 =	rddreg [dreg:$0x8];
	[sflag:s30] =	ssyncadd.s32 $0xFFFFE700  }
0x44: {  	[spmem:s4], [sflag:s0] =	dma.local [hbm:s31], $0x400  }
0x45: {  	_ =	swait.ge [sflag:s30], $0x400  }
0x46: {  	[sflag:s30] =	ssyncset.done $0x0  }
0x47: {  	[sflag:s30] =	ssyncadd.s32 $0xFFFFFC00  }
0x48: {  	[tilespmem:s11], [sflag:$0x1] =	stream.indirect.gather [hbm4b:s6+s5], $0x40, s28, s5, $0xb8;
	[tilespmem:$0x19200] =	vst v63  }
0x49: {  	_ = 	snop  }
0x4a: {  	[tilespmem:s10], [sflag:$0x2] =	stream.indirect.gather [hbm4b:s6+s5], $0x40, s5, s5, $0xb8;
	[tilespmem:$0x19200] =	vst v63  }
0x4b: {  	s23 =	rddreg [dreg:$0x9]  }
0x4c: {  	[tilespmem:s9], [sflag:$0x3] =	stream.indirect.gather [hbm4b:s6+s5], $0x40, s23, s5, $0xb8;
	[tilespmem:$0x19200] =	vst v63  }
0x4d: {  	s31 =	rddreg [dreg:$0xa]  }
0x4e: {  	[tilespmem:s8], [sflag:$0x4] =	stream.indirect.gather [hbm4b:s6+s5], $0x40, s31, s5, $0xb8;
	[tilespmem:$0x19200] =	vst v63  }
0x4f: {  	s23 =	rddreg [dreg:$0xb]  }
0x50: {  	[tilespmem:s7], [sflag:$0x5] =	stream.indirect.gather [hbm4b:s6+s5], $0x40, s23, s5, $0xb8;
	[tilespmem:$0x19200] =	vst v63  }
0x51: {  	_ =	swait.ge [sflag:s22], $0x4000  }
0x52: {  	[sflag:s22] =	ssyncset.done $0x0  }
0x53: {  	[sflag:s22] =	ssyncadd.s32 $0xFFFFC000  }
0x54: {  	[spmem:s3] =	stream.indirect.scatter.add.f32 [tilespmem:s11], [sflag:$0x6], $0x40, s29, s5, $0xb8;
	[tilespmem:$0x19200] =	vst v63  }
0x55: {  	_ =	swait.ge [sflag:s20], $0x4000  }
0x56: {  	[sflag:s20] =	ssyncset.done $0x0  }
0x57: {  	s23 =	rddreg [dreg:$0xc];
	[sflag:s20] =	ssyncadd.s32 $0xFFFFC000  }
0x58: {  	[tilespmem:s11], [sflag:$0x1] =	stream.indirect.gather [hbm4b:s6+s5], $0x40, s23, s5, $0xb8;
	[tilespmem:$0x19200] =	vst v63  }
0x59: {  	_ =	swait.ge [sflag:s21], $0x4000  }
0x5a: {  	[sflag:s21] =	ssyncset.done $0x0  }
0x5b: {  	s23 =	rddreg [dreg:$0xd];
	[sflag:s21] =	ssyncadd.s32 $0xFFFFC000  }
0x5c: {  	[spmem:s3] =	stream.indirect.scatter.add.f32 [tilespmem:s10], [sflag:$0x7], $0x40, s23, s5, $0xb8;
	[tilespmem:$0x19200] =	vst v63  }
0x5d: {  	_ =	swait.ge [sflag:s18], $0x4000  }
0x5e: {  	[sflag:s18] =	ssyncset.done $0x0  }
0x5f: {  	s23 =	rddreg [dreg:$0xe];
	[sflag:s18] =	ssyncadd.s32 $0xFFFFC000  }
0x60: {  	[tilespmem:s10], [sflag:$0x2] =	stream.indirect.gather [hbm4b:s6+s5], $0x40, s23, s5, $0xb8;
	[tilespmem:$0x19200] =	vst v63  }
0x61: {  	_ =	swait.ge [sflag:s19], $0x4000  }
0x62: {  	[sflag:s19] =	ssyncset.done $0x0  }
0x63: {  	s23 =	rddreg [dreg:$0xf];
	[sflag:s19] =	ssyncadd.s32 $0xFFFFC000  }
0x64: {  	[spmem:s3] =	stream.indirect.scatter.add.f32 [tilespmem:s9], [sflag:$0x8], $0x40, s23, s5, $0xb8;
	[tilespmem:$0x19200] =	vst v63  }
0x65: {  	_ =	swait.ge [sflag:s16], $0x4000  }
0x66: {  	[sflag:s16] =	ssyncset.done $0x0  }
0x67: {  	s23 =	rddreg [dreg:$0x10];
	[sflag:s16] =	ssyncadd.s32 $0xFFFFC000  }
0x68: {  	[tilespmem:s9], [sflag:$0x3] =	stream.indirect.gather [hbm4b:s6+s5], $0x40, s23, s5, $0xb8;
	[tilespmem:$0x19200] =	vst v63  }
0x69: {  	_ =	swait.ge [sflag:s17], $0x4000  }
0x6a: {  	[sflag:s17] =	ssyncset.done $0x0  }
0x6b: {  	s23 =	rddreg [dreg:$0x11];
	[sflag:s17] =	ssyncadd.s32 $0xFFFFC000  }
0x6c: {  	[spmem:s3] =	stream.indirect.scatter.add.f32 [tilespmem:s8], [sflag:$0x9], $0x40, s23, s5, $0xb8;
	[tilespmem:$0x19200] =	vst v63  }
0x6d: {  	_ =	swait.ge [sflag:s15], $0x4000  }
0x6e: {  	[sflag:s15] =	ssyncset.done $0x0  }
0x6f: {  	s23 =	rddreg [dreg:$0x12];
	[sflag:s15] =	ssyncadd.s32 $0xFFFFC000  }
0x70: {  	[tilespmem:s8], [sflag:$0x4] =	stream.indirect.gather [hbm4b:s6+s5], $0x40, s23, s5, $0xb8;
	[tilespmem:$0x19200] =	vst v63  }
0x71: {  	_ =	swait.ge [sflag:s13], $0x4000  }
0x72: {  	[sflag:s13] =	ssyncset.done $0x0  }
0x73: {  	s23 =	rddreg [dreg:$0x13];
	[sflag:s13] =	ssyncadd.s32 $0xFFFFC000  }
0x74: {  	[spmem:s3] =	stream.indirect.scatter.add.f32 [tilespmem:s7], [sflag:$0xA], $0x40, s23, s5, $0xb8;
	[tilespmem:$0x19200] =	vst v63  }
0x75: {  	_ =	swait.ge [sflag:s12], $0x4000  }
0x76: {  	[sflag:s12] =	ssyncset.done $0x0  }
0x77: {  	s23 =	rddreg [dreg:$0x14];
	[sflag:s12] =	ssyncadd.s32 $0xFFFFC000  }
0x78: {  	[tilespmem:s7], [sflag:$0x5] =	stream.indirect.gather [hbm4b:s6+s5], $0x40, s23, s5, $0xb8;
	[tilespmem:$0x19200] =	vst v63  }
0x79: {  	_ =	swait.ge [sflag:s22], $0x4000  }
0x7a: {  	[sflag:s22] =	ssyncset.done $0x0  }
0x7b: {  	s23 =	rddreg [dreg:$0x15];
	[sflag:s22] =	ssyncadd.s32 $0xFFFFC000  }
0x7c: {  	[spmem:s3] =	stream.indirect.scatter.add.f32 [tilespmem:s11], [sflag:$0x6], $0x40, s23, s5, $0xb8;
	[tilespmem:$0x19200] =	vst v63  }
0x7d: {  	_ =	swait.ge [sflag:s20], $0x4000  }
0x7e: {  	[sflag:s20] =	ssyncset.done $0x0  }
0x7f: {  	s23 =	rddreg [dreg:$0x16];
	[sflag:s20] =	ssyncadd.s32 $0xFFFFC000  }
0x80: {  	[tilespmem:s11], [sflag:$0x1] =	stream.indirect.gather [hbm4b:s6+s5], $0x40, s23, s5, $0xb8;
	[tilespmem:$0x19200] =	vst v63  }
0x81: {  	_ =	swait.ge [sflag:s21], $0x4000  }
0x82: {  	[sflag:s21] =	ssyncset.done $0x0  }
0x83: {  	s23 =	rddreg [dreg:$0x17];
	[sflag:s21] =	ssyncadd.s32 $0xFFFFC000  }
0x84: {  	[spmem:s3] =	stream.indirect.scatter.add.f32 [tilespmem:s10], [sflag:$0x7], $0x40, s23, s5, $0xb8;
	[tilespmem:$0x19200] =	vst v63  }
0x85: {  	_ =	swait.ge [sflag:s18], $0x4000  }
0x86: {  	[sflag:s18] =	ssyncset.done $0x0  }
0x87: {  	s23 =	rddreg [dreg:$0x18];
	[sflag:s18] =	ssyncadd.s32 $0xFFFFC000  }
0x88: {  	[tilespmem:s10], [sflag:$0x2] =	stream.indirect.gather [hbm4b:s6+s5], $0x40, s23, s5, $0xb8;
	[tilespmem:$0x19200] =	vst v63  }
0x89: {  	_ =	swait.ge [sflag:s19], $0x4000  }
0x8a: {  	[sflag:s19] =	ssyncset.done $0x0  }
0x8b: {  	s23 =	rddreg [dreg:$0x19];
	[sflag:s19] =	ssyncadd.s32 $0xFFFFC000  }
0x8c: {  	[spmem:s3] =	stream.indirect.scatter.add.f32 [tilespmem:s9], [sflag:$0x8], $0x40, s23, s5, $0xb8;
	[tilespmem:$0x19200] =	vst v63  }
0x8d: {  	_ =	swait.ge [sflag:s16], $0x4000  }
0x8e: {  	[sflag:s16] =	ssyncset.done $0x0  }
0x8f: {  	s23 =	rddreg [dreg:$0x1a];
	[sflag:s16] =	ssyncadd.s32 $0xFFFFC000  }
0x90: {  	[tilespmem:s9], [sflag:$0x3] =	stream.indirect.gather [hbm4b:s6+s5], $0x40, s23, s5, $0xb8;
	[tilespmem:$0x19200] =	vst v63  }
0x91: {  	_ =	swait.ge [sflag:s17], $0x4000  }
0x92: {  	[sflag:s17] =	ssyncset.done $0x0  }
0x93: {  	s23 =	rddreg [dreg:$0x1b];
	[sflag:s17] =	ssyncadd.s32 $0xFFFFC000  }
0x94: {  	[spmem:s3] =	stream.indirect.scatter.add.f32 [tilespmem:s8], [sflag:$0x9], $0x40, s23, s5, $0xb8;
	[tilespmem:$0x19200] =	vst v63  }
0x95: {  	_ =	swait.ge [sflag:s15], $0x4000  }
0x96: {  	[sflag:s15] =	ssyncset.done $0x0  }
0x97: {  	s23 =	rddreg [dreg:$0x1c];
	[sflag:s15] =	ssyncadd.s32 $0xFFFFC000  }
0x98: {  	[tilespmem:s8], [sflag:$0x4] =	stream.indirect.gather [hbm4b:s6+s5], $0x40, s23, s5, $0xb8;
	[tilespmem:$0x19200] =	vst v63  }
0x99: {  	_ =	swait.ge [sflag:s13], $0x4000  }
0x9a: {  	[sflag:s13] =	ssyncset.done $0x0  }
0x9b: {  	s23 =	rddreg [dreg:$0x1d];
	[sflag:s13] =	ssyncadd.s32 $0xFFFFC000  }
0x9c: {  	[spmem:s3] =	stream.indirect.scatter.add.f32 [tilespmem:s7], [sflag:$0xA], $0x40, s23, s5, $0xb8;
	[tilespmem:$0x19200] =	vst v63  }
0x9d: {  	_ =	swait.ge [sflag:s12], $0x4000  }
0x9e: {  	[sflag:s12] =	ssyncset.done $0x0  }
0x9f: {  	s23 =	rddreg [dreg:$0x1e];
	[sflag:s12] =	ssyncadd.s32 $0xFFFFC000  }
0xa0: {  	[tilespmem:s7], [sflag:$0x5] =	stream.indirect.gather [hbm4b:s6+s5], $0x40, s23, s5, $0xb8;
	[tilespmem:$0x19200] =	vst v63  }
0xa1: {  	_ =	swait.ge [sflag:s22], $0x4000  }
0xa2: {  	[sflag:s22] =	ssyncset.done $0x0  }
0xa3: {  	s23 =	rddreg [dreg:$0x1f];
	[sflag:s22] =	ssyncadd.s32 $0xFFFFC000  }
0xa4: {  	[spmem:s3] =	stream.indirect.scatter.add.f32 [tilespmem:s11], [sflag:$0x6], $0x40, s23, s5, $0xb8;
	[tilespmem:$0x19200] =	vst v63  }
0xa5: {  	_ =	swait.ge [sflag:s20], $0x4000  }
0xa6: {  	s23 =	sld [smem:$0x7EA]  }
0xa7: {  	[sflag:s20] =	ssyncset.done $0x0  }
0xa8: {  	[sflag:s20] =	ssyncadd.s32 $0xFFFFC000  }
0xa9: {  	[tilespmem:s11], [sflag:$0x1] =	stream.indirect.gather [hbm4b:s6+s5], $0x40, s23, s5, $0xb8;
	[tilespmem:$0x19200] =	vst v63  }
0xaa: {  	_ =	swait.ge [sflag:s21], $0x4000  }
0xab: {  	s23 =	sld [smem:$0x7EB]  }
0xac: {  	[sflag:s21] =	ssyncset.done $0x0  }
0xad: {  	[sflag:s21] =	ssyncadd.s32 $0xFFFFC000  }
0xae: {  	[spmem:s3] =	stream.indirect.scatter.add.f32 [tilespmem:s10], [sflag:$0x7], $0x40, s23, s5, $0xb8;
	[tilespmem:$0x19200] =	vst v63  }
0xaf: {  	_ =	swait.ge [sflag:s18], $0x4000  }
0xb0: {  	s23 =	sld [smem:$0x7EC]  }
0xb1: {  	[sflag:s18] =	ssyncset.done $0x0  }
0xb2: {  	[sflag:s18] =	ssyncadd.s32 $0xFFFFC000  }
0xb3: {  	[tilespmem:s10], [sflag:$0x2] =	stream.indirect.gather [hbm4b:s6+s5], $0x40, s23, s5, $0xb8;
	[tilespmem:$0x19200] =	vst v63  }
0xb4: {  	_ =	swait.ge [sflag:s19], $0x4000  }
0xb5: {  	s23 =	sld [smem:$0x7ED]  }
0xb6: {  	[sflag:s19] =	ssyncset.done $0x0  }
0xb7: {  	[sflag:s19] =	ssyncadd.s32 $0xFFFFC000  }
0xb8: {  	[spmem:s3] =	stream.indirect.scatter.add.f32 [tilespmem:s9], [sflag:$0x8], $0x40, s23, s5, $0xb8;
	[tilespmem:$0x19200] =	vst v63  }
0xb9: {  	_ =	swait.ge [sflag:s16], $0x4000  }
0xba: {  	s23 =	sld [smem:$0x7EE]  }
0xbb: {  	[sflag:s16] =	ssyncset.done $0x0  }
0xbc: {  	[sflag:s16] =	ssyncadd.s32 $0xFFFFC000  }
0xbd: {  	[tilespmem:s9], [sflag:$0x3] =	stream.indirect.gather [hbm4b:s6+s5], $0x40, s23, s5, $0xb8;
	[tilespmem:$0x19200] =	vst v63  }
0xbe: {  	_ =	swait.ge [sflag:s17], $0x4000  }
0xbf: {  	s23 =	sld [smem:$0x7EF]  }
0xc0: {  	[sflag:s17] =	ssyncset.done $0x0  }
0xc1: {  	[sflag:s17] =	ssyncadd.s32 $0xFFFFC000  }
0xc2: {  	[spmem:s3] =	stream.indirect.scatter.add.f32 [tilespmem:s8], [sflag:$0x9], $0x40, s23, s5, $0xb8;
	[tilespmem:$0x19200] =	vst v63  }
0xc3: {  	_ =	swait.ge [sflag:s15], $0x4000  }
0xc4: {  	s23 =	sld [smem:$0x7F0]  }
0xc5: {  	[sflag:s15] =	ssyncset.done $0x0  }
0xc6: {  	[sflag:s15] =	ssyncadd.s32 $0xFFFFC000  }
0xc7: {  	[tilespmem:s8], [sflag:$0x4] =	stream.indirect.gather [hbm4b:s6+s5], $0x40, s23, s5, $0xb8;
	[tilespmem:$0x19200] =	vst v63  }
0xc8: {  	_ =	swait.ge [sflag:s13], $0x4000  }
0xc9: {  	s23 =	sld [smem:$0x7F1]  }
0xca: {  	[sflag:s13] =	ssyncset.done $0x0  }
0xcb: {  	[sflag:s13] =	ssyncadd.s32 $0xFFFFC000  }
0xcc: {  	[spmem:s3] =	stream.indirect.scatter.add.f32 [tilespmem:s7], [sflag:$0xA], $0x40, s23, s5, $0xb8;
	[tilespmem:$0x19200] =	vst v63  }
0xcd: {  	_ =	swait.ge [sflag:s12], $0x4000  }
0xce: {  	s23 =	sld [smem:$0x7F2]  }
0xcf: {  	[sflag:s12] =	ssyncset.done $0x0  }
0xd0: {  	[sflag:s12] =	ssyncadd.s32 $0xFFFFC000  }
0xd1: {  	[tilespmem:s7], [sflag:$0x5] =	stream.indirect.gather [hbm4b:s6+s5], $0x40, s23, s5, $0xb8;
	[tilespmem:$0x19200] =	vst v63  }
0xd2: {  	_ =	swait.ge [sflag:s22], $0x4000  }
0xd3: {  	s23 =	sld [smem:$0x7F3]  }
0xd4: {  	[sflag:s22] =	ssyncset.done $0x0  }
0xd5: {  	[sflag:s22] =	ssyncadd.s32 $0xFFFFC000  }
0xd6: {  	[spmem:s3] =	stream.indirect.scatter.add.f32 [tilespmem:s11], [sflag:$0x6], $0x40, s23, s5, $0xb8;
	[tilespmem:$0x19200] =	vst v63  }
0xd7: {  	_ =	swait.ge [sflag:s20], $0x4000  }
0xd8: {  	s23 =	sld [smem:$0x7F4]  }
0xd9: {  	[sflag:s20] =	ssyncset.done $0x0  }
0xda: {  	[sflag:s20] =	ssyncadd.s32 $0xFFFFC000  }
0xdb: {  	[tilespmem:s11], [sflag:$0x1] =	stream.indirect.gather [hbm4b:s6+s5], $0x40, s23, s5, $0xb8;
	[tilespmem:$0x19200] =	vst v63  }
0xdc: {  	_ =	swait.ge [sflag:s21], $0x4000  }
0xdd: {  	s23 =	sld [smem:$0x7F5]  }
0xde: {  	[sflag:s21] =	ssyncset.done $0x0  }
0xdf: {  	[sflag:s21] =	ssyncadd.s32 $0xFFFFC000  }
0xe0: {  	[spmem:s3] =	stream.indirect.scatter.add.f32 [tilespmem:s10], [sflag:$0x7], $0x40, s23, s5, $0xb8;
	[tilespmem:$0x19200] =	vst v63  }
0xe1: {  	_ =	swait.ge [sflag:s18], $0x4000  }
0xe2: {  	s23 =	sld [smem:$0x7F6]  }
0xe3: {  	[sflag:s18] =	ssyncset.done $0x0  }
0xe4: {  	[sflag:s18] =	ssyncadd.s32 $0xFFFFC000  }
0xe5: {  	[tilespmem:s10], [sflag:$0x2] =	stream.indirect.gather [hbm4b:s6+s5], $0x40, s23, s5, $0xb8;
	[tilespmem:$0x19200] =	vst v63  }
0xe6: {  	_ =	swait.ge [sflag:s19], $0x4000  }
0xe7: {  	s23 =	sld [smem:$0x7F7]  }
0xe8: {  	[sflag:s19] =	ssyncset.done $0x0  }
0xe9: {  	[sflag:s19] =	ssyncadd.s32 $0xFFFFC000  }
0xea: {  	[spmem:s3] =	stream.indirect.scatter.add.f32 [tilespmem:s9], [sflag:$0x8], $0x40, s23, s5, $0xb8;
	[tilespmem:$0x19200] =	vst v63  }
0xeb: {  	_ =	swait.ge [sflag:s16], $0x4000  }
0xec: {  	s23 =	sld [smem:$0x7F8]  }
0xed: {  	[sflag:s16] =	ssyncset.done $0x0  }
0xee: {  	[sflag:s16] =	ssyncadd.s32 $0xFFFFC000  }
0xef: {  	[tilespmem:s9], [sflag:$0x3] =	stream.indirect.gather [hbm4b:s6+s5], $0x40, s23, s5, $0xb8;
	[tilespmem:$0x19200] =	vst v63  }
0xf0: {  	_ =	swait.ge [sflag:s17], $0x4000  }
0xf1: {  	s23 =	sld [smem:$0x7F9]  }
0xf2: {  	[sflag:s17] =	ssyncset.done $0x0  }
0xf3: {  	[sflag:s17] =	ssyncadd.s32 $0xFFFFC000  }
0xf4: {  	[spmem:s3] =	stream.indirect.scatter.add.f32 [tilespmem:s8], [sflag:$0x9], $0x40, s23, s5, $0xb8;
	[tilespmem:$0x19200] =	vst v63  }
0xf5: {  	_ =	swait.ge [sflag:s15], $0x4000  }
0xf6: {  	s23 =	sld [smem:$0x7FA]  }
0xf7: {  	[sflag:s15] =	ssyncset.done $0x0  }
0xf8: {  	[sflag:s15] =	ssyncadd.s32 $0xFFFFC000  }
0xf9: {  	[tilespmem:s8], [sflag:$0x4] =	stream.indirect.gather [hbm4b:s6+s5], $0x40, s23, s5, $0xb8;
	[tilespmem:$0x19200] =	vst v63  }
0xfa: {  	_ =	swait.ge [sflag:s13], $0x4000  }
0xfb: {  	s23 =	sld [smem:$0x7FB]  }
0xfc: {  	[sflag:s13] =	ssyncset.done $0x0  }
0xfd: {  	[sflag:s13] =	ssyncadd.s32 $0xFFFFC000  }
0xfe: {  	[spmem:s3] =	stream.indirect.scatter.add.f32 [tilespmem:s7], [sflag:$0xA], $0x40, s23, s5, $0xb8;
	[tilespmem:$0x19200] =	vst v63  }
0xff: {  	_ =	swait.ge [sflag:s12], $0x4000  }
0x100: {  	s23 =	sld [smem:$0x7FC]  }
0x101: {  	[sflag:s12] =	ssyncset.done $0x0  }
0x102: {  	[sflag:s12] =	ssyncadd.s32 $0xFFFFC000  }
0x103: {  	[tilespmem:s7], [sflag:$0x5] =	stream.indirect.gather [hbm4b:s6+s5], $0x40, s23, s5, $0xb8;
	[tilespmem:$0x19200] =	vst v63  }
0x104: {  	_ =	swait.ge [sflag:s22], $0x4000  }
0x105: {  	s23 =	sld [smem:$0x7FD]  }
0x106: {  	[sflag:s22] =	ssyncset.done $0x0  }
0x107: {  	[sflag:s22] =	ssyncadd.s32 $0xFFFFC000  }
0x108: {  	[spmem:s3] =	stream.indirect.scatter.add.f32 [tilespmem:s11], [sflag:$0x6], $0x40, s23, s5, $0xb8;
	[tilespmem:$0x19200] =	vst v63  }
0x109: {  	_ =	swait.ge [sflag:s20], $0x4000  }
0x10a: {  	[sflag:s20] =	ssyncset.done $0x0  }
0x10b: {  	[sflag:s20] =	ssyncadd.s32 $0xFFFFC000  }
0x10c: {  	_ =	swait.ge [sflag:s21], $0x4000  }
0x10d: {  	[sflag:s21] =	ssyncset.done $0x0  }
0x10e: {  	[sflag:s21] =	ssyncadd.s32 $0xFFFFC000  }
0x10f: {  	[spmem:s3] =	stream.indirect.scatter.add.f32 [tilespmem:s10], [sflag:$0x7], $0x40, s26, s5, $0xb8;
	[tilespmem:$0x19200] =	vst v63  }
0x110: {  	_ =	swait.ge [sflag:s18], $0x4000  }
0x111: {  	[sflag:s18] =	ssyncset.done $0x0  }
0x112: {  	[sflag:s18] =	ssyncadd.s32 $0xFFFFC000  }
0x113: {  	_ =	swait.ge [sflag:s19], $0x4000  }
0x114: {  	[sflag:s19] =	ssyncset.done $0x0  }
0x115: {  	[sflag:s19] =	ssyncadd.s32 $0xFFFFC000  }
0x116: {  	[spmem:s3] =	stream.indirect.scatter.add.f32 [tilespmem:s9], [sflag:$0x8], $0x40, s25, s5, $0xb8;
	[tilespmem:$0x19200] =	vst v63  }
0x117: {  	_ =	swait.ge [sflag:s16], $0x4000  }
0x118: {  	[sflag:s16] =	ssyncset.done $0x0  }
0x119: {  	[sflag:s16] =	ssyncadd.s32 $0xFFFFC000  }
0x11a: {  	_ =	swait.ge [sflag:s17], $0x4000  }
0x11b: {  	[sflag:s17] =	ssyncset.done $0x0  }
0x11c: {  	[sflag:s17] =	ssyncadd.s32 $0xFFFFC000  }
0x11d: {  	[spmem:s3] =	stream.indirect.scatter.add.f32 [tilespmem:s8], [sflag:$0x9], $0x40, s24, s5, $0xb8;
	[tilespmem:$0x19200] =	vst v63  }
0x11e: {  	_ =	swait.ge [sflag:s15], $0x4000  }
0x11f: {  	[sflag:s15] =	ssyncset.done $0x0  }
0x120: {  	[sflag:s15] =	ssyncadd.s32 $0xFFFFC000  }
0x121: {  	_ =	swait.ge [sflag:s13], $0x4000  }
0x122: {  	[sflag:s13] =	ssyncset.done $0x0  }
0x123: {  	p1 =	sne.s32 s1, $0x1;
	s23 =	simm.s32 $0x3100;
	[sflag:s13] =	ssyncadd.s32 $0xFFFFC000  }
0x124: {  	[spmem:s3] =	stream.indirect.scatter.add.f32 [tilespmem:s7], [sflag:$0xA], $0x40, s23, s5, $0xb8;
	[tilespmem:$0x19200] =	vst v63  }
.Ltmp1:
0x125: {  	_ =	swait.ge [sflag:s12], $0x4000;
	(pc) =	sbr.rel @!p1 .LBB2_2-.Ltmp1, $4  }
0x126: {  	s23 =	rddreg [dreg:$0x7];
	[sflag:s12] =	ssyncset.done $0x0  }
0x127: {  	s31 =	sor.u32 $0x1C0B, s2;
	[smem:$0x7E9] =	sst s2;
	[sflag:s12] =	ssyncadd.s32 $0xFFFFC000  }
0x128: {  	[hbm:s23], [sflag:s31] =	dma.local [spmem:s4], $0x400  }
0x129: {  	s1 =	sadd.s32 $0xFFFFFFFF, s1;
	p0 =	por $0x1, $0x1;
	_ =	swait.ge [sflag:s14], $0x400  }
.LBB2_3:
0x12a: {  	[sflag:s14] =	ssyncset.done $0x0  }
0x12b: {  	s0 =	rddreg [dreg:$0x4];
	[sflag:s14] =	ssyncadd.s32 $0xFFFFFC00  }
0x12c: {  	[tilespmem:s29], [sflag:$0xC] =	stream.linear.gather [hbm4b:s0+s28], $0x1900, $0x38;
	[tilespmem:$0x19200] =	vst v63  }
0x12d: {  	_ =	swait.ge [sflag:s30], $0x1900  }
0x12e: {  	[sflag:s30] =	ssyncset.done $0x0  }
0x12f: {  	s2 =	rddreg [dreg:$0x6];
	[sflag:s30] =	ssyncadd.s32 $0xFFFFE700  }
0x130: {  	[tilespmem:s28], [sflag:$0xC] =	stream.linear.gather [hbm4b:s2+s28], $0x1900, $0x38;
	[tilespmem:$0x19200] =	vst v63  }
0x131: {  	_ =	swait.ge [sflag:s30], $0x1900  }
0x132: {  	[sflag:s30] =	ssyncset.done $0x0;
	s23 =	rddreg [dreg:$0x5]  }
0x133: {  	s2 =	rddreg [dreg:$0x8];
	[sflag:s30] =	ssyncadd.s32 $0xFFFFE700  }
0x134: {  	[spmem:s4], [sflag:s2] =	dma.local [hbm:s23], $0x400  }
0x135: {  	_ =	swait.ge [sflag:s30], $0x400  }
0x136: {  	[sflag:s30] =	ssyncset.done $0x0  }
0x137: {  	[sflag:s30] =	ssyncadd.s32 $0xFFFFFC00  }
0x138: {  	[tilespmem:s11], [sflag:$0x1] =	stream.indirect.gather [hbm4b:s6+s5], $0x40, s28, s5, $0xb8;
	[tilespmem:$0x19200] =	vst v63  }
0x139: {  	_ = 	snop  }
0x13a: {  	[tilespmem:s10], [sflag:$0x2] =	stream.indirect.gather [hbm4b:s6+s5], $0x40, s5, s5, $0xb8;
	[tilespmem:$0x19200] =	vst v63  }
0x13b: {  	s0 =	rddreg [dreg:$0x9]  }
0x13c: {  	[tilespmem:s9], [sflag:$0x3] =	stream.indirect.gather [hbm4b:s6+s5], $0x40, s0, s5, $0xb8;
	[tilespmem:$0x19200] =	vst v63  }
0x13d: {  	s2 =	rddreg [dreg:$0xa]  }
0x13e: {  	[tilespmem:s8], [sflag:$0x4] =	stream.indirect.gather [hbm4b:s6+s5], $0x40, s2, s5, $0xb8;
	[tilespmem:$0x19200] =	vst v63  }
0x13f: {  	s23 =	rddreg [dreg:$0xb]  }
0x140: {  	[tilespmem:s7], [sflag:$0x5] =	stream.indirect.gather [hbm4b:s6+s5], $0x40, s23, s5, $0xb8;
	[tilespmem:$0x19200] =	vst v63  }
0x141: {  	_ =	swait.ge [sflag:s22], $0x4000  }
0x142: {  	[sflag:s22] =	ssyncset.done $0x0  }
0x143: {  	[sflag:s22] =	ssyncadd.s32 $0xFFFFC000  }
0x144: {  	[spmem:s3] =	stream.indirect.scatter.add.f32 [tilespmem:s11], [sflag:$0x6], $0x40, s29, s5, $0xb8;
	[tilespmem:$0x19200] =	vst v63  }
0x145: {  	_ =	swait.ge [sflag:s20], $0x4000  }
0x146: {  	[sflag:s20] =	ssyncset.done $0x0  }
0x147: {  	s2 =	rddreg [dreg:$0xc];
	[sflag:s20] =	ssyncadd.s32 $0xFFFFC000  }
0x148: {  	[tilespmem:s11], [sflag:$0x1] =	stream.indirect.gather [hbm4b:s6+s5], $0x40, s2, s5, $0xb8;
	[tilespmem:$0x19200] =	vst v63  }
0x149: {  	_ =	swait.ge [sflag:s21], $0x4000  }
0x14a: {  	[sflag:s21] =	ssyncset.done $0x0  }
0x14b: {  	s23 =	rddreg [dreg:$0xd];
	[sflag:s21] =	ssyncadd.s32 $0xFFFFC000  }
0x14c: {  	[spmem:s3] =	stream.indirect.scatter.add.f32 [tilespmem:s10], [sflag:$0x7], $0x40, s23, s5, $0xb8;
	[tilespmem:$0x19200] =	vst v63  }
0x14d: {  	_ =	swait.ge [sflag:s18], $0x4000  }
0x14e: {  	[sflag:s18] =	ssyncset.done $0x0  }
0x14f: {  	s2 =	rddreg [dreg:$0xe];
	[sflag:s18] =	ssyncadd.s32 $0xFFFFC000  }
0x150: {  	[tilespmem:s10], [sflag:$0x2] =	stream.indirect.gather [hbm4b:s6+s5], $0x40, s2, s5, $0xb8;
	[tilespmem:$0x19200] =	vst v63  }
0x151: {  	_ =	swait.ge [sflag:s19], $0x4000  }
0x152: {  	[sflag:s19] =	ssyncset.done $0x0  }
0x153: {  	s23 =	rddreg [dreg:$0xf];
	[sflag:s19] =	ssyncadd.s32 $0xFFFFC000  }
0x154: {  	[spmem:s3] =	stream.indirect.scatter.add.f32 [tilespmem:s9], [sflag:$0x8], $0x40, s23, s5, $0xb8;
	[tilespmem:$0x19200] =	vst v63  }
0x155: {  	_ =	swait.ge [sflag:s16], $0x4000  }
0x156: {  	[sflag:s16] =	ssyncset.done $0x0  }
0x157: {  	s2 =	rddreg [dreg:$0x10];
	[sflag:s16] =	ssyncadd.s32 $0xFFFFC000  }
0x158: {  	[tilespmem:s9], [sflag:$0x3] =	stream.indirect.gather [hbm4b:s6+s5], $0x40, s2, s5, $0xb8;
	[tilespmem:$0x19200] =	vst v63  }
0x159: {  	_ =	swait.ge [sflag:s17], $0x4000  }
0x15a: {  	[sflag:s17] =	ssyncset.done $0x0  }
0x15b: {  	s23 =	rddreg [dreg:$0x11];
	[sflag:s17] =	ssyncadd.s32 $0xFFFFC000  }
0x15c: {  	[spmem:s3] =	stream.indirect.scatter.add.f32 [tilespmem:s8], [sflag:$0x9], $0x40, s23, s5, $0xb8;
	[tilespmem:$0x19200] =	vst v63  }
0x15d: {  	_ =	swait.ge [sflag:s15], $0x4000  }
0x15e: {  	[sflag:s15] =	ssyncset.done $0x0  }
0x15f: {  	s2 =	rddreg [dreg:$0x12];
	[sflag:s15] =	ssyncadd.s32 $0xFFFFC000  }
0x160: {  	[tilespmem:s8], [sflag:$0x4] =	stream.indirect.gather [hbm4b:s6+s5], $0x40, s2, s5, $0xb8;
	[tilespmem:$0x19200] =	vst v63  }
0x161: {  	_ =	swait.ge [sflag:s13], $0x4000  }
0x162: {  	[sflag:s13] =	ssyncset.done $0x0  }
0x163: {  	s23 =	rddreg [dreg:$0x13];
	[sflag:s13] =	ssyncadd.s32 $0xFFFFC000  }
0x164: {  	[spmem:s3] =	stream.indirect.scatter.add.f32 [tilespmem:s7], [sflag:$0xA], $0x40, s23, s5, $0xb8;
	[tilespmem:$0x19200] =	vst v63  }
0x165: {  	_ =	swait.ge [sflag:s12], $0x4000  }
0x166: {  	[sflag:s12] =	ssyncset.done $0x0  }
0x167: {  	s2 =	rddreg [dreg:$0x14];
	[sflag:s12] =	ssyncadd.s32 $0xFFFFC000  }
0x168: {  	[tilespmem:s7], [sflag:$0x5] =	stream.indirect.gather [hbm4b:s6+s5], $0x40, s2, s5, $0xb8;
	[tilespmem:$0x19200] =	vst v63  }
0x169: {  	_ =	swait.ge [sflag:s22], $0x4000  }
0x16a: {  	[sflag:s22] =	ssyncset.done $0x0  }
0x16b: {  	s23 =	rddreg [dreg:$0x15];
	[sflag:s22] =	ssyncadd.s32 $0xFFFFC000  }
0x16c: {  	[spmem:s3] =	stream.indirect.scatter.add.f32 [tilespmem:s11], [sflag:$0x6], $0x40, s23, s5, $0xb8;
	[tilespmem:$0x19200] =	vst v63  }
0x16d: {  	_ =	swait.ge [sflag:s20], $0x4000  }
0x16e: {  	[sflag:s20] =	ssyncset.done $0x0  }
0x16f: {  	s2 =	rddreg [dreg:$0x16];
	[sflag:s20] =	ssyncadd.s32 $0xFFFFC000  }
0x170: {  	[tilespmem:s11], [sflag:$0x1] =	stream.indirect.gather [hbm4b:s6+s5], $0x40, s2, s5, $0xb8;
	[tilespmem:$0x19200] =	vst v63  }
0x171: {  	_ =	swait.ge [sflag:s21], $0x4000  }
0x172: {  	[sflag:s21] =	ssyncset.done $0x0  }
0x173: {  	s23 =	rddreg [dreg:$0x17];
	[sflag:s21] =	ssyncadd.s32 $0xFFFFC000  }
0x174: {  	[spmem:s3] =	stream.indirect.scatter.add.f32 [tilespmem:s10], [sflag:$0x7], $0x40, s23, s5, $0xb8;
	[tilespmem:$0x19200] =	vst v63  }
0x175: {  	_ =	swait.ge [sflag:s18], $0x4000  }
0x176: {  	[sflag:s18] =	ssyncset.done $0x0  }
0x177: {  	s2 =	rddreg [dreg:$0x18];
	[sflag:s18] =	ssyncadd.s32 $0xFFFFC000  }
0x178: {  	[tilespmem:s10], [sflag:$0x2] =	stream.indirect.gather [hbm4b:s6+s5], $0x40, s2, s5, $0xb8;
	[tilespmem:$0x19200] =	vst v63  }
0x179: {  	_ =	swait.ge [sflag:s19], $0x4000  }
0x17a: {  	[sflag:s19] =	ssyncset.done $0x0  }
0x17b: {  	s23 =	rddreg [dreg:$0x19];
	[sflag:s19] =	ssyncadd.s32 $0xFFFFC000  }
0x17c: {  	[spmem:s3] =	stream.indirect.scatter.add.f32 [tilespmem:s9], [sflag:$0x8], $0x40, s23, s5, $0xb8;
	[tilespmem:$0x19200] =	vst v63  }
0x17d: {  	_ =	swait.ge [sflag:s16], $0x4000  }
0x17e: {  	[sflag:s16] =	ssyncset.done $0x0  }
0x17f: {  	s2 =	rddreg [dreg:$0x1a];
	[sflag:s16] =	ssyncadd.s32 $0xFFFFC000  }
0x180: {  	[tilespmem:s9], [sflag:$0x3] =	stream.indirect.gather [hbm4b:s6+s5], $0x40, s2, s5, $0xb8;
	[tilespmem:$0x19200] =	vst v63  }
0x181: {  	_ =	swait.ge [sflag:s17], $0x4000  }
0x182: {  	[sflag:s17] =	ssyncset.done $0x0  }
0x183: {  	s23 =	rddreg [dreg:$0x1b];
	[sflag:s17] =	ssyncadd.s32 $0xFFFFC000  }
0x184: {  	[spmem:s3] =	stream.indirect.scatter.add.f32 [tilespmem:s8], [sflag:$0x9], $0x40, s23, s5, $0xb8;
	[tilespmem:$0x19200] =	vst v63  }
0x185: {  	_ =	swait.ge [sflag:s15], $0x4000  }
0x186: {  	[sflag:s15] =	ssyncset.done $0x0  }
0x187: {  	s2 =	rddreg [dreg:$0x1c];
	[sflag:s15] =	ssyncadd.s32 $0xFFFFC000  }
0x188: {  	[tilespmem:s8], [sflag:$0x4] =	stream.indirect.gather [hbm4b:s6+s5], $0x40, s2, s5, $0xb8;
	[tilespmem:$0x19200] =	vst v63  }
0x189: {  	_ =	swait.ge [sflag:s13], $0x4000  }
0x18a: {  	[sflag:s13] =	ssyncset.done $0x0  }
0x18b: {  	s23 =	rddreg [dreg:$0x1d];
	[sflag:s13] =	ssyncadd.s32 $0xFFFFC000  }
0x18c: {  	[spmem:s3] =	stream.indirect.scatter.add.f32 [tilespmem:s7], [sflag:$0xA], $0x40, s23, s5, $0xb8;
	[tilespmem:$0x19200] =	vst v63  }
0x18d: {  	_ =	swait.ge [sflag:s12], $0x4000  }
0x18e: {  	[sflag:s12] =	ssyncset.done $0x0  }
0x18f: {  	s2 =	rddreg [dreg:$0x1e];
	[sflag:s12] =	ssyncadd.s32 $0xFFFFC000  }
0x190: {  	[tilespmem:s7], [sflag:$0x5] =	stream.indirect.gather [hbm4b:s6+s5], $0x40, s2, s5, $0xb8;
	[tilespmem:$0x19200] =	vst v63  }
0x191: {  	_ =	swait.ge [sflag:s22], $0x4000  }
0x192: {  	[sflag:s22] =	ssyncset.done $0x0  }
0x193: {  	s23 =	rddreg [dreg:$0x1f];
	[sflag:s22] =	ssyncadd.s32 $0xFFFFC000  }
0x194: {  	[spmem:s3] =	stream.indirect.scatter.add.f32 [tilespmem:s11], [sflag:$0x6], $0x40, s23, s5, $0xb8;
	[tilespmem:$0x19200] =	vst v63  }
0x195: {  	_ =	swait.ge [sflag:s20], $0x4000  }
0x196: {  	s2 =	sld [smem:$0x7EA]  }
0x197: {  	[sflag:s20] =	ssyncset.done $0x0  }
0x198: {  	[sflag:s20] =	ssyncadd.s32 $0xFFFFC000  }
0x199: {  	[tilespmem:s11], [sflag:$0x1] =	stream.indirect.gather [hbm4b:s6+s5], $0x40, s2, s5, $0xb8;
	[tilespmem:$0x19200] =	vst v63  }
0x19a: {  	_ =	swait.ge [sflag:s21], $0x4000  }
0x19b: {  	s23 =	sld [smem:$0x7EB]  }
0x19c: {  	[sflag:s21] =	ssyncset.done $0x0  }
0x19d: {  	[sflag:s21] =	ssyncadd.s32 $0xFFFFC000  }
0x19e: {  	[spmem:s3] =	stream.indirect.scatter.add.f32 [tilespmem:s10], [sflag:$0x7], $0x40, s23, s5, $0xb8;
	[tilespmem:$0x19200] =	vst v63  }
0x19f: {  	_ =	swait.ge [sflag:s18], $0x4000  }
0x1a0: {  	s2 =	sld [smem:$0x7EC]  }
0x1a1: {  	[sflag:s18] =	ssyncset.done $0x0  }
0x1a2: {  	[sflag:s18] =	ssyncadd.s32 $0xFFFFC000  }
0x1a3: {  	[tilespmem:s10], [sflag:$0x2] =	stream.indirect.gather [hbm4b:s6+s5], $0x40, s2, s5, $0xb8;
	[tilespmem:$0x19200] =	vst v63  }
0x1a4: {  	_ =	swait.ge [sflag:s19], $0x4000  }
0x1a5: {  	s23 =	sld [smem:$0x7ED]  }
0x1a6: {  	[sflag:s19] =	ssyncset.done $0x0  }
0x1a7: {  	[sflag:s19] =	ssyncadd.s32 $0xFFFFC000  }
0x1a8: {  	[spmem:s3] =	stream.indirect.scatter.add.f32 [tilespmem:s9], [sflag:$0x8], $0x40, s23, s5, $0xb8;
	[tilespmem:$0x19200] =	vst v63  }
0x1a9: {  	_ =	swait.ge [sflag:s16], $0x4000  }
0x1aa: {  	s2 =	sld [smem:$0x7EE]  }
0x1ab: {  	[sflag:s16] =	ssyncset.done $0x0  }
0x1ac: {  	[sflag:s16] =	ssyncadd.s32 $0xFFFFC000  }
0x1ad: {  	[tilespmem:s9], [sflag:$0x3] =	stream.indirect.gather [hbm4b:s6+s5], $0x40, s2, s5, $0xb8;
	[tilespmem:$0x19200] =	vst v63  }
0x1ae: {  	_ =	swait.ge [sflag:s17], $0x4000  }
0x1af: {  	s23 =	sld [smem:$0x7EF]  }
0x1b0: {  	[sflag:s17] =	ssyncset.done $0x0  }
0x1b1: {  	[sflag:s17] =	ssyncadd.s32 $0xFFFFC000  }
0x1b2: {  	[spmem:s3] =	stream.indirect.scatter.add.f32 [tilespmem:s8], [sflag:$0x9], $0x40, s23, s5, $0xb8;
	[tilespmem:$0x19200] =	vst v63  }
0x1b3: {  	_ =	swait.ge [sflag:s15], $0x4000  }
0x1b4: {  	s2 =	sld [smem:$0x7F0]  }
0x1b5: {  	[sflag:s15] =	ssyncset.done $0x0  }
0x1b6: {  	[sflag:s15] =	ssyncadd.s32 $0xFFFFC000  }
0x1b7: {  	[tilespmem:s8], [sflag:$0x4] =	stream.indirect.gather [hbm4b:s6+s5], $0x40, s2, s5, $0xb8;
	[tilespmem:$0x19200] =	vst v63  }
0x1b8: {  	_ =	swait.ge [sflag:s13], $0x4000  }
0x1b9: {  	s23 =	sld [smem:$0x7F1]  }
0x1ba: {  	[sflag:s13] =	ssyncset.done $0x0  }
0x1bb: {  	[sflag:s13] =	ssyncadd.s32 $0xFFFFC000  }
0x1bc: {  	[spmem:s3] =	stream.indirect.scatter.add.f32 [tilespmem:s7], [sflag:$0xA], $0x40, s23, s5, $0xb8;
	[tilespmem:$0x19200] =	vst v63  }
0x1bd: {  	_ =	swait.ge [sflag:s12], $0x4000  }
0x1be: {  	s2 =	sld [smem:$0x7F2]  }
0x1bf: {  	[sflag:s12] =	ssyncset.done $0x0  }
0x1c0: {  	[sflag:s12] =	ssyncadd.s32 $0xFFFFC000  }
0x1c1: {  	[tilespmem:s7], [sflag:$0x5] =	stream.indirect.gather [hbm4b:s6+s5], $0x40, s2, s5, $0xb8;
	[tilespmem:$0x19200] =	vst v63  }
0x1c2: {  	_ =	swait.ge [sflag:s22], $0x4000  }
0x1c3: {  	s23 =	sld [smem:$0x7F3]  }
0x1c4: {  	[sflag:s22] =	ssyncset.done $0x0  }
0x1c5: {  	[sflag:s22] =	ssyncadd.s32 $0xFFFFC000  }
0x1c6: {  	[spmem:s3] =	stream.indirect.scatter.add.f32 [tilespmem:s11], [sflag:$0x6], $0x40, s23, s5, $0xb8;
	[tilespmem:$0x19200] =	vst v63  }
0x1c7: {  	_ =	swait.ge [sflag:s20], $0x4000  }
0x1c8: {  	s2 =	sld [smem:$0x7F4]  }
0x1c9: {  	[sflag:s20] =	ssyncset.done $0x0  }
0x1ca: {  	[sflag:s20] =	ssyncadd.s32 $0xFFFFC000  }
0x1cb: {  	[tilespmem:s11], [sflag:$0x1] =	stream.indirect.gather [hbm4b:s6+s5], $0x40, s2, s5, $0xb8;
	[tilespmem:$0x19200] =	vst v63  }
0x1cc: {  	_ =	swait.ge [sflag:s21], $0x4000  }
0x1cd: {  	s23 =	sld [smem:$0x7F5]  }
0x1ce: {  	[sflag:s21] =	ssyncset.done $0x0  }
0x1cf: {  	[sflag:s21] =	ssyncadd.s32 $0xFFFFC000  }
0x1d0: {  	[spmem:s3] =	stream.indirect.scatter.add.f32 [tilespmem:s10], [sflag:$0x7], $0x40, s23, s5, $0xb8;
	[tilespmem:$0x19200] =	vst v63  }
0x1d1: {  	_ =	swait.ge [sflag:s18], $0x4000  }
0x1d2: {  	s2 =	sld [smem:$0x7F6]  }
0x1d3: {  	[sflag:s18] =	ssyncset.done $0x0  }
0x1d4: {  	[sflag:s18] =	ssyncadd.s32 $0xFFFFC000  }
0x1d5: {  	[tilespmem:s10], [sflag:$0x2] =	stream.indirect.gather [hbm4b:s6+s5], $0x40, s2, s5, $0xb8;
	[tilespmem:$0x19200] =	vst v63  }
0x1d6: {  	_ =	swait.ge [sflag:s19], $0x4000  }
0x1d7: {  	s23 =	sld [smem:$0x7F7]  }
0x1d8: {  	[sflag:s19] =	ssyncset.done $0x0  }
0x1d9: {  	[sflag:s19] =	ssyncadd.s32 $0xFFFFC000  }
0x1da: {  	[spmem:s3] =	stream.indirect.scatter.add.f32 [tilespmem:s9], [sflag:$0x8], $0x40, s23, s5, $0xb8;
	[tilespmem:$0x19200] =	vst v63  }
0x1db: {  	_ =	swait.ge [sflag:s16], $0x4000  }
0x1dc: {  	s2 =	sld [smem:$0x7F8]  }
0x1dd: {  	[sflag:s16] =	ssyncset.done $0x0  }
0x1de: {  	[sflag:s16] =	ssyncadd.s32 $0xFFFFC000  }
0x1df: {  	[tilespmem:s9], [sflag:$0x3] =	stream.indirect.gather [hbm4b:s6+s5], $0x40, s2, s5, $0xb8;
	[tilespmem:$0x19200] =	vst v63  }
0x1e0: {  	_ =	swait.ge [sflag:s17], $0x4000  }
0x1e1: {  	s23 =	sld [smem:$0x7F9]  }
0x1e2: {  	[sflag:s17] =	ssyncset.done $0x0  }
0x1e3: {  	[sflag:s17] =	ssyncadd.s32 $0xFFFFC000  }
0x1e4: {  	[spmem:s3] =	stream.indirect.scatter.add.f32 [tilespmem:s8], [sflag:$0x9], $0x40, s23, s5, $0xb8;
	[tilespmem:$0x19200] =	vst v63  }
0x1e5: {  	_ =	swait.ge [sflag:s15], $0x4000  }
0x1e6: {  	s2 =	sld [smem:$0x7FA]  }
0x1e7: {  	[sflag:s15] =	ssyncset.done $0x0  }
0x1e8: {  	[sflag:s15] =	ssyncadd.s32 $0xFFFFC000  }
0x1e9: {  	[tilespmem:s8], [sflag:$0x4] =	stream.indirect.gather [hbm4b:s6+s5], $0x40, s2, s5, $0xb8;
	[tilespmem:$0x19200] =	vst v63  }
0x1ea: {  	_ =	swait.ge [sflag:s13], $0x4000  }
0x1eb: {  	s23 =	sld [smem:$0x7FB]  }
0x1ec: {  	[sflag:s13] =	ssyncset.done $0x0  }
0x1ed: {  	[sflag:s13] =	ssyncadd.s32 $0xFFFFC000  }
0x1ee: {  	[spmem:s3] =	stream.indirect.scatter.add.f32 [tilespmem:s7], [sflag:$0xA], $0x40, s23, s5, $0xb8;
	[tilespmem:$0x19200] =	vst v63  }
0x1ef: {  	_ =	swait.ge [sflag:s12], $0x4000  }
0x1f0: {  	s2 =	sld [smem:$0x7FC]  }
0x1f1: {  	[sflag:s12] =	ssyncset.done $0x0  }
0x1f2: {  	[sflag:s12] =	ssyncadd.s32 $0xFFFFC000  }
0x1f3: {  	[tilespmem:s7], [sflag:$0x5] =	stream.indirect.gather [hbm4b:s6+s5], $0x40, s2, s5, $0xb8;
	[tilespmem:$0x19200] =	vst v63  }
0x1f4: {  	_ =	swait.ge [sflag:s22], $0x4000  }
0x1f5: {  	s23 =	sld [smem:$0x7FD]  }
0x1f6: {  	[sflag:s22] =	ssyncset.done $0x0  }
0x1f7: {  	[sflag:s22] =	ssyncadd.s32 $0xFFFFC000  }
0x1f8: {  	[spmem:s3] =	stream.indirect.scatter.add.f32 [tilespmem:s11], [sflag:$0x6], $0x40, s23, s5, $0xb8;
	[tilespmem:$0x19200] =	vst v63  }
0x1f9: {  	_ =	swait.ge [sflag:s20], $0x4000  }
0x1fa: {  	[sflag:s20] =	ssyncset.done $0x0  }
0x1fb: {  	[sflag:s20] =	ssyncadd.s32 $0xFFFFC000  }
0x1fc: {  	_ =	swait.ge [sflag:s21], $0x4000  }
0x1fd: {  	[sflag:s21] =	ssyncset.done $0x0  }
0x1fe: {  	[sflag:s21] =	ssyncadd.s32 $0xFFFFC000  }
0x1ff: {  	[spmem:s3] =	stream.indirect.scatter.add.f32 [tilespmem:s10], [sflag:$0x7], $0x40, s26, s5, $0xb8;
	[tilespmem:$0x19200] =	vst v63  }
0x200: {  	_ =	swait.ge [sflag:s18], $0x4000  }
0x201: {  	[sflag:s18] =	ssyncset.done $0x0  }
0x202: {  	[sflag:s18] =	ssyncadd.s32 $0xFFFFC000  }
0x203: {  	_ =	swait.ge [sflag:s19], $0x4000  }
0x204: {  	[sflag:s19] =	ssyncset.done $0x0  }
0x205: {  	[sflag:s19] =	ssyncadd.s32 $0xFFFFC000  }
0x206: {  	[spmem:s3] =	stream.indirect.scatter.add.f32 [tilespmem:s9], [sflag:$0x8], $0x40, s25, s5, $0xb8;
	[tilespmem:$0x19200] =	vst v63  }
0x207: {  	_ =	swait.ge [sflag:s16], $0x4000  }
0x208: {  	[sflag:s16] =	ssyncset.done $0x0  }
0x209: {  	[sflag:s16] =	ssyncadd.s32 $0xFFFFC000  }
0x20a: {  	_ =	swait.ge [sflag:s17], $0x4000  }
0x20b: {  	[sflag:s17] =	ssyncset.done $0x0  }
0x20c: {  	[sflag:s17] =	ssyncadd.s32 $0xFFFFC000  }
0x20d: {  	[spmem:s3] =	stream.indirect.scatter.add.f32 [tilespmem:s8], [sflag:$0x9], $0x40, s24, s5, $0xb8;
	[tilespmem:$0x19200] =	vst v63  }
0x20e: {  	_ =	swait.ge [sflag:s15], $0x4000  }
0x20f: {  	[sflag:s15] =	ssyncset.done $0x0  }
0x210: {  	[sflag:s15] =	ssyncadd.s32 $0xFFFFC000  }
0x211: {  	_ =	swait.ge [sflag:s13], $0x4000  }
0x212: {  	[sflag:s13] =	ssyncset.done $0x0  }
0x213: {  	p1 =	sne.s32 s1, $0x1;
	s2 =	simm.s32 $0x3100;
	[sflag:s13] =	ssyncadd.s32 $0xFFFFC000  }
0x214: {  	[spmem:s3] =	stream.indirect.scatter.add.f32 [tilespmem:s7], [sflag:$0xA], $0x40, s2, s5, $0xb8;
	[tilespmem:$0x19200] =	vst v63  }
.Ltmp2:
0x215: {  	_ =	swait.ge [sflag:s12], $0x4000;
	(pc) =	sbr.rel @p1 .LBB2_3-.Ltmp2, $4  }
0x216: {  	[sflag:s12] =	ssyncset.done $0x0  }
0x217: {  	s23 =	rddreg [dreg:$0x7];
	[sflag:s12] =	ssyncadd.s32 $0xFFFFC000  }
0x218: {  	[hbm:s23], [sflag:s31] =	dma.local [spmem:s4], $0x400  }
0x219: {  	s1 =	sadd.s32 $0xFFFFFFFF, s1;
	_ =	swait.ge [sflag:s14], $0x400  }
0x21a: {  	s31 =	rddreg [dreg:$0x3]  }
0x21b: {  	s23 =	stileid.u32;
	s2 =	sld [smem:$0x7E9]  }
.LBB2_5:
0x21c: {  	[sflag:s14] =	ssyncset.done @p0 $0x0  }
0x21d: {  	s0 =	rddreg [dreg:$0x4];
	[sflag:s14] =	ssyncadd.s32 @p0 $0xFFFFFC00  }
0x21e: {  	[tilespmem:s29], [sflag:$0xC] =	stream.linear.gather [hbm4b:s0+s28], $0x1900, $0x38;
	[tilespmem:$0x19200] =	vst v63  }
0x21f: {  	_ =	swait.ge [sflag:s30], $0x1900  }
0x220: {  	[sflag:s30] =	ssyncset.done $0x0  }
0x221: {  	s1 =	rddreg [dreg:$0x6];
	[sflag:s30] =	ssyncadd.s32 $0xFFFFE700  }
0x222: {  	[tilespmem:s28], [sflag:$0xC] =	stream.linear.gather [hbm4b:s1+s28], $0x1900, $0x38;
	[tilespmem:$0x19200] =	vst v63  }
0x223: {  	_ =	swait.ge [sflag:s30], $0x1900  }
0x224: {  	s0 =	rddreg [dreg:$0x5];
	[sflag:s30] =	ssyncset.done $0x0  }
0x225: {  	s1 =	rddreg [dreg:$0x8];
	[sflag:s30] =	ssyncadd.s32 $0xFFFFE700  }
0x226: {  	[spmem:s4], [sflag:s1] =	dma.local [hbm:s0], $0x400  }
0x227: {  	_ =	swait.ge [sflag:s30], $0x400  }
0x228: {  	[sflag:s30] =	ssyncset.done $0x0  }
0x229: {  	[sflag:s30] =	ssyncadd.s32 $0xFFFFFC00  }
0x22a: {  	[tilespmem:s11], [sflag:$0x1] =	stream.indirect.gather [hbm4b:s6+s5], $0x40, s28, s5, $0xb8;
	[tilespmem:$0x19200] =	vst v63  }
0x22b: {  	_ = 	snop  }
0x22c: {  	[tilespmem:s10], [sflag:$0x2] =	stream.indirect.gather [hbm4b:s6+s5], $0x40, s5, s5, $0xb8;
	[tilespmem:$0x19200] =	vst v63  }
0x22d: {  	s28 =	rddreg [dreg:$0x9]  }
0x22e: {  	[tilespmem:s9], [sflag:$0x3] =	stream.indirect.gather [hbm4b:s6+s5], $0x40, s28, s5, $0xb8;
	[tilespmem:$0x19200] =	vst v63  }
0x22f: {  	s30 =	rddreg [dreg:$0xa]  }
0x230: {  	[tilespmem:s8], [sflag:$0x4] =	stream.indirect.gather [hbm4b:s6+s5], $0x40, s30, s5, $0xb8;
	[tilespmem:$0x19200] =	vst v63  }
0x231: {  	s28 =	rddreg [dreg:$0xb]  }
0x232: {  	[tilespmem:s7], [sflag:$0x5] =	stream.indirect.gather [hbm4b:s6+s5], $0x40, s28, s5, $0xb8;
	[tilespmem:$0x19200] =	vst v63  }
0x233: {  	_ =	swait.ge [sflag:s22], $0x4000  }
0x234: {  	[sflag:s22] =	ssyncset.done $0x0  }
0x235: {  	[sflag:s22] =	ssyncadd.s32 $0xFFFFC000  }
0x236: {  	[spmem:s3] =	stream.indirect.scatter.add.f32 [tilespmem:s11], [sflag:$0x6], $0x40, s29, s5, $0xb8;
	[tilespmem:$0x19200] =	vst v63  }
0x237: {  	_ =	swait.ge [sflag:s20], $0x4000  }
0x238: {  	[sflag:s20] =	ssyncset.done $0x0  }
0x239: {  	s29 =	rddreg [dreg:$0xc];
	[sflag:s20] =	ssyncadd.s32 $0xFFFFC000  }
0x23a: {  	[tilespmem:s11], [sflag:$0x1] =	stream.indirect.gather [hbm4b:s6+s5], $0x40, s29, s5, $0xb8;
	[tilespmem:$0x19200] =	vst v63  }
0x23b: {  	_ =	swait.ge [sflag:s21], $0x4000  }
0x23c: {  	[sflag:s21] =	ssyncset.done $0x0  }
0x23d: {  	s30 =	rddreg [dreg:$0xd];
	[sflag:s21] =	ssyncadd.s32 $0xFFFFC000  }
0x23e: {  	[spmem:s3] =	stream.indirect.scatter.add.f32 [tilespmem:s10], [sflag:$0x7], $0x40, s30, s5, $0xb8;
	[tilespmem:$0x19200] =	vst v63  }
0x23f: {  	_ =	swait.ge [sflag:s18], $0x4000  }
0x240: {  	[sflag:s18] =	ssyncset.done $0x0  }
0x241: {  	s1 =	rddreg [dreg:$0xe];
	[sflag:s18] =	ssyncadd.s32 $0xFFFFC000  }
0x242: {  	[tilespmem:s10], [sflag:$0x2] =	stream.indirect.gather [hbm4b:s6+s5], $0x40, s1, s5, $0xb8;
	[tilespmem:$0x19200] =	vst v63  }
0x243: {  	_ =	swait.ge [sflag:s19], $0x4000  }
0x244: {  	[sflag:s19] =	ssyncset.done $0x0  }
0x245: {  	s28 =	rddreg [dreg:$0xf];
	[sflag:s19] =	ssyncadd.s32 $0xFFFFC000  }
0x246: {  	[spmem:s3] =	stream.indirect.scatter.add.f32 [tilespmem:s9], [sflag:$0x8], $0x40, s28, s5, $0xb8;
	[tilespmem:$0x19200] =	vst v63  }
0x247: {  	_ =	swait.ge [sflag:s16], $0x4000  }
0x248: {  	[sflag:s16] =	ssyncset.done $0x0  }
0x249: {  	s29 =	rddreg [dreg:$0x10];
	[sflag:s16] =	ssyncadd.s32 $0xFFFFC000  }
0x24a: {  	[tilespmem:s9], [sflag:$0x3] =	stream.indirect.gather [hbm4b:s6+s5], $0x40, s29, s5, $0xb8;
	[tilespmem:$0x19200] =	vst v63  }
0x24b: {  	_ =	swait.ge [sflag:s17], $0x4000  }
0x24c: {  	[sflag:s17] =	ssyncset.done $0x0  }
0x24d: {  	s30 =	rddreg [dreg:$0x11];
	[sflag:s17] =	ssyncadd.s32 $0xFFFFC000  }
0x24e: {  	[spmem:s3] =	stream.indirect.scatter.add.f32 [tilespmem:s8], [sflag:$0x9], $0x40, s30, s5, $0xb8;
	[tilespmem:$0x19200] =	vst v63  }
0x24f: {  	_ =	swait.ge [sflag:s15], $0x4000  }
0x250: {  	[sflag:s15] =	ssyncset.done $0x0  }
0x251: {  	s1 =	rddreg [dreg:$0x12];
	[sflag:s15] =	ssyncadd.s32 $0xFFFFC000  }
0x252: {  	[tilespmem:s8], [sflag:$0x4] =	stream.indirect.gather [hbm4b:s6+s5], $0x40, s1, s5, $0xb8;
	[tilespmem:$0x19200] =	vst v63  }
0x253: {  	_ =	swait.ge [sflag:s13], $0x4000  }
0x254: {  	[sflag:s13] =	ssyncset.done $0x0  }
0x255: {  	s28 =	rddreg [dreg:$0x13];
	[sflag:s13] =	ssyncadd.s32 $0xFFFFC000  }
0x256: {  	[spmem:s3] =	stream.indirect.scatter.add.f32 [tilespmem:s7], [sflag:$0xA], $0x40, s28, s5, $0xb8;
	[tilespmem:$0x19200] =	vst v63  }
0x257: {  	_ =	swait.ge [sflag:s12], $0x4000  }
0x258: {  	[sflag:s12] =	ssyncset.done $0x0  }
0x259: {  	s29 =	rddreg [dreg:$0x14];
	[sflag:s12] =	ssyncadd.s32 $0xFFFFC000  }
0x25a: {  	[tilespmem:s7], [sflag:$0x5] =	stream.indirect.gather [hbm4b:s6+s5], $0x40, s29, s5, $0xb8;
	[tilespmem:$0x19200] =	vst v63  }
0x25b: {  	_ =	swait.ge [sflag:s22], $0x4000  }
0x25c: {  	[sflag:s22] =	ssyncset.done $0x0  }
0x25d: {  	s30 =	rddreg [dreg:$0x15];
	[sflag:s22] =	ssyncadd.s32 $0xFFFFC000  }
0x25e: {  	[spmem:s3] =	stream.indirect.scatter.add.f32 [tilespmem:s11], [sflag:$0x6], $0x40, s30, s5, $0xb8;
	[tilespmem:$0x19200] =	vst v63  }
0x25f: {  	_ =	swait.ge [sflag:s20], $0x4000  }
0x260: {  	[sflag:s20] =	ssyncset.done $0x0  }
0x261: {  	s1 =	rddreg [dreg:$0x16];
	[sflag:s20] =	ssyncadd.s32 $0xFFFFC000  }
0x262: {  	[tilespmem:s11], [sflag:$0x1] =	stream.indirect.gather [hbm4b:s6+s5], $0x40, s1, s5, $0xb8;
	[tilespmem:$0x19200] =	vst v63  }
0x263: {  	_ =	swait.ge [sflag:s21], $0x4000  }
0x264: {  	[sflag:s21] =	ssyncset.done $0x0  }
0x265: {  	s28 =	rddreg [dreg:$0x17];
	[sflag:s21] =	ssyncadd.s32 $0xFFFFC000  }
0x266: {  	[spmem:s3] =	stream.indirect.scatter.add.f32 [tilespmem:s10], [sflag:$0x7], $0x40, s28, s5, $0xb8;
	[tilespmem:$0x19200] =	vst v63  }
0x267: {  	_ =	swait.ge [sflag:s18], $0x4000  }
0x268: {  	[sflag:s18] =	ssyncset.done $0x0  }
0x269: {  	s29 =	rddreg [dreg:$0x18];
	[sflag:s18] =	ssyncadd.s32 $0xFFFFC000  }
0x26a: {  	[tilespmem:s10], [sflag:$0x2] =	stream.indirect.gather [hbm4b:s6+s5], $0x40, s29, s5, $0xb8;
	[tilespmem:$0x19200] =	vst v63  }
0x26b: {  	_ =	swait.ge [sflag:s19], $0x4000  }
0x26c: {  	[sflag:s19] =	ssyncset.done $0x0  }
0x26d: {  	s30 =	rddreg [dreg:$0x19];
	[sflag:s19] =	ssyncadd.s32 $0xFFFFC000  }
0x26e: {  	[spmem:s3] =	stream.indirect.scatter.add.f32 [tilespmem:s9], [sflag:$0x8], $0x40, s30, s5, $0xb8;
	[tilespmem:$0x19200] =	vst v63  }
0x26f: {  	_ =	swait.ge [sflag:s16], $0x4000  }
0x270: {  	[sflag:s16] =	ssyncset.done $0x0  }
0x271: {  	s1 =	rddreg [dreg:$0x1a];
	[sflag:s16] =	ssyncadd.s32 $0xFFFFC000  }
0x272: {  	[tilespmem:s9], [sflag:$0x3] =	stream.indirect.gather [hbm4b:s6+s5], $0x40, s1, s5, $0xb8;
	[tilespmem:$0x19200] =	vst v63  }
0x273: {  	_ =	swait.ge [sflag:s17], $0x4000  }
0x274: {  	[sflag:s17] =	ssyncset.done $0x0  }
0x275: {  	s28 =	rddreg [dreg:$0x1b];
	[sflag:s17] =	ssyncadd.s32 $0xFFFFC000  }
0x276: {  	[spmem:s3] =	stream.indirect.scatter.add.f32 [tilespmem:s8], [sflag:$0x9], $0x40, s28, s5, $0xb8;
	[tilespmem:$0x19200] =	vst v63  }
0x277: {  	_ =	swait.ge [sflag:s15], $0x4000  }
0x278: {  	[sflag:s15] =	ssyncset.done $0x0  }
0x279: {  	s29 =	rddreg [dreg:$0x1c];
	[sflag:s15] =	ssyncadd.s32 $0xFFFFC000  }
0x27a: {  	[tilespmem:s8], [sflag:$0x4] =	stream.indirect.gather [hbm4b:s6+s5], $0x40, s29, s5, $0xb8;
	[tilespmem:$0x19200] =	vst v63  }
0x27b: {  	_ =	swait.ge [sflag:s13], $0x4000  }
0x27c: {  	[sflag:s13] =	ssyncset.done $0x0  }
0x27d: {  	s30 =	rddreg [dreg:$0x1d];
	[sflag:s13] =	ssyncadd.s32 $0xFFFFC000  }
0x27e: {  	[spmem:s3] =	stream.indirect.scatter.add.f32 [tilespmem:s7], [sflag:$0xA], $0x40, s30, s5, $0xb8;
	[tilespmem:$0x19200] =	vst v63  }
0x27f: {  	_ =	swait.ge [sflag:s12], $0x4000  }
0x280: {  	[sflag:s12] =	ssyncset.done $0x0  }
0x281: {  	s1 =	rddreg [dreg:$0x1e];
	[sflag:s12] =	ssyncadd.s32 $0xFFFFC000  }
0x282: {  	[tilespmem:s7], [sflag:$0x5] =	stream.indirect.gather [hbm4b:s6+s5], $0x40, s1, s5, $0xb8;
	[tilespmem:$0x19200] =	vst v63  }
0x283: {  	_ =	swait.ge [sflag:s22], $0x4000  }
0x284: {  	[sflag:s22] =	ssyncset.done $0x0  }
0x285: {  	s28 =	rddreg [dreg:$0x1f];
	[sflag:s22] =	ssyncadd.s32 $0xFFFFC000  }
0x286: {  	[spmem:s3] =	stream.indirect.scatter.add.f32 [tilespmem:s11], [sflag:$0x6], $0x40, s28, s5, $0xb8;
	[tilespmem:$0x19200] =	vst v63  }
0x287: {  	_ =	swait.ge [sflag:s20], $0x4000  }
0x288: {  	s29 =	sld [smem:$0x7EA]  }
0x289: {  	[sflag:s20] =	ssyncset.done $0x0  }
0x28a: {  	[sflag:s20] =	ssyncadd.s32 $0xFFFFC000  }
0x28b: {  	[tilespmem:s11], [sflag:$0x1] =	stream.indirect.gather [hbm4b:s6+s5], $0x40, s29, s5, $0xb8;
	[tilespmem:$0x19200] =	vst v63  }
0x28c: {  	_ =	swait.ge [sflag:s21], $0x4000  }
0x28d: {  	s30 =	sld [smem:$0x7EB]  }
0x28e: {  	[sflag:s21] =	ssyncset.done $0x0  }
0x28f: {  	[sflag:s21] =	ssyncadd.s32 $0xFFFFC000  }
0x290: {  	[spmem:s3] =	stream.indirect.scatter.add.f32 [tilespmem:s10], [sflag:$0x7], $0x40, s30, s5, $0xb8;
	[tilespmem:$0x19200] =	vst v63  }
0x291: {  	_ =	swait.ge [sflag:s18], $0x4000  }
0x292: {  	s1 =	sld [smem:$0x7EC]  }
0x293: {  	[sflag:s18] =	ssyncset.done $0x0  }
0x294: {  	[sflag:s18] =	ssyncadd.s32 $0xFFFFC000  }
0x295: {  	[tilespmem:s10], [sflag:$0x2] =	stream.indirect.gather [hbm4b:s6+s5], $0x40, s1, s5, $0xb8;
	[tilespmem:$0x19200] =	vst v63  }
0x296: {  	_ =	swait.ge [sflag:s19], $0x4000  }
0x297: {  	s28 =	sld [smem:$0x7ED]  }
0x298: {  	[sflag:s19] =	ssyncset.done $0x0  }
0x299: {  	[sflag:s19] =	ssyncadd.s32 $0xFFFFC000  }
0x29a: {  	[spmem:s3] =	stream.indirect.scatter.add.f32 [tilespmem:s9], [sflag:$0x8], $0x40, s28, s5, $0xb8;
	[tilespmem:$0x19200] =	vst v63  }
0x29b: {  	_ =	swait.ge [sflag:s16], $0x4000  }
0x29c: {  	s29 =	sld [smem:$0x7EE]  }
0x29d: {  	[sflag:s16] =	ssyncset.done $0x0  }
0x29e: {  	[sflag:s16] =	ssyncadd.s32 $0xFFFFC000  }
0x29f: {  	[tilespmem:s9], [sflag:$0x3] =	stream.indirect.gather [hbm4b:s6+s5], $0x40, s29, s5, $0xb8;
	[tilespmem:$0x19200] =	vst v63  }
0x2a0: {  	_ =	swait.ge [sflag:s17], $0x4000  }
0x2a1: {  	s30 =	sld [smem:$0x7EF]  }
0x2a2: {  	[sflag:s17] =	ssyncset.done $0x0  }
0x2a3: {  	[sflag:s17] =	ssyncadd.s32 $0xFFFFC000  }
0x2a4: {  	[spmem:s3] =	stream.indirect.scatter.add.f32 [tilespmem:s8], [sflag:$0x9], $0x40, s30, s5, $0xb8;
	[tilespmem:$0x19200] =	vst v63  }
0x2a5: {  	_ =	swait.ge [sflag:s15], $0x4000  }
0x2a6: {  	s1 =	sld [smem:$0x7F0]  }
0x2a7: {  	[sflag:s15] =	ssyncset.done $0x0  }
0x2a8: {  	[sflag:s15] =	ssyncadd.s32 $0xFFFFC000  }
0x2a9: {  	[tilespmem:s8], [sflag:$0x4] =	stream.indirect.gather [hbm4b:s6+s5], $0x40, s1, s5, $0xb8;
	[tilespmem:$0x19200] =	vst v63  }
0x2aa: {  	_ =	swait.ge [sflag:s13], $0x4000  }
0x2ab: {  	s28 =	sld [smem:$0x7F1]  }
0x2ac: {  	[sflag:s13] =	ssyncset.done $0x0  }
0x2ad: {  	[sflag:s13] =	ssyncadd.s32 $0xFFFFC000  }
0x2ae: {  	[spmem:s3] =	stream.indirect.scatter.add.f32 [tilespmem:s7], [sflag:$0xA], $0x40, s28, s5, $0xb8;
	[tilespmem:$0x19200] =	vst v63  }
0x2af: {  	_ =	swait.ge [sflag:s12], $0x4000  }
0x2b0: {  	s29 =	sld [smem:$0x7F2]  }
0x2b1: {  	[sflag:s12] =	ssyncset.done $0x0  }
0x2b2: {  	[sflag:s12] =	ssyncadd.s32 $0xFFFFC000  }
0x2b3: {  	[tilespmem:s7], [sflag:$0x5] =	stream.indirect.gather [hbm4b:s6+s5], $0x40, s29, s5, $0xb8;
	[tilespmem:$0x19200] =	vst v63  }
0x2b4: {  	_ =	swait.ge [sflag:s22], $0x4000  }
0x2b5: {  	s30 =	sld [smem:$0x7F3]  }
0x2b6: {  	[sflag:s22] =	ssyncset.done $0x0  }
0x2b7: {  	[sflag:s22] =	ssyncadd.s32 $0xFFFFC000  }
0x2b8: {  	[spmem:s3] =	stream.indirect.scatter.add.f32 [tilespmem:s11], [sflag:$0x6], $0x40, s30, s5, $0xb8;
	[tilespmem:$0x19200] =	vst v63  }
0x2b9: {  	_ =	swait.ge [sflag:s20], $0x4000  }
0x2ba: {  	s1 =	sld [smem:$0x7F4]  }
0x2bb: {  	[sflag:s20] =	ssyncset.done $0x0  }
0x2bc: {  	[sflag:s20] =	ssyncadd.s32 $0xFFFFC000  }
0x2bd: {  	[tilespmem:s11], [sflag:$0x1] =	stream.indirect.gather [hbm4b:s6+s5], $0x40, s1, s5, $0xb8;
	[tilespmem:$0x19200] =	vst v63  }
0x2be: {  	_ =	swait.ge [sflag:s21], $0x4000  }
0x2bf: {  	s28 =	sld [smem:$0x7F5]  }
0x2c0: {  	[sflag:s21] =	ssyncset.done $0x0  }
0x2c1: {  	[sflag:s21] =	ssyncadd.s32 $0xFFFFC000  }
0x2c2: {  	[spmem:s3] =	stream.indirect.scatter.add.f32 [tilespmem:s10], [sflag:$0x7], $0x40, s28, s5, $0xb8;
	[tilespmem:$0x19200] =	vst v63  }
0x2c3: {  	_ =	swait.ge [sflag:s18], $0x4000  }
0x2c4: {  	s29 =	sld [smem:$0x7F6]  }
0x2c5: {  	[sflag:s18] =	ssyncset.done $0x0  }
0x2c6: {  	[sflag:s18] =	ssyncadd.s32 $0xFFFFC000  }
0x2c7: {  	[tilespmem:s10], [sflag:$0x2] =	stream.indirect.gather [hbm4b:s6+s5], $0x40, s29, s5, $0xb8;
	[tilespmem:$0x19200] =	vst v63  }
0x2c8: {  	_ =	swait.ge [sflag:s19], $0x4000  }
0x2c9: {  	s30 =	sld [smem:$0x7F7]  }
0x2ca: {  	[sflag:s19] =	ssyncset.done $0x0  }
0x2cb: {  	[sflag:s19] =	ssyncadd.s32 $0xFFFFC000  }
0x2cc: {  	[spmem:s3] =	stream.indirect.scatter.add.f32 [tilespmem:s9], [sflag:$0x8], $0x40, s30, s5, $0xb8;
	[tilespmem:$0x19200] =	vst v63  }
0x2cd: {  	_ =	swait.ge [sflag:s16], $0x4000  }
0x2ce: {  	s1 =	sld [smem:$0x7F8]  }
0x2cf: {  	[sflag:s16] =	ssyncset.done $0x0  }
0x2d0: {  	[sflag:s16] =	ssyncadd.s32 $0xFFFFC000  }
0x2d1: {  	[tilespmem:s9], [sflag:$0x3] =	stream.indirect.gather [hbm4b:s6+s5], $0x40, s1, s5, $0xb8;
	[tilespmem:$0x19200] =	vst v63  }
0x2d2: {  	_ =	swait.ge [sflag:s17], $0x4000  }
0x2d3: {  	s28 =	sld [smem:$0x7F9]  }
0x2d4: {  	[sflag:s17] =	ssyncset.done $0x0  }
0x2d5: {  	[sflag:s17] =	ssyncadd.s32 $0xFFFFC000  }
0x2d6: {  	[spmem:s3] =	stream.indirect.scatter.add.f32 [tilespmem:s8], [sflag:$0x9], $0x40, s28, s5, $0xb8;
	[tilespmem:$0x19200] =	vst v63  }
0x2d7: {  	_ =	swait.ge [sflag:s15], $0x4000  }
0x2d8: {  	s29 =	sld [smem:$0x7FA]  }
0x2d9: {  	[sflag:s15] =	ssyncset.done $0x0  }
0x2da: {  	[sflag:s15] =	ssyncadd.s32 $0xFFFFC000  }
0x2db: {  	[tilespmem:s8], [sflag:$0x4] =	stream.indirect.gather [hbm4b:s6+s5], $0x40, s29, s5, $0xb8;
	[tilespmem:$0x19200] =	vst v63  }
0x2dc: {  	_ =	swait.ge [sflag:s13], $0x4000  }
0x2dd: {  	s30 =	sld [smem:$0x7FB]  }
0x2de: {  	[sflag:s13] =	ssyncset.done $0x0  }
0x2df: {  	[sflag:s13] =	ssyncadd.s32 $0xFFFFC000  }
0x2e0: {  	[spmem:s3] =	stream.indirect.scatter.add.f32 [tilespmem:s7], [sflag:$0xA], $0x40, s30, s5, $0xb8;
	[tilespmem:$0x19200] =	vst v63  }
0x2e1: {  	_ =	swait.ge [sflag:s12], $0x4000  }
0x2e2: {  	s1 =	sld [smem:$0x7FC]  }
0x2e3: {  	[sflag:s12] =	ssyncset.done $0x0  }
0x2e4: {  	[sflag:s12] =	ssyncadd.s32 $0xFFFFC000  }
0x2e5: {  	[tilespmem:s7], [sflag:$0x5] =	stream.indirect.gather [hbm4b:s6+s5], $0x40, s1, s5, $0xb8;
	[tilespmem:$0x19200] =	vst v63  }
0x2e6: {  	_ =	swait.ge [sflag:s22], $0x4000  }
0x2e7: {  	s6 =	sld [smem:$0x7FD]  }
0x2e8: {  	[sflag:s22] =	ssyncset.done $0x0  }
0x2e9: {  	[sflag:s22] =	ssyncadd.s32 $0xFFFFC000  }
0x2ea: {  	[spmem:s3] =	stream.indirect.scatter.add.f32 [tilespmem:s11], [sflag:$0x6], $0x40, s6, s5, $0xb8;
	[tilespmem:$0x19200] =	vst v63  }
0x2eb: {  	_ =	swait.ge [sflag:s20], $0x4000  }
0x2ec: {  	[sflag:s20] =	ssyncset.done $0x0  }
0x2ed: {  	[sflag:s20] =	ssyncadd.s32 $0xFFFFC000  }
0x2ee: {  	_ =	swait.ge [sflag:s21], $0x4000  }
0x2ef: {  	[sflag:s21] =	ssyncset.done $0x0  }
0x2f0: {  	[sflag:s21] =	ssyncadd.s32 $0xFFFFC000  }
0x2f1: {  	[spmem:s3] =	stream.indirect.scatter.add.f32 [tilespmem:s10], [sflag:$0x7], $0x40, s26, s5, $0xb8;
	[tilespmem:$0x19200] =	vst v63  }
0x2f2: {  	_ =	swait.ge [sflag:s18], $0x4000  }
0x2f3: {  	[sflag:s18] =	ssyncset.done $0x0  }
0x2f4: {  	[sflag:s18] =	ssyncadd.s32 $0xFFFFC000  }
0x2f5: {  	_ =	swait.ge [sflag:s19], $0x4000  }
0x2f6: {  	[sflag:s19] =	ssyncset.done $0x0  }
0x2f7: {  	[sflag:s19] =	ssyncadd.s32 $0xFFFFC000  }
0x2f8: {  	[spmem:s3] =	stream.indirect.scatter.add.f32 [tilespmem:s9], [sflag:$0x8], $0x40, s25, s5, $0xb8;
	[tilespmem:$0x19200] =	vst v63  }
0x2f9: {  	_ =	swait.ge [sflag:s16], $0x4000  }
0x2fa: {  	[sflag:s16] =	ssyncset.done $0x0  }
0x2fb: {  	[sflag:s16] =	ssyncadd.s32 $0xFFFFC000  }
0x2fc: {  	_ =	swait.ge [sflag:s17], $0x4000  }
0x2fd: {  	[sflag:s17] =	ssyncset.done $0x0  }
0x2fe: {  	[sflag:s17] =	ssyncadd.s32 $0xFFFFC000  }
0x2ff: {  	[spmem:s3] =	stream.indirect.scatter.add.f32 [tilespmem:s8], [sflag:$0x9], $0x40, s24, s5, $0xb8;
	[tilespmem:$0x19200] =	vst v63  }
0x300: {  	_ =	swait.ge [sflag:s15], $0x4000  }
0x301: {  	[sflag:s15] =	ssyncset.done $0x0  }
0x302: {  	[sflag:s15] =	ssyncadd.s32 $0xFFFFC000  }
0x303: {  	_ =	swait.ge [sflag:s13], $0x4000  }
0x304: {  	[sflag:s13] =	ssyncset.done $0x0  }
0x305: {  	s28 =	simm.s32 $0x3100;
	[sflag:s13] =	ssyncadd.s32 $0xFFFFC000  }
0x306: {  	[spmem:s3] =	stream.indirect.scatter.add.f32 [tilespmem:s7], [sflag:$0xA], $0x40, s28, s5, $0xb8;
	[tilespmem:$0x19200] =	vst v63  }
0x307: {  	_ =	swait.ge [sflag:s12], $0x4000  }
0x308: {  	[sflag:s12] =	ssyncset.done $0x0  }
0x309: {  	s30 =	sor.u32 $0x1C0B, s2;
	s29 =	rddreg [dreg:$0x7];
	[sflag:s12] =	ssyncadd.s32 $0xFFFFC000  }
0x30a: {  	[hbm:s29], [sflag:s30] =	dma.local [spmem:s4], $0x400  }
0x30b: {  	_ =	swait.ge [sflag:s14], $0x400  }
0x30c: {  	[sflag:s14] =	ssyncset.done $0x0  }
0x30d: {  	[sflag:s14] =	ssyncadd.s32 $0xFFFFFC00  }
0x30e: {  	_ =	sfence.sel $0x180000  }
0x30f: {  	[bflag:$0x0] =	sbarrier.arrive $0xFFFF  }
0x310: {  	p0 =	sne.s32 s23, $0x0;
	_ =	strace $0x9000004A  }
0x311: {  	s0 =	sadd.s32 @!p0 $0x100000, s31;
	[bflag:$0x2] =	sbarrier.arrive $0xFFFF  }
0x312: {  	[sflag:s0] =	ssyncadd.tile.s32 @!p0 $0x1;
	_ =	shalt  }
.LBB2_2:
.Ltmp3:
0x313: {  	(pc) =	sbr.rel .LBB2_5-.Ltmp3, $3  }
0x314: {  	_ =	sdelay $0x1  }
0x315: {  	s31 =	rddreg [dreg:$0x3]  }
0x316: {  	s23 =	stileid.u32;
	s2 =	sld [smem:$0x7E9]  }
.Lfunc_end2:
_tile_overlayer_lowered:
.L_overlay_start_2:
0x317: {  	(tag) =	ssettag $0x2  }
0x318: {  	s0 =	rddreg [dreg:$0x0];
	s2 =	stileid.u32  }
0x319: {  	s1 =	rddreg [dreg:$0x1];
	p0 =	sne.s32 s2, $0x0  }
0x31a: {  	s3 =	rddreg [dreg:$0x2];
	[bflag:$0x3] =	sbarrier.arrive $0xFFFF;
	s2 =	simm.s32 @!p0 $0x1C0C  }
0x31b: {  	[timem:s3], [sflag:s2] =	dma.local @!p0 [hbm:s0], s1  }
0x31c: {  	s0 =	simm.s32 @!p0 $0xC  }
0x31d: {  	_ =	swait.ge @!p0 [sflag:s0], s1  }
0x31e: {  	s1 =	ssub.s32 @!p0 $0x0, s1;
	[sflag:s0] =	ssyncset.done @!p0 $0x0  }
0x31f: {  	[sflag:s0] =	ssyncadd.s32 @!p0 s1  }
0x320: {  	[bflag:$0x3] =	sbarrier.arrive $0xFFFF  }
0x321: {  	_ =	shalt  }

</sc_bundles>
